<compile_context>
chip_gen: v7x
topology: tpu7x:2x2x1
jax: 0.10.2.dev20260603
libtpu: 0.0.44.dev20260713+nightly
codegen_flags: <defaults>
</compile_context>

<pallas_src>
import functools

import jax
import jax.numpy as jnp
from jax import lax
from jax.experimental import pallas as pl
from jax.experimental.pallas import tpu as pltpu
from jax.experimental.pallas import tpu_sc as plsc

NUM_SELECT = 1000
_NB = 20000
_NBP = 20480


def _softmax_thresh_body(logits_ref, probs_ref, xt_ref):
    C = logits_ref.shape[2]
    x = logits_ref[0]
    xt_ref[...] = jnp.swapaxes(x, 0, 1)

    m = xt_ref[0]
    for j in range(1, C):
        m = jnp.maximum(m, xt_ref[j])
    s = None
    for st in range(0, C, 13):
        g = jnp.exp(xt_ref[st] - m)
        for j in range(st + 1, min(st + 13, C)):
            g = g + jnp.exp(xt_ref[j] - m)
        s = g if s is None else s + g
    prob = jnp.exp(xt_ref[C - 1] - m) / s
    padded = jnp.pad(prob, (0, _NBP - _NB))
    probs_ref[...] = padded.reshape(1, 1, 1, _NBP)


def _softmax_thresh(logits):
    B, N, C = logits.shape
    nchunks = N // _NB
    return pl.pallas_call(
        _softmax_thresh_body,
        grid=(B, nchunks),
        in_specs=[pl.BlockSpec((1, _NB, C), lambda b, n: (b, n, 0))],
        out_specs=[
            pl.BlockSpec((1, 1, 1, _NBP), lambda b, n: (b, n, 0, 0)),
        ],
        out_shape=[
            jax.ShapeDtypeStruct((B, nchunks, 1, _NBP), jnp.float32),
        ],
        scratch_shapes=[
            pltpu.VMEM((C, _NB), jnp.float32),
        ],
        compiler_params=pltpu.CompilerParams(
            dimension_semantics=("parallel", "parallel")),
    )(logits)[0]


def _thresh_body(probs_ref, tbits_ref):
    u = pltpu.bitcast(probs_ref[...], jnp.int32)

    def step(i, t):
        cand = t | (1 << (30 - i))
        cnt = jnp.sum((u >= cand).astype(jnp.int32), axis=1, keepdims=True)
        return jnp.where(cnt >= NUM_SELECT, cand, t)

    t = jax.lax.fori_loop(0, 31, step, jnp.zeros((u.shape[0], 1), jnp.int32))
    tbits_ref[...] = jnp.broadcast_to(t[:, :, None], tbits_ref.shape)


def _thresh(probs_pad):
    B, NPAD = probs_pad.shape
    return pl.pallas_call(
        _thresh_body,
        out_shape=jax.ShapeDtypeStruct((B, 1, 128), jnp.int32),
    )(probs_pad)


_K = NUM_SELECT
_CAP = 1024
_BUF = 1056


def _sc_body(probs_hbm, tbits_hbm, boxes_hbm, scale_hbm, cls_hbm, lbl_hbm,
             out_hbm,
             prob_v, tb_v, scl_v, cls_v, lbl_v, box_v,
             ka, ia, kc, ic, hist, base, gidx, score, outv, tmp16, sem):
    wid = lax.axis_index("s") * 2 + lax.axis_index("c")

    @pl.when(wid < 16)
    def _():
        t = wid
        pltpu.sync_copy(probs_hbm.at[t], prob_v)
        box_cp = pltpu.async_copy(boxes_hbm.at[t], box_v, sem)
        pltpu.sync_copy(tbits_hbm.at[t], tb_v)
        pltpu.sync_copy(cls_hbm.at[t], cls_v)
        pltpu.sync_copy(lbl_hbm.at[t], lbl_v)
        pltpu.sync_copy(scale_hbm, scl_v)

        lanes = lax.iota(jnp.int32, 16)
        tvec = tb_v[pl.ds(0, 16)]

        def compact(i, off):
            u = plsc.bitcast(prob_v[pl.ds(i * 16, 16)], jnp.int32)
            m = u >= tvec
            ks = ~u
            idx = i * 16 + lanes

            @pl.when(off < _CAP - 16)
            def _():
                plsc.store_compressed(ka.at[pl.ds(off, 16)], ks, mask=m)
                plsc.store_compressed(ia.at[pl.ds(off, 16)], idx, mask=m)

            return off + jnp.max(plsc.all_reduce_population_count(m))

        off = lax.fori_loop(0, prob_v.shape[0] // 16, compact, jnp.int32(0))

        def sentinel(j, _):
            @pl.when(off + j * 16 < _CAP + 16)
            def _():
                ka[pl.ds(off + j * 16, 16)] = jnp.full((16,), -1, jnp.int32)
                ia[pl.ds(off + j * 16, 16)] = jnp.zeros((16,), jnp.int32)
            return 0

        lax.fori_loop(0, 4, sentinel, 0)

        for p in range(6):
            src_k, src_i = (ka, ia) if p % 2 == 0 else (kc, ic)
            dst_k, dst_i = (kc, ic) if p % 2 == 0 else (ka, ia)
            sh = 5 * p
            hist[pl.ds(0, 16)] = jnp.zeros((16,), jnp.int32)
            hist[pl.ds(16, 16)] = jnp.zeros((16,), jnp.int32)

            def histo(v, _, src_k=src_k, sh=sh):
                k = plsc.bitcast(src_k[pl.ds(v * 16, 16)], jnp.uint32)
                d = plsc.bitcast((k >> sh) & 31, jnp.int32)
                cnt, lastm = plsc.scan_count(d)
                plsc.addupdate_scatter(hist, [d], cnt, mask=lastm)
                return 0

            lax.fori_loop(0, _CAP // 16, histo, 0)
            h0 = hist[pl.ds(0, 16)]
            h1 = hist[pl.ds(16, 16)]
            e0 = plsc.cumsum(h0) - h0
            tot0 = jnp.max(plsc.cumsum(h0))
            e1 = plsc.cumsum(h1) - h1 + tot0
            base[pl.ds(0, 16)] = e0
            base[pl.ds(16, 16)] = e1

            def permute(v, _, src_k=src_k, src_i=src_i, dst_k=dst_k,
                        dst_i=dst_i, sh=sh):
                k = src_k[pl.ds(v * 16, 16)]
                i_ = src_i[pl.ds(v * 16, 16)]
                d = plsc.bitcast((plsc.bitcast(k, jnp.uint32) >> sh) & 31,
                                 jnp.int32)
                cnt, lastm = plsc.scan_count(d)
                pos = plsc.load_gather(base, [d]) + (cnt - 1)
                plsc.store_scatter(dst_k, [pos], k)
                plsc.store_scatter(dst_i, [pos], i_)
                plsc.addupdate_scatter(base, [d], cnt, mask=lastm)
                return 0

            lax.fori_loop(0, _CAP // 16, permute, 0)
        res_k, res_i = ka, ia

        def post(v, _):
            ks = res_k[pl.ds(v * 16, 16)]
            prob = plsc.bitcast(~ks, jnp.float32)
            score[pl.ds(v * 16, 16)] = prob
            pidx = res_i[pl.ds(v * 16, 16)]
            orig = pidx - jnp.where(pidx >= _NBP,
                                    jnp.full((16,), _NBP - _NB, jnp.int32),
                                    jnp.zeros((16,), jnp.int32))
            gidx[pl.ds(v * 16, 16)] = orig
            return 0

        lax.fori_loop(0, _CAP // 16, post, 0)

        cid = jnp.zeros((16,), jnp.int32)
        for j in range(3, -1, -1):
            cls = cls_v[pl.ds(j * 16, 16)]
            lbl = lbl_v[pl.ds(j * 16, 16)]
            ids = jnp.where(lbl == 1, cls, jnp.zeros((16,), jnp.int32))
            m = ids != 0
            ffs = plsc.all_reduce_ffs(m)
            tmp16[pl.ds(0, 16)] = ids
            val = plsc.load_gather(tmp16, [jnp.minimum(ffs, 15)])
            cid = jnp.where(ffs < 16, val, cid)
        cid_f = cid.astype(jnp.float32)

        box_cp.wait()

        sh_s = plsc.load_gather(scl_v, [jnp.zeros((16,), jnp.int32),
                                        jnp.full((16,), t, jnp.int32)])
        sw_s = plsc.load_gather(scl_v, [jnp.ones((16,), jnp.int32),
                                        jnp.full((16,), t, jnp.int32)])

        def assemble(v, _):
            flat = v * 16 + lanes
            q = flat // 6
            c = flat - q * 6
            sc_g = plsc.load_gather(score, [q])
            ca = (c - 2) & 1
            cb = ca + 2
            oq = plsc.load_gather(gidx, [q])
            g1 = plsc.load_gather(box_v, [oq * 4 + ca])
            g2 = plsc.load_gather(box_v, [oq * 4 + cb])
            sgn = jnp.where(c < 4, jnp.full((16,), -0.5, jnp.float32),
                            jnp.full((16,), 0.5, jnp.float32))
            scl_l = jnp.where(ca == 0, sw_s, sh_s)
            bx = (g1 + sgn * g2) * scl_l
            val = jnp.where(c == 0, sc_g, jnp.where(c == 1, cid_f, bx))
            outv[pl.ds(v * 16, 16)] = val
            return 0

        lax.fori_loop(0, (_K * 6) // 16, assemble, 0)
        pltpu.sync_copy(outv.at[pl.ds(0, _K * 6)],
                        out_hbm.at[pl.ds(t * (_K * 6), _K * 6)])


def _topk_sc(probs_pad, tbits, boxes_flat, scale_cols, classes_pad, labels_pad):
    B = probs_pad.shape[0]
    mesh = plsc.VectorSubcoreMesh(core_axis_name="c", subcore_axis_name="s")
    return pl.kernel(
        _sc_body,
        out_type=jax.ShapeDtypeStruct((B * _K * 6,), jnp.float32),
        mesh=mesh,
        compiler_params=pltpu.CompilerParams(needs_layout_passes=False),
        scratch_types=[
            pltpu.VMEM((probs_pad.shape[1],), jnp.float32),
            pltpu.VMEM((128,), jnp.int32),
            pltpu.VMEM((2, 16), jnp.float32),
            pltpu.VMEM((64,), jnp.int32),
            pltpu.VMEM((64,), jnp.int32),
            pltpu.VMEM((80000,), jnp.float32),
            pltpu.VMEM((_BUF,), jnp.int32),
            pltpu.VMEM((_BUF,), jnp.int32),
            pltpu.VMEM((_CAP,), jnp.int32),
            pltpu.VMEM((_CAP,), jnp.int32),
            pltpu.VMEM((32,), jnp.int32),
            pltpu.VMEM((32,), jnp.int32),
            pltpu.VMEM((_CAP,), jnp.int32),
            pltpu.VMEM((_CAP,), jnp.float32),
            pltpu.VMEM((_K * 6 + 96,), jnp.float32),
            pltpu.VMEM((16,), jnp.int32),
            pltpu.SemaphoreType.DMA,
        ],
    )(probs_pad, tbits, boxes_flat, scale_cols, classes_pad, labels_pad)


def kernel(pred_class_logits, pred_sim_logits, pred_boxes, orig_size, classes, labels):
    del pred_sim_logits
    B, N, C = pred_class_logits.shape
    probs_pad = _softmax_thresh(pred_class_logits)
    probs_pad = probs_pad.reshape(B, -1)
    tbits = _thresh(probs_pad).reshape(B, 128)

    boxes_flat = pred_boxes.reshape(B, N * 4)
    scale_cols = jnp.stack([orig_size[:, 0], orig_size[:, 1]], axis=0).astype(jnp.float32)
    classes_pad = jnp.pad(classes, ((0, 0), (0, 64 - classes.shape[1])))
    labels_pad = jnp.pad(labels, ((0, 0), (0, 64 - labels.shape[1])))

    out = _topk_sc(probs_pad, tbits, boxes_flat, scale_cols, classes_pad, labels_pad)
    return out.reshape(B, _K, 6)

# --- scband reference (transcript-rebuilt; emitter-appended) ---
"""Pipeline reference for scband-post-processor-10325101379678 (READ-ONLY COPY).

The authoritative reference and input builder live on the scoring server;
editing this copy changes nothing except your own understanding.
"""

import jax, jax.numpy as jnp
import numpy as np

NUM_SELECT = 1000


def box_cxcywh_to_xyxy(b):
    cx, cy, w, h = b[..., 0], b[..., 1], b[..., 2], b[..., 3]
    return jnp.stack([cx - 0.5 * w, cy - 0.5 * h, cx + 0.5 * w, cy + 0.5 * h], axis=-1)


def setup_inputs(seed: int = 0) -> dict:
    key = jax.random.key(seed)
    k1, k2, k3, k4, k5, k6 = jax.random.split(key, 6)
    B, N, C = 16, 20000, 91
    return {
        "pred_class_logits": jax.random.normal(k1, (B, N, C), dtype=jnp.float32),
        "pred_sim_logits": jax.random.normal(k2, (B, N, C), dtype=jnp.float32),
        "pred_boxes": jax.random.uniform(k3, (B, N, 4), dtype=jnp.float32),
        "orig_size": jax.random.randint(k4, (B, 2), 0, 1333, dtype=jnp.int64 if jax.config.jax_enable_x64 else jnp.int32),
        "classes": jax.random.randint(k5, (B, 50), 0, 91, dtype=jnp.int64 if jax.config.jax_enable_x64 else jnp.int32),
        "labels": jax.random.randint(k6, (B, 50), 0, 2, dtype=jnp.int64 if jax.config.jax_enable_x64 else jnp.int32),
    }


def _first_class_id(clas, lbl):
    # ids = where(lbl == 1, clas, 0); pick first nonzero, else 0
    ids = jnp.where(lbl == 1, clas, jnp.zeros_like(clas))
    mask = ids != 0
    has_nonzero = jnp.any(mask)
    first_idx = jnp.argmax(mask)
    return jnp.where(has_nonzero, ids[first_idx], jnp.zeros((), dtype=ids.dtype))


def reference(pred_class_logits, pred_sim_logits, pred_boxes, orig_size, classes, labels):
    # class id per image: first nonzero class where label == 1 (else 0)
    class_ids = jax.vmap(_first_class_id)(classes, labels)
    # objectness prob = softmax over classes, last channel
    prob = jax.nn.softmax(pred_class_logits, axis=-1)[..., -1]
    topk_values, topk_indexes = jax.lax.top_k(prob, NUM_SELECT)
    lab = jnp.ones_like(topk_values) * class_ids[:, None].astype(jnp.float32)
    boxes = jnp.take_along_axis(pred_boxes, topk_indexes[:, :, None], axis=1)
    boxes = box_cxcywh_to_xyxy(boxes)
    scores = topk_values
    img_h, img_w = orig_size[:, 0], orig_size[:, 1]
    scale_fct = jnp.stack([img_w, img_h, img_w, img_h], axis=1).astype(jnp.float32)
    boxes = boxes * scale_fct[:, None, :]
    # results packed as a single tensor: [scores, labels, boxes_xyxy] -> [B, K, 6]
    return jnp.concatenate([scores[..., None], lab[..., None], boxes], axis=-1)

if __name__ == "__main__":
    import jax
    _d = setup_inputs()
    print(jax.jit(kernel)(*tuple(_d.values())))

</pallas_src>

<mosaic_0001>
#map = affine_map<(d0, d1) -> (0, 0)>
#map1 = affine_map<(d0, d1) -> (0)>
module attributes {stable_mosaic.version = 14 : i64} {
  func.func @_sc_body(%arg0: i32, %arg1: i32, %arg2: memref<16x20480xf32, #tpu.memory_space<hbm>>, %arg3: memref<16x128xi32, #tpu.memory_space<hbm>>, %arg4: memref<16x80000xf32, #tpu.memory_space<hbm>>, %arg5: memref<2x16xf32, #tpu.memory_space<hbm>>, %arg6: memref<16x64xi32, #tpu.memory_space<hbm>>, %arg7: memref<16x64xi32, #tpu.memory_space<hbm>>, %arg8: memref<96000xf32, #tpu.memory_space<hbm>>, %arg9: memref<20480xf32, #tpu.memory_space<vmem>>, %arg10: memref<128xi32, #tpu.memory_space<vmem>>, %arg11: memref<2x16xf32, #tpu.memory_space<vmem>>, %arg12: memref<64xi32, #tpu.memory_space<vmem>>, %arg13: memref<64xi32, #tpu.memory_space<vmem>>, %arg14: memref<80000xf32, #tpu.memory_space<vmem>>, %arg15: memref<1056xi32, #tpu.memory_space<vmem>>, %arg16: memref<1056xi32, #tpu.memory_space<vmem>>, %arg17: memref<1024xi32, #tpu.memory_space<vmem>>, %arg18: memref<1024xi32, #tpu.memory_space<vmem>>, %arg19: memref<32xi32, #tpu.memory_space<vmem>>, %arg20: memref<32xi32, #tpu.memory_space<vmem>>, %arg21: memref<1024xi32, #tpu.memory_space<vmem>>, %arg22: memref<1024xf32, #tpu.memory_space<vmem>>, %arg23: memref<6096xf32, #tpu.memory_space<vmem>>, %arg24: memref<16xi32, #tpu.memory_space<vmem>>, %arg25: memref<!tpu.dma_semaphore, #tpu.memory_space<semaphore_mem>>) attributes {dimension_semantics = [#tpu.dimension_semantics<core_parallel>, #tpu.dimension_semantics<subcore_parallel>], iteration_bounds = array<i64: 2, 16>, scalar_prefetch = 0 : i64, scratch_operands = 17 : i64, tpu.core_type = #tpu.core_type<sc_vector_subcore>, window_params = [{transform_indices = #map}, {transform_indices = #map}, {transform_indices = #map}, {transform_indices = #map}, {transform_indices = #map}, {transform_indices = #map}, {transform_indices = #map1}]} {
    %mul3A = arith.constant 2 : i32
    %mul3A_0 = arith.muli %arg1, %mul3A : i32
    %add3A = arith.addi %mul3A_0, %arg0 : i32
    %lt3A = arith.constant 16 : i32
    %lt3A_1 = arith.cmpi slt, %add3A, %lt3A : i32
    %convert_element_type3A = arith.extui %lt3A_1 : i1 to i32
    %cond3A = arith.constant 0 : i32
    %cond3A_2 = arith.cmpi ne, %convert_element_type3A, %cond3A : i32
    scf.if %cond3A_2 {
      "tpu.region"() ({
        %run_scoped3A = tpu.sem_alloc : memref<!tpu.dma_semaphore, #tpu.memory_space<semaphore_mem>>
        %dma_start3A_445 = arith.constant 0 : i32
        %dma_start3A_446 = tpu.memref_slice %arg2[%add3A, %dma_start3A_445] : memref<16x20480xf32, #tpu.memory_space<hbm>> -> memref<1x20480xf32, #tpu.memory_space<hbm>>
        %dma_start3A_447 = tpu.memref_squeeze %dma_start3A_446 : memref<1x20480xf32, #tpu.memory_space<hbm>> -> memref<20480xf32, #tpu.memory_space<hbm>>
        %dma_start3A_448 = arith.constant 0 : i32
        %dma_start3A_449 = tpu.memref_slice %arg2[%add3A, %dma_start3A_448] : memref<16x20480xf32, #tpu.memory_space<hbm>> -> memref<1x20480xf32, #tpu.memory_space<hbm>>
        %dma_start3A_450 = tpu.memref_squeeze %dma_start3A_449 : memref<1x20480xf32, #tpu.memory_space<hbm>> -> memref<20480xf32, #tpu.memory_space<hbm>>
        tpu.enqueue_dma source(%dma_start3A_450 : memref<20480xf32, #tpu.memory_space<hbm>>) target(%arg9 : memref<20480xf32, #tpu.memory_space<vmem>>) target_semaphore(%run_scoped3A : memref<!tpu.dma_semaphore, #tpu.memory_space<semaphore_mem>>)
        %dma_wait3A_451 = arith.constant 0 : i32
        %dma_wait3A_452 = tpu.memref_slice %arg2[%add3A, %dma_wait3A_451] : memref<16x20480xf32, #tpu.memory_space<hbm>> -> memref<1x20480xf32, #tpu.memory_space<hbm>>
        %dma_wait3A_453 = tpu.memref_squeeze %dma_wait3A_452 : memref<1x20480xf32, #tpu.memory_space<hbm>> -> memref<20480xf32, #tpu.memory_space<hbm>>
        %dma_wait3A_454 = arith.constant 0 : i32
        %dma_wait3A_455 = tpu.memref_slice %arg2[%add3A, %dma_wait3A_454] : memref<16x20480xf32, #tpu.memory_space<hbm>> -> memref<1x20480xf32, #tpu.memory_space<hbm>>
        %dma_wait3A_456 = tpu.memref_squeeze %dma_wait3A_455 : memref<1x20480xf32, #tpu.memory_space<hbm>> -> memref<20480xf32, #tpu.memory_space<hbm>>
        tpu.wait_dma2 semaphore(%run_scoped3A : memref<!tpu.dma_semaphore, #tpu.memory_space<semaphore_mem>>) src(%dma_wait3A_456 : memref<20480xf32, #tpu.memory_space<hbm>>) dst(%arg9 : memref<20480xf32, #tpu.memory_space<vmem>>)
        tpu.yield
      }) : () -> ()
      %dma_start3A = arith.constant 0 : i32
      %dma_start3A_3 = tpu.memref_slice %arg4[%add3A, %dma_start3A] : memref<16x80000xf32, #tpu.memory_space<hbm>> -> memref<1x80000xf32, #tpu.memory_space<hbm>>
      %dma_start3A_4 = tpu.memref_squeeze %dma_start3A_3 : memref<1x80000xf32, #tpu.memory_space<hbm>> -> memref<80000xf32, #tpu.memory_space<hbm>>
      %dma_start3A_5 = arith.constant 0 : i32
      %dma_start3A_6 = tpu.memref_slice %arg4[%add3A, %dma_start3A_5] : memref<16x80000xf32, #tpu.memory_space<hbm>> -> memref<1x80000xf32, #tpu.memory_space<hbm>>
      %dma_start3A_7 = tpu.memref_squeeze %dma_start3A_6 : memref<1x80000xf32, #tpu.memory_space<hbm>> -> memref<80000xf32, #tpu.memory_space<hbm>>
      tpu.enqueue_dma source(%dma_start3A_7 : memref<80000xf32, #tpu.memory_space<hbm>>) target(%arg14 : memref<80000xf32, #tpu.memory_space<vmem>>) target_semaphore(%arg25 : memref<!tpu.dma_semaphore, #tpu.memory_space<semaphore_mem>>)
      "tpu.region"() ({
        %run_scoped3A = tpu.sem_alloc : memref<!tpu.dma_semaphore, #tpu.memory_space<semaphore_mem>>
        %dma_start3A_445 = arith.constant 0 : i32
        %dma_start3A_446 = tpu.memref_slice %arg3[%add3A, %dma_start3A_445] : memref<16x128xi32, #tpu.memory_space<hbm>> -> memref<1x128xi32, #tpu.memory_space<hbm>>
        %dma_start3A_447 = tpu.memref_squeeze %dma_start3A_446 : memref<1x128xi32, #tpu.memory_space<hbm>> -> memref<128xi32, #tpu.memory_space<hbm>>
        %dma_start3A_448 = arith.constant 0 : i32
        %dma_start3A_449 = tpu.memref_slice %arg3[%add3A, %dma_start3A_448] : memref<16x128xi32, #tpu.memory_space<hbm>> -> memref<1x128xi32, #tpu.memory_space<hbm>>
        %dma_start3A_450 = tpu.memref_squeeze %dma_start3A_449 : memref<1x128xi32, #tpu.memory_space<hbm>> -> memref<128xi32, #tpu.memory_space<hbm>>
        tpu.enqueue_dma source(%dma_start3A_450 : memref<128xi32, #tpu.memory_space<hbm>>) target(%arg10 : memref<128xi32, #tpu.memory_space<vmem>>) target_semaphore(%run_scoped3A : memref<!tpu.dma_semaphore, #tpu.memory_space<semaphore_mem>>)
        %dma_wait3A_451 = arith.constant 0 : i32
        %dma_wait3A_452 = tpu.memref_slice %arg3[%add3A, %dma_wait3A_451] : memref<16x128xi32, #tpu.memory_space<hbm>> -> memref<1x128xi32, #tpu.memory_space<hbm>>
        %dma_wait3A_453 = tpu.memref_squeeze %dma_wait3A_452 : memref<1x128xi32, #tpu.memory_space<hbm>> -> memref<128xi32, #tpu.memory_space<hbm>>
        %dma_wait3A_454 = arith.constant 0 : i32
        %dma_wait3A_455 = tpu.memref_slice %arg3[%add3A, %dma_wait3A_454] : memref<16x128xi32, #tpu.memory_space<hbm>> -> memref<1x128xi32, #tpu.memory_space<hbm>>
        %dma_wait3A_456 = tpu.memref_squeeze %dma_wait3A_455 : memref<1x128xi32, #tpu.memory_space<hbm>> -> memref<128xi32, #tpu.memory_space<hbm>>
        tpu.wait_dma2 semaphore(%run_scoped3A : memref<!tpu.dma_semaphore, #tpu.memory_space<semaphore_mem>>) src(%dma_wait3A_456 : memref<128xi32, #tpu.memory_space<hbm>>) dst(%arg10 : memref<128xi32, #tpu.memory_space<vmem>>)
        tpu.yield
      }) : () -> ()
      "tpu.region"() ({
        %run_scoped3A = tpu.sem_alloc : memref<!tpu.dma_semaphore, #tpu.memory_space<semaphore_mem>>
        %dma_start3A_445 = arith.constant 0 : i32
        %dma_start3A_446 = tpu.memref_slice %arg6[%add3A, %dma_start3A_445] : memref<16x64xi32, #tpu.memory_space<hbm>> -> memref<1x64xi32, #tpu.memory_space<hbm>>
        %dma_start3A_447 = tpu.memref_squeeze %dma_start3A_446 : memref<1x64xi32, #tpu.memory_space<hbm>> -> memref<64xi32, #tpu.memory_space<hbm>>
        %dma_start3A_448 = arith.constant 0 : i32
        %dma_start3A_449 = tpu.memref_slice %arg6[%add3A, %dma_start3A_448] : memref<16x64xi32, #tpu.memory_space<hbm>> -> memref<1x64xi32, #tpu.memory_space<hbm>>
        %dma_start3A_450 = tpu.memref_squeeze %dma_start3A_449 : memref<1x64xi32, #tpu.memory_space<hbm>> -> memref<64xi32, #tpu.memory_space<hbm>>
        tpu.enqueue_dma source(%dma_start3A_450 : memref<64xi32, #tpu.memory_space<hbm>>) target(%arg12 : memref<64xi32, #tpu.memory_space<vmem>>) target_semaphore(%run_scoped3A : memref<!tpu.dma_semaphore, #tpu.memory_space<semaphore_mem>>)
        %dma_wait3A_451 = arith.constant 0 : i32
        %dma_wait3A_452 = tpu.memref_slice %arg6[%add3A, %dma_wait3A_451] : memref<16x64xi32, #tpu.memory_space<hbm>> -> memref<1x64xi32, #tpu.memory_space<hbm>>
        %dma_wait3A_453 = tpu.memref_squeeze %dma_wait3A_452 : memref<1x64xi32, #tpu.memory_space<hbm>> -> memref<64xi32, #tpu.memory_space<hbm>>
        %dma_wait3A_454 = arith.constant 0 : i32
        %dma_wait3A_455 = tpu.memref_slice %arg6[%add3A, %dma_wait3A_454] : memref<16x64xi32, #tpu.memory_space<hbm>> -> memref<1x64xi32, #tpu.memory_space<hbm>>
        %dma_wait3A_456 = tpu.memref_squeeze %dma_wait3A_455 : memref<1x64xi32, #tpu.memory_space<hbm>> -> memref<64xi32, #tpu.memory_space<hbm>>
        tpu.wait_dma2 semaphore(%run_scoped3A : memref<!tpu.dma_semaphore, #tpu.memory_space<semaphore_mem>>) src(%dma_wait3A_456 : memref<64xi32, #tpu.memory_space<hbm>>) dst(%arg12 : memref<64xi32, #tpu.memory_space<vmem>>)
        tpu.yield
      }) : () -> ()
      "tpu.region"() ({
        %run_scoped3A = tpu.sem_alloc : memref<!tpu.dma_semaphore, #tpu.memory_space<semaphore_mem>>
        %dma_start3A_445 = arith.constant 0 : i32
        %dma_start3A_446 = tpu.memref_slice %arg7[%add3A, %dma_start3A_445] : memref<16x64xi32, #tpu.memory_space<hbm>> -> memref<1x64xi32, #tpu.memory_space<hbm>>
        %dma_start3A_447 = tpu.memref_squeeze %dma_start3A_446 : memref<1x64xi32, #tpu.memory_space<hbm>> -> memref<64xi32, #tpu.memory_space<hbm>>
        %dma_start3A_448 = arith.constant 0 : i32
        %dma_start3A_449 = tpu.memref_slice %arg7[%add3A, %dma_start3A_448] : memref<16x64xi32, #tpu.memory_space<hbm>> -> memref<1x64xi32, #tpu.memory_space<hbm>>
        %dma_start3A_450 = tpu.memref_squeeze %dma_start3A_449 : memref<1x64xi32, #tpu.memory_space<hbm>> -> memref<64xi32, #tpu.memory_space<hbm>>
        tpu.enqueue_dma source(%dma_start3A_450 : memref<64xi32, #tpu.memory_space<hbm>>) target(%arg13 : memref<64xi32, #tpu.memory_space<vmem>>) target_semaphore(%run_scoped3A : memref<!tpu.dma_semaphore, #tpu.memory_space<semaphore_mem>>)
        %dma_wait3A_451 = arith.constant 0 : i32
        %dma_wait3A_452 = tpu.memref_slice %arg7[%add3A, %dma_wait3A_451] : memref<16x64xi32, #tpu.memory_space<hbm>> -> memref<1x64xi32, #tpu.memory_space<hbm>>
        %dma_wait3A_453 = tpu.memref_squeeze %dma_wait3A_452 : memref<1x64xi32, #tpu.memory_space<hbm>> -> memref<64xi32, #tpu.memory_space<hbm>>
        %dma_wait3A_454 = arith.constant 0 : i32
        %dma_wait3A_455 = tpu.memref_slice %arg7[%add3A, %dma_wait3A_454] : memref<16x64xi32, #tpu.memory_space<hbm>> -> memref<1x64xi32, #tpu.memory_space<hbm>>
        %dma_wait3A_456 = tpu.memref_squeeze %dma_wait3A_455 : memref<1x64xi32, #tpu.memory_space<hbm>> -> memref<64xi32, #tpu.memory_space<hbm>>
        tpu.wait_dma2 semaphore(%run_scoped3A : memref<!tpu.dma_semaphore, #tpu.memory_space<semaphore_mem>>) src(%dma_wait3A_456 : memref<64xi32, #tpu.memory_space<hbm>>) dst(%arg13 : memref<64xi32, #tpu.memory_space<vmem>>)
        tpu.yield
      }) : () -> ()
      "tpu.region"() ({
        %run_scoped3A = tpu.sem_alloc : memref<!tpu.dma_semaphore, #tpu.memory_space<semaphore_mem>>
        tpu.enqueue_dma source(%arg5 : memref<2x16xf32, #tpu.memory_space<hbm>>) target(%arg11 : memref<2x16xf32, #tpu.memory_space<vmem>>) target_semaphore(%run_scoped3A : memref<!tpu.dma_semaphore, #tpu.memory_space<semaphore_mem>>)
        tpu.wait_dma2 semaphore(%run_scoped3A : memref<!tpu.dma_semaphore, #tpu.memory_space<semaphore_mem>>) src(%arg5 : memref<2x16xf32, #tpu.memory_space<hbm>>) dst(%arg11 : memref<2x16xf32, #tpu.memory_space<vmem>>)
        tpu.yield
      }) : () -> ()
      %iota3A = tpu.iota {dimensions = array<i32: 0>} : vector<16xi32>
      %get3A = arith.constant 0 : index
      %get3A_8 = tpu.vector_load %arg10[%get3A] {strides = array<i32>} : memref<128xi32, #tpu.memory_space<vmem>>, vector<16xi32>,
      %scan3A = arith.constant 0 : i32
      %scan3A_9 = arith.constant 0 : i32
      %scan3A_10 = arith.constant 1280 : i32
      %scan3A_11 = arith.addi %scan3A_9, %scan3A_10 : i32
      %scan3A_12 = arith.constant 1 : i32
      %scan3A_13 = scf.for %scan3A_445 = %scan3A_9 to %scan3A_11 step %scan3A_12 iter_args(%scan3A_446 = %scan3A) -> (i32)  : i32 {
        %mul3A_447 = arith.constant 16 : i32
        %mul3A_448 = arith.muli %scan3A_445, %mul3A_447 : i32
        %get3A_449 = arith.index_cast %mul3A_448 : i32 to index
        %get3A_450 = tpu.vector_load %arg9[%get3A_449] {strides = array<i32>} : memref<20480xf32, #tpu.memory_space<vmem>>, vector<16xf32>,
        %bitcast3A = vector.bitcast %get3A_450 : vector<16xf32> to vector<16xi32>
        %ge3A = arith.cmpi sge, %bitcast3A, %get3A_8 : vector<16xi32>
        %not3A = arith.constant dense<-1> : vector<16xi32>
        %not3A_451 = arith.xori %bitcast3A, %not3A : vector<16xi32>
        %mul3A_452 = arith.constant 16 : i32
        %mul3A_453 = arith.muli %scan3A_445, %mul3A_452 : i32
        %add3A_454 = vector.broadcast %mul3A_453 : i32 to vector<16xi32>
        %add3A_455 = arith.addi %add3A_454, %iota3A : vector<16xi32>
        %lt3A_456 = arith.constant 1008 : i32
        %lt3A_457 = arith.cmpi slt, %scan3A_446, %lt3A_456 : i32
        %convert_element_type3A_458 = arith.extui %lt3A_457 : i1 to i32
        %cond3A_459 = arith.constant 0 : i32
        %cond3A_460 = arith.cmpi ne, %convert_element_type3A_458, %cond3A_459 : i32
        scf.if %cond3A_460 {
          %swap3A_470 = arith.index_cast %scan3A_446 : i32 to index
          %swap3A_471 = tpu.vector_load %arg15[%swap3A_470] masked %ge3A {strides = array<i32>} : memref<1056xi32, #tpu.memory_space<vmem>>, vector<16xi32>, vector<16xi1>
          tpu.vector_store %arg15[%swap3A_470], %not3A_451 masked %ge3A {strides = array<i32>} : memref<1056xi32, #tpu.memory_space<vmem>>, vector<16xi32>, vector<16xi1>
          %swap3A_472 = arith.index_cast %scan3A_446 : i32 to index
          %swap3A_473 = tpu.vector_load %arg16[%swap3A_472] masked %ge3A {strides = array<i32>} : memref<1056xi32, #tpu.memory_space<vmem>>, vector<16xi32>, vector<16xi1>
          tpu.vector_store %arg16[%swap3A_472], %add3A_455 masked %ge3A {strides = array<i32>} : memref<1056xi32, #tpu.memory_space<vmem>>, vector<16xi32>, vector<16xi1>
        } else {
        }
        %all_reduce_population_count3A = tpu.all_reduce %ge3A {dim = 0 : i64, kind = #tpu.reduction_kind<sum>} : vector<16xi1> -> vector<16xi32>
        %reduce_max3A_461 = arith.constant true
        %reduce_max3A_462 = vector.broadcast %reduce_max3A_461 : i1 to vector<16xi1>
        %reduce_max3A_463 = arith.constant -2147483648 : i32
        %reduce_max3A_464 = vector.broadcast %reduce_max3A_463 : i32 to vector<16xi32>
        %reduce_max3A_465 = arith.xori %all_reduce_population_count3A, %reduce_max3A_464 : vector<16xi32>
        %reduce_max3A_466 = tpu.scan <max>, %reduce_max3A_465 masked %reduce_max3A_462 : vector<16xi32>, vector<16xi1> -> vector<16xi32>
        %reduce_max3A_467 = arith.xori %reduce_max3A_466, %reduce_max3A_464 : vector<16xi32>
        %reduce_max3A_468 = vector.extract %reduce_max3A_467[15] : i32 from vector<16xi32>
        %add3A_469 = arith.addi %scan3A_446, %reduce_max3A_468 : i32
        scf.yield %add3A_469 : i32
      }
      %scan3A_14 = arith.constant 1280 : i32
      %scan3A_15 = arith.constant 0 : i32
      %scan3A_16 = arith.constant 0 : i32
      %scan3A_17 = arith.constant 4 : i32
      %scan3A_18 = arith.addi %scan3A_16, %scan3A_17 : i32
      %scan3A_19 = arith.constant 1 : i32
      %scan3A_20 = scf.for %scan3A_445 = %scan3A_16 to %scan3A_18 step %scan3A_19 iter_args(%scan3A_446 = %scan3A_15) -> (i32)  : i32 {
        %mul3A_447 = arith.constant 16 : i32
        %mul3A_448 = arith.muli %scan3A_445, %mul3A_447 : i32
        %add3A_449 = arith.addi %scan3A_13, %mul3A_448 : i32
        %lt3A_450 = arith.constant 1040 : i32
        %lt3A_451 = arith.cmpi slt, %add3A_449, %lt3A_450 : i32
        %convert_element_type3A_452 = arith.extui %lt3A_451 : i1 to i32
        %cond3A_453 = arith.constant 0 : i32
        %cond3A_454 = arith.cmpi ne, %convert_element_type3A_452, %cond3A_453 : i32
        scf.if %cond3A_454 {
          %broadcast_in_dim3A_456 = arith.constant -1 : i32
          %broadcast_in_dim3A_457 = vector.broadcast %broadcast_in_dim3A_456 : i32 to vector<16xi32>
          %mul3A_458 = arith.constant 16 : i32
          %mul3A_459 = arith.muli %scan3A_445, %mul3A_458 : i32
          %add3A_460 = arith.addi %scan3A_13, %mul3A_459 : i32
          %swap3A_461 = arith.index_cast %add3A_460 : i32 to index
          %swap3A_462 = tpu.vector_load %arg15[%swap3A_461] {strides = array<i32>} : memref<1056xi32, #tpu.memory_space<vmem>>, vector<16xi32>,
          tpu.vector_store %arg15[%swap3A_461], %broadcast_in_dim3A_457 {strides = array<i32>} : memref<1056xi32, #tpu.memory_space<vmem>>, vector<16xi32>,
          %broadcast_in_dim3A_463 = arith.constant 0 : i32
          %broadcast_in_dim3A_464 = vector.broadcast %broadcast_in_dim3A_463 : i32 to vector<16xi32>
          %mul3A_465 = arith.constant 16 : i32
          %mul3A_466 = arith.muli %scan3A_445, %mul3A_465 : i32
          %add3A_467 = arith.addi %scan3A_13, %mul3A_466 : i32
          %swap3A_468 = arith.index_cast %add3A_467 : i32 to index
          %swap3A_469 = tpu.vector_load %arg16[%swap3A_468] {strides = array<i32>} : memref<1056xi32, #tpu.memory_space<vmem>>, vector<16xi32>,
          tpu.vector_store %arg16[%swap3A_468], %broadcast_in_dim3A_464 {strides = array<i32>} : memref<1056xi32, #tpu.memory_space<vmem>>, vector<16xi32>,
        } else {
        }
        %scan3A_455 = arith.constant 0 : i32
        scf.yield %scan3A_455 : i32
      }
      %scan3A_21 = arith.constant 4 : i32
      %broadcast_in_dim3A = arith.constant 0 : i32
      %broadcast_in_dim3A_22 = vector.broadcast %broadcast_in_dim3A : i32 to vector<16xi32>
      %swap3A = arith.constant 0 : index
      %swap3A_23 = tpu.vector_load %arg19[%swap3A] {strides = array<i32>} : memref<32xi32, #tpu.memory_space<vmem>>, vector<16xi32>,
      tpu.vector_store %arg19[%swap3A], %broadcast_in_dim3A_22 {strides = array<i32>} : memref<32xi32, #tpu.memory_space<vmem>>, vector<16xi32>,
      %broadcast_in_dim3A_24 = arith.constant 0 : i32
      %broadcast_in_dim3A_25 = vector.broadcast %broadcast_in_dim3A_24 : i32 to vector<16xi32>
      %swap3A_26 = arith.constant 16 : index
      %swap3A_27 = tpu.vector_load %arg19[%swap3A_26] {strides = array<i32>} : memref<32xi32, #tpu.memory_space<vmem>>, vector<16xi32>,
      tpu.vector_store %arg19[%swap3A_26], %broadcast_in_dim3A_25 {strides = array<i32>} : memref<32xi32, #tpu.memory_space<vmem>>, vector<16xi32>,
      %scan3A_28 = arith.constant 0 : i32
      %scan3A_29 = arith.constant 0 : i32
      %scan3A_30 = arith.constant 64 : i32
      %scan3A_31 = arith.addi %scan3A_29, %scan3A_30 : i32
      %scan3A_32 = arith.constant 1 : i32
      %scan3A_33 = scf.for %scan3A_445 = %scan3A_29 to %scan3A_31 step %scan3A_32 iter_args(%scan3A_446 = %scan3A_28) -> (i32)  : i32 {
        %mul3A_447 = arith.constant 16 : i32
        %mul3A_448 = arith.muli %scan3A_445, %mul3A_447 : i32
        %get3A_449 = arith.index_cast %mul3A_448 : i32 to index
        %get3A_450 = tpu.vector_load %arg15[%get3A_449] {strides = array<i32>} : memref<1056xi32, #tpu.memory_space<vmem>>, vector<16xi32>,
        %bitcast3A = vector.bitcast %get3A_450 : vector<16xi32> to vector<16xi32>
        %shift_right_logical3A = arith.constant 0 : i32
        %shift_right_logical3A_451 = vector.broadcast %shift_right_logical3A : i32 to vector<16xi32>
        %shift_right_logical3A_452 = arith.shrui %bitcast3A, %shift_right_logical3A_451 : vector<16xi32>
        %and3A = arith.constant 31 : i32
        %and3A_453 = vector.broadcast %and3A : i32 to vector<16xi32>
        %and3A_454 = arith.andi %shift_right_logical3A_452, %and3A_453 : vector<16xi32>
        %bitcast3A_455 = vector.bitcast %and3A_454 : vector<16xi32> to vector<16xi32>
        %broadcast_in_dim3A_456 = arith.constant true
        %broadcast_in_dim3A_457 = vector.broadcast %broadcast_in_dim3A_456 : i1 to vector<16xi1>
        %unique3A, %unique3A_458 = tpu.scan_count mask(%broadcast_in_dim3A_457 : vector<16xi1>) value(%bitcast3A_455 : vector<16xi32>) : vector<16xi1>, vector<16xi32>
        tpu.vector_store_idx %arg19[%bitcast3A_455], %unique3A_458 masked %unique3A {add = true} : memref<32xi32, #tpu.memory_space<vmem>>[vector<16xi32>], vector<16xi32>, vector<16xi1>
        %scan3A_459 = arith.constant 0 : i32
        scf.yield %scan3A_459 : i32
      }
      %scan3A_34 = arith.constant 64 : i32
      %get3A_35 = arith.constant 0 : index
      %get3A_36 = tpu.vector_load %arg19[%get3A_35] {strides = array<i32>} : memref<32xi32, #tpu.memory_space<vmem>>, vector<16xi32>,
      %get3A_37 = arith.constant 16 : index
      %get3A_38 = tpu.vector_load %arg19[%get3A_37] {strides = array<i32>} : memref<32xi32, #tpu.memory_space<vmem>>, vector<16xi32>,
      %broadcast_in_dim3A_39 = arith.constant true
      %broadcast_in_dim3A_40 = vector.broadcast %broadcast_in_dim3A_39 : i1 to vector<16xi1>
      %masked_cumsum3A = tpu.scan <sum>, %get3A_36 masked %broadcast_in_dim3A_40 : vector<16xi32>, vector<16xi1> -> vector<16xi32>
      %sub3A = arith.subi %masked_cumsum3A, %get3A_36 : vector<16xi32>
      %broadcast_in_dim3A_41 = arith.constant true
      %broadcast_in_dim3A_42 = vector.broadcast %broadcast_in_dim3A_41 : i1 to vector<16xi1>
      %masked_cumsum3A_43 = tpu.scan <sum>, %get3A_36 masked %broadcast_in_dim3A_42 : vector<16xi32>, vector<16xi1> -> vector<16xi32>
      %reduce_max3A = arith.constant true
      %reduce_max3A_44 = vector.broadcast %reduce_max3A : i1 to vector<16xi1>
      %reduce_max3A_45 = arith.constant -2147483648 : i32
      %reduce_max3A_46 = vector.broadcast %reduce_max3A_45 : i32 to vector<16xi32>
      %reduce_max3A_47 = arith.xori %masked_cumsum3A_43, %reduce_max3A_46 : vector<16xi32>
      %reduce_max3A_48 = tpu.scan <max>, %reduce_max3A_47 masked %reduce_max3A_44 : vector<16xi32>, vector<16xi1> -> vector<16xi32>
      %reduce_max3A_49 = arith.xori %reduce_max3A_48, %reduce_max3A_46 : vector<16xi32>
      %reduce_max3A_50 = vector.extract %reduce_max3A_49[15] : i32 from vector<16xi32>
      %broadcast_in_dim3A_51 = arith.constant true
      %broadcast_in_dim3A_52 = vector.broadcast %broadcast_in_dim3A_51 : i1 to vector<16xi1>
      %masked_cumsum3A_53 = tpu.scan <sum>, %get3A_38 masked %broadcast_in_dim3A_52 : vector<16xi32>, vector<16xi1> -> vector<16xi32>
      %sub3A_54 = arith.subi %masked_cumsum3A_53, %get3A_38 : vector<16xi32>
      %add3A_55 = vector.broadcast %reduce_max3A_50 : i32 to vector<16xi32>
      %add3A_56 = arith.addi %sub3A_54, %add3A_55 : vector<16xi32>
      %swap3A_57 = arith.constant 0 : index
      %swap3A_58 = tpu.vector_load %arg20[%swap3A_57] {strides = array<i32>} : memref<32xi32, #tpu.memory_space<vmem>>, vector<16xi32>,
      tpu.vector_store %arg20[%swap3A_57], %sub3A {strides = array<i32>} : memref<32xi32, #tpu.memory_space<vmem>>, vector<16xi32>,
      %swap3A_59 = arith.constant 16 : index
      %swap3A_60 = tpu.vector_load %arg20[%swap3A_59] {strides = array<i32>} : memref<32xi32, #tpu.memory_space<vmem>>, vector<16xi32>,
      tpu.vector_store %arg20[%swap3A_59], %add3A_56 {strides = array<i32>} : memref<32xi32, #tpu.memory_space<vmem>>, vector<16xi32>,
      %scan3A_61 = arith.constant 0 : i32
      %scan3A_62 = arith.constant 0 : i32
      %scan3A_63 = arith.constant 64 : i32
      %scan3A_64 = arith.addi %scan3A_62, %scan3A_63 : i32
      %scan3A_65 = arith.constant 1 : i32
      %scan3A_66 = scf.for %scan3A_445 = %scan3A_62 to %scan3A_64 step %scan3A_65 iter_args(%scan3A_446 = %scan3A_61) -> (i32)  : i32 {
        %mul3A_447 = arith.constant 16 : i32
        %mul3A_448 = arith.muli %scan3A_445, %mul3A_447 : i32
        %get3A_449 = arith.index_cast %mul3A_448 : i32 to index
        %get3A_450 = tpu.vector_load %arg15[%get3A_449] {strides = array<i32>} : memref<1056xi32, #tpu.memory_space<vmem>>, vector<16xi32>,
        %mul3A_451 = arith.constant 16 : i32
        %mul3A_452 = arith.muli %scan3A_445, %mul3A_451 : i32
        %get3A_453 = arith.index_cast %mul3A_452 : i32 to index
        %get3A_454 = tpu.vector_load %arg16[%get3A_453] {strides = array<i32>} : memref<1056xi32, #tpu.memory_space<vmem>>, vector<16xi32>,
        %bitcast3A = vector.bitcast %get3A_450 : vector<16xi32> to vector<16xi32>
        %shift_right_logical3A = arith.constant 0 : i32
        %shift_right_logical3A_455 = vector.broadcast %shift_right_logical3A : i32 to vector<16xi32>
        %shift_right_logical3A_456 = arith.shrui %bitcast3A, %shift_right_logical3A_455 : vector<16xi32>
        %and3A = arith.constant 31 : i32
        %and3A_457 = vector.broadcast %and3A : i32 to vector<16xi32>
        %and3A_458 = arith.andi %shift_right_logical3A_456, %and3A_457 : vector<16xi32>
        %bitcast3A_459 = vector.bitcast %and3A_458 : vector<16xi32> to vector<16xi32>
        %broadcast_in_dim3A_460 = arith.constant true
        %broadcast_in_dim3A_461 = vector.broadcast %broadcast_in_dim3A_460 : i1 to vector<16xi1>
        %unique3A, %unique3A_462 = tpu.scan_count mask(%broadcast_in_dim3A_461 : vector<16xi1>) value(%bitcast3A_459 : vector<16xi32>) : vector<16xi1>, vector<16xi32>
        %gather3A_463 = tpu.vector_load_idx %arg20[%bitcast3A_459] : memref<32xi32, #tpu.memory_space<vmem>>[vector<16xi32>], vector<16xi32>,
        %sub3A_464 = arith.constant 1 : i32
        %sub3A_465 = vector.broadcast %sub3A_464 : i32 to vector<16xi32>
        %sub3A_466 = arith.subi %unique3A_462, %sub3A_465 : vector<16xi32>
        %add3A_467 = arith.addi %gather3A_463, %sub3A_466 : vector<16xi32>
        tpu.vector_store_idx %arg17[%add3A_467], %get3A_450 : memref<1024xi32, #tpu.memory_space<vmem>>[vector<16xi32>], vector<16xi32>,
        tpu.vector_store_idx %arg18[%add3A_467], %get3A_454 : memref<1024xi32, #tpu.memory_space<vmem>>[vector<16xi32>], vector<16xi32>,
        tpu.vector_store_idx %arg20[%bitcast3A_459], %unique3A_462 masked %unique3A {add = true} : memref<32xi32, #tpu.memory_space<vmem>>[vector<16xi32>], vector<16xi32>, vector<16xi1>
        %scan3A_468 = arith.constant 0 : i32
        scf.yield %scan3A_468 : i32
      }
      %scan3A_67 = arith.constant 64 : i32
      %broadcast_in_dim3A_68 = arith.constant 0 : i32
      %broadcast_in_dim3A_69 = vector.broadcast %broadcast_in_dim3A_68 : i32 to vector<16xi32>
      %swap3A_70 = arith.constant 0 : index
      %swap3A_71 = tpu.vector_load %arg19[%swap3A_70] {strides = array<i32>} : memref<32xi32, #tpu.memory_space<vmem>>, vector<16xi32>,
      tpu.vector_store %arg19[%swap3A_70], %broadcast_in_dim3A_69 {strides = array<i32>} : memref<32xi32, #tpu.memory_space<vmem>>, vector<16xi32>,
      %broadcast_in_dim3A_72 = arith.constant 0 : i32
      %broadcast_in_dim3A_73 = vector.broadcast %broadcast_in_dim3A_72 : i32 to vector<16xi32>
      %swap3A_74 = arith.constant 16 : index
      %swap3A_75 = tpu.vector_load %arg19[%swap3A_74] {strides = array<i32>} : memref<32xi32, #tpu.memory_space<vmem>>, vector<16xi32>,
      tpu.vector_store %arg19[%swap3A_74], %broadcast_in_dim3A_73 {strides = array<i32>} : memref<32xi32, #tpu.memory_space<vmem>>, vector<16xi32>,
      %scan3A_76 = arith.constant 0 : i32
      %scan3A_77 = arith.constant 0 : i32
      %scan3A_78 = arith.constant 64 : i32
      %scan3A_79 = arith.addi %scan3A_77, %scan3A_78 : i32
      %scan3A_80 = arith.constant 1 : i32
      %scan3A_81 = scf.for %scan3A_445 = %scan3A_77 to %scan3A_79 step %scan3A_80 iter_args(%scan3A_446 = %scan3A_76) -> (i32)  : i32 {
        %mul3A_447 = arith.constant 16 : i32
        %mul3A_448 = arith.muli %scan3A_445, %mul3A_447 : i32
        %get3A_449 = arith.index_cast %mul3A_448 : i32 to index
        %get3A_450 = tpu.vector_load %arg17[%get3A_449] {strides = array<i32>} : memref<1024xi32, #tpu.memory_space<vmem>>, vector<16xi32>,
        %bitcast3A = vector.bitcast %get3A_450 : vector<16xi32> to vector<16xi32>
        %shift_right_logical3A = arith.constant 5 : i32
        %shift_right_logical3A_451 = vector.broadcast %shift_right_logical3A : i32 to vector<16xi32>
        %shift_right_logical3A_452 = arith.shrui %bitcast3A, %shift_right_logical3A_451 : vector<16xi32>
        %and3A = arith.constant 31 : i32
        %and3A_453 = vector.broadcast %and3A : i32 to vector<16xi32>
        %and3A_454 = arith.andi %shift_right_logical3A_452, %and3A_453 : vector<16xi32>
        %bitcast3A_455 = vector.bitcast %and3A_454 : vector<16xi32> to vector<16xi32>
        %broadcast_in_dim3A_456 = arith.constant true
        %broadcast_in_dim3A_457 = vector.broadcast %broadcast_in_dim3A_456 : i1 to vector<16xi1>
        %unique3A, %unique3A_458 = tpu.scan_count mask(%broadcast_in_dim3A_457 : vector<16xi1>) value(%bitcast3A_455 : vector<16xi32>) : vector<16xi1>, vector<16xi32>
        tpu.vector_store_idx %arg19[%bitcast3A_455], %unique3A_458 masked %unique3A {add = true} : memref<32xi32, #tpu.memory_space<vmem>>[vector<16xi32>], vector<16xi32>, vector<16xi1>
        %scan3A_459 = arith.constant 0 : i32
        scf.yield %scan3A_459 : i32
      }
      %scan3A_82 = arith.constant 64 : i32
      %get3A_83 = arith.constant 0 : index
      %get3A_84 = tpu.vector_load %arg19[%get3A_83] {strides = array<i32>} : memref<32xi32, #tpu.memory_space<vmem>>, vector<16xi32>,
      %get3A_85 = arith.constant 16 : index
      %get3A_86 = tpu.vector_load %arg19[%get3A_85] {strides = array<i32>} : memref<32xi32, #tpu.memory_space<vmem>>, vector<16xi32>,
      %broadcast_in_dim3A_87 = arith.constant true
      %broadcast_in_dim3A_88 = vector.broadcast %broadcast_in_dim3A_87 : i1 to vector<16xi1>
      %masked_cumsum3A_89 = tpu.scan <sum>, %get3A_84 masked %broadcast_in_dim3A_88 : vector<16xi32>, vector<16xi1> -> vector<16xi32>
      %sub3A_90 = arith.subi %masked_cumsum3A_89, %get3A_84 : vector<16xi32>
      %broadcast_in_dim3A_91 = arith.constant true
      %broadcast_in_dim3A_92 = vector.broadcast %broadcast_in_dim3A_91 : i1 to vector<16xi1>
      %masked_cumsum3A_93 = tpu.scan <sum>, %get3A_84 masked %broadcast_in_dim3A_92 : vector<16xi32>, vector<16xi1> -> vector<16xi32>
      %reduce_max3A_94 = arith.constant true
      %reduce_max3A_95 = vector.broadcast %reduce_max3A_94 : i1 to vector<16xi1>
      %reduce_max3A_96 = arith.constant -2147483648 : i32
      %reduce_max3A_97 = vector.broadcast %reduce_max3A_96 : i32 to vector<16xi32>
      %reduce_max3A_98 = arith.xori %masked_cumsum3A_93, %reduce_max3A_97 : vector<16xi32>
      %reduce_max3A_99 = tpu.scan <max>, %reduce_max3A_98 masked %reduce_max3A_95 : vector<16xi32>, vector<16xi1> -> vector<16xi32>
      %reduce_max3A_100 = arith.xori %reduce_max3A_99, %reduce_max3A_97 : vector<16xi32>
      %reduce_max3A_101 = vector.extract %reduce_max3A_100[15] : i32 from vector<16xi32>
      %broadcast_in_dim3A_102 = arith.constant true
      %broadcast_in_dim3A_103 = vector.broadcast %broadcast_in_dim3A_102 : i1 to vector<16xi1>
      %masked_cumsum3A_104 = tpu.scan <sum>, %get3A_86 masked %broadcast_in_dim3A_103 : vector<16xi32>, vector<16xi1> -> vector<16xi32>
      %sub3A_105 = arith.subi %masked_cumsum3A_104, %get3A_86 : vector<16xi32>
      %add3A_106 = vector.broadcast %reduce_max3A_101 : i32 to vector<16xi32>
      %add3A_107 = arith.addi %sub3A_105, %add3A_106 : vector<16xi32>
      %swap3A_108 = arith.constant 0 : index
      %swap3A_109 = tpu.vector_load %arg20[%swap3A_108] {strides = array<i32>} : memref<32xi32, #tpu.memory_space<vmem>>, vector<16xi32>,
      tpu.vector_store %arg20[%swap3A_108], %sub3A_90 {strides = array<i32>} : memref<32xi32, #tpu.memory_space<vmem>>, vector<16xi32>,
      %swap3A_110 = arith.constant 16 : index
      %swap3A_111 = tpu.vector_load %arg20[%swap3A_110] {strides = array<i32>} : memref<32xi32, #tpu.memory_space<vmem>>, vector<16xi32>,
      tpu.vector_store %arg20[%swap3A_110], %add3A_107 {strides = array<i32>} : memref<32xi32, #tpu.memory_space<vmem>>, vector<16xi32>,
      %scan3A_112 = arith.constant 0 : i32
      %scan3A_113 = arith.constant 0 : i32
      %scan3A_114 = arith.constant 64 : i32
      %scan3A_115 = arith.addi %scan3A_113, %scan3A_114 : i32
      %scan3A_116 = arith.constant 1 : i32
      %scan3A_117 = scf.for %scan3A_445 = %scan3A_113 to %scan3A_115 step %scan3A_116 iter_args(%scan3A_446 = %scan3A_112) -> (i32)  : i32 {
        %mul3A_447 = arith.constant 16 : i32
        %mul3A_448 = arith.muli %scan3A_445, %mul3A_447 : i32
        %get3A_449 = arith.index_cast %mul3A_448 : i32 to index
        %get3A_450 = tpu.vector_load %arg17[%get3A_449] {strides = array<i32>} : memref<1024xi32, #tpu.memory_space<vmem>>, vector<16xi32>,
        %mul3A_451 = arith.constant 16 : i32
        %mul3A_452 = arith.muli %scan3A_445, %mul3A_451 : i32
        %get3A_453 = arith.index_cast %mul3A_452 : i32 to index
        %get3A_454 = tpu.vector_load %arg18[%get3A_453] {strides = array<i32>} : memref<1024xi32, #tpu.memory_space<vmem>>, vector<16xi32>,
        %bitcast3A = vector.bitcast %get3A_450 : vector<16xi32> to vector<16xi32>
        %shift_right_logical3A = arith.constant 5 : i32
        %shift_right_logical3A_455 = vector.broadcast %shift_right_logical3A : i32 to vector<16xi32>
        %shift_right_logical3A_456 = arith.shrui %bitcast3A, %shift_right_logical3A_455 : vector<16xi32>
        %and3A = arith.constant 31 : i32
        %and3A_457 = vector.broadcast %and3A : i32 to vector<16xi32>
        %and3A_458 = arith.andi %shift_right_logical3A_456, %and3A_457 : vector<16xi32>
        %bitcast3A_459 = vector.bitcast %and3A_458 : vector<16xi32> to vector<16xi32>
        %broadcast_in_dim3A_460 = arith.constant true
        %broadcast_in_dim3A_461 = vector.broadcast %broadcast_in_dim3A_460 : i1 to vector<16xi1>
        %unique3A, %unique3A_462 = tpu.scan_count mask(%broadcast_in_dim3A_461 : vector<16xi1>) value(%bitcast3A_459 : vector<16xi32>) : vector<16xi1>, vector<16xi32>
        %gather3A_463 = tpu.vector_load_idx %arg20[%bitcast3A_459] : memref<32xi32, #tpu.memory_space<vmem>>[vector<16xi32>], vector<16xi32>,
        %sub3A_464 = arith.constant 1 : i32
        %sub3A_465 = vector.broadcast %sub3A_464 : i32 to vector<16xi32>
        %sub3A_466 = arith.subi %unique3A_462, %sub3A_465 : vector<16xi32>
        %add3A_467 = arith.addi %gather3A_463, %sub3A_466 : vector<16xi32>
        tpu.vector_store_idx %arg15[%add3A_467], %get3A_450 : memref<1056xi32, #tpu.memory_space<vmem>>[vector<16xi32>], vector<16xi32>,
        tpu.vector_store_idx %arg16[%add3A_467], %get3A_454 : memref<1056xi32, #tpu.memory_space<vmem>>[vector<16xi32>], vector<16xi32>,
        tpu.vector_store_idx %arg20[%bitcast3A_459], %unique3A_462 masked %unique3A {add = true} : memref<32xi32, #tpu.memory_space<vmem>>[vector<16xi32>], vector<16xi32>, vector<16xi1>
        %scan3A_468 = arith.constant 0 : i32
        scf.yield %scan3A_468 : i32
      }
      %scan3A_118 = arith.constant 64 : i32
      %broadcast_in_dim3A_119 = arith.constant 0 : i32
      %broadcast_in_dim3A_120 = vector.broadcast %broadcast_in_dim3A_119 : i32 to vector<16xi32>
      %swap3A_121 = arith.constant 0 : index
      %swap3A_122 = tpu.vector_load %arg19[%swap3A_121] {strides = array<i32>} : memref<32xi32, #tpu.memory_space<vmem>>, vector<16xi32>,
      tpu.vector_store %arg19[%swap3A_121], %broadcast_in_dim3A_120 {strides = array<i32>} : memref<32xi32, #tpu.memory_space<vmem>>, vector<16xi32>,
      %broadcast_in_dim3A_123 = arith.constant 0 : i32
      %broadcast_in_dim3A_124 = vector.broadcast %broadcast_in_dim3A_123 : i32 to vector<16xi32>
      %swap3A_125 = arith.constant 16 : index
      %swap3A_126 = tpu.vector_load %arg19[%swap3A_125] {strides = array<i32>} : memref<32xi32, #tpu.memory_space<vmem>>, vector<16xi32>,
      tpu.vector_store %arg19[%swap3A_125], %broadcast_in_dim3A_124 {strides = array<i32>} : memref<32xi32, #tpu.memory_space<vmem>>, vector<16xi32>,
      %scan3A_127 = arith.constant 0 : i32
      %scan3A_128 = arith.constant 0 : i32
      %scan3A_129 = arith.constant 64 : i32
      %scan3A_130 = arith.addi %scan3A_128, %scan3A_129 : i32
      %scan3A_131 = arith.constant 1 : i32
      %scan3A_132 = scf.for %scan3A_445 = %scan3A_128 to %scan3A_130 step %scan3A_131 iter_args(%scan3A_446 = %scan3A_127) -> (i32)  : i32 {
        %mul3A_447 = arith.constant 16 : i32
        %mul3A_448 = arith.muli %scan3A_445, %mul3A_447 : i32
        %get3A_449 = arith.index_cast %mul3A_448 : i32 to index
        %get3A_450 = tpu.vector_load %arg15[%get3A_449] {strides = array<i32>} : memref<1056xi32, #tpu.memory_space<vmem>>, vector<16xi32>,
        %bitcast3A = vector.bitcast %get3A_450 : vector<16xi32> to vector<16xi32>
        %shift_right_logical3A = arith.constant 10 : i32
        %shift_right_logical3A_451 = vector.broadcast %shift_right_logical3A : i32 to vector<16xi32>
        %shift_right_logical3A_452 = arith.shrui %bitcast3A, %shift_right_logical3A_451 : vector<16xi32>
        %and3A = arith.constant 31 : i32
        %and3A_453 = vector.broadcast %and3A : i32 to vector<16xi32>
        %and3A_454 = arith.andi %shift_right_logical3A_452, %and3A_453 : vector<16xi32>
        %bitcast3A_455 = vector.bitcast %and3A_454 : vector<16xi32> to vector<16xi32>
        %broadcast_in_dim3A_456 = arith.constant true
        %broadcast_in_dim3A_457 = vector.broadcast %broadcast_in_dim3A_456 : i1 to vector<16xi1>
        %unique3A, %unique3A_458 = tpu.scan_count mask(%broadcast_in_dim3A_457 : vector<16xi1>) value(%bitcast3A_455 : vector<16xi32>) : vector<16xi1>, vector<16xi32>
        tpu.vector_store_idx %arg19[%bitcast3A_455], %unique3A_458 masked %unique3A {add = true} : memref<32xi32, #tpu.memory_space<vmem>>[vector<16xi32>], vector<16xi32>, vector<16xi1>
        %scan3A_459 = arith.constant 0 : i32
        scf.yield %scan3A_459 : i32
      }
      %scan3A_133 = arith.constant 64 : i32
      %get3A_134 = arith.constant 0 : index
      %get3A_135 = tpu.vector_load %arg19[%get3A_134] {strides = array<i32>} : memref<32xi32, #tpu.memory_space<vmem>>, vector<16xi32>,
      %get3A_136 = arith.constant 16 : index
      %get3A_137 = tpu.vector_load %arg19[%get3A_136] {strides = array<i32>} : memref<32xi32, #tpu.memory_space<vmem>>, vector<16xi32>,
      %broadcast_in_dim3A_138 = arith.constant true
      %broadcast_in_dim3A_139 = vector.broadcast %broadcast_in_dim3A_138 : i1 to vector<16xi1>
      %masked_cumsum3A_140 = tpu.scan <sum>, %get3A_135 masked %broadcast_in_dim3A_139 : vector<16xi32>, vector<16xi1> -> vector<16xi32>
      %sub3A_141 = arith.subi %masked_cumsum3A_140, %get3A_135 : vector<16xi32>
      %broadcast_in_dim3A_142 = arith.constant true
      %broadcast_in_dim3A_143 = vector.broadcast %broadcast_in_dim3A_142 : i1 to vector<16xi1>
      %masked_cumsum3A_144 = tpu.scan <sum>, %get3A_135 masked %broadcast_in_dim3A_143 : vector<16xi32>, vector<16xi1> -> vector<16xi32>
      %reduce_max3A_145 = arith.constant true
      %reduce_max3A_146 = vector.broadcast %reduce_max3A_145 : i1 to vector<16xi1>
      %reduce_max3A_147 = arith.constant -2147483648 : i32
      %reduce_max3A_148 = vector.broadcast %reduce_max3A_147 : i32 to vector<16xi32>
      %reduce_max3A_149 = arith.xori %masked_cumsum3A_144, %reduce_max3A_148 : vector<16xi32>
      %reduce_max3A_150 = tpu.scan <max>, %reduce_max3A_149 masked %reduce_max3A_146 : vector<16xi32>, vector<16xi1> -> vector<16xi32>
      %reduce_max3A_151 = arith.xori %reduce_max3A_150, %reduce_max3A_148 : vector<16xi32>
      %reduce_max3A_152 = vector.extract %reduce_max3A_151[15] : i32 from vector<16xi32>
      %broadcast_in_dim3A_153 = arith.constant true
      %broadcast_in_dim3A_154 = vector.broadcast %broadcast_in_dim3A_153 : i1 to vector<16xi1>
      %masked_cumsum3A_155 = tpu.scan <sum>, %get3A_137 masked %broadcast_in_dim3A_154 : vector<16xi32>, vector<16xi1> -> vector<16xi32>
      %sub3A_156 = arith.subi %masked_cumsum3A_155, %get3A_137 : vector<16xi32>
      %add3A_157 = vector.broadcast %reduce_max3A_152 : i32 to vector<16xi32>
      %add3A_158 = arith.addi %sub3A_156, %add3A_157 : vector<16xi32>
      %swap3A_159 = arith.constant 0 : index
      %swap3A_160 = tpu.vector_load %arg20[%swap3A_159] {strides = array<i32>} : memref<32xi32, #tpu.memory_space<vmem>>, vector<16xi32>,
      tpu.vector_store %arg20[%swap3A_159], %sub3A_141 {strides = array<i32>} : memref<32xi32, #tpu.memory_space<vmem>>, vector<16xi32>,
      %swap3A_161 = arith.constant 16 : index
      %swap3A_162 = tpu.vector_load %arg20[%swap3A_161] {strides = array<i32>} : memref<32xi32, #tpu.memory_space<vmem>>, vector<16xi32>,
      tpu.vector_store %arg20[%swap3A_161], %add3A_158 {strides = array<i32>} : memref<32xi32, #tpu.memory_space<vmem>>, vector<16xi32>,
      %scan3A_163 = arith.constant 0 : i32
      %scan3A_164 = arith.constant 0 : i32
      %scan3A_165 = arith.constant 64 : i32
      %scan3A_166 = arith.addi %scan3A_164, %scan3A_165 : i32
      %scan3A_167 = arith.constant 1 : i32
      %scan3A_168 = scf.for %scan3A_445 = %scan3A_164 to %scan3A_166 step %scan3A_167 iter_args(%scan3A_446 = %scan3A_163) -> (i32)  : i32 {
        %mul3A_447 = arith.constant 16 : i32
        %mul3A_448 = arith.muli %scan3A_445, %mul3A_447 : i32
        %get3A_449 = arith.index_cast %mul3A_448 : i32 to index
        %get3A_450 = tpu.vector_load %arg15[%get3A_449] {strides = array<i32>} : memref<1056xi32, #tpu.memory_space<vmem>>, vector<16xi32>,
        %mul3A_451 = arith.constant 16 : i32
        %mul3A_452 = arith.muli %scan3A_445, %mul3A_451 : i32
        %get3A_453 = arith.index_cast %mul3A_452 : i32 to index
        %get3A_454 = tpu.vector_load %arg16[%get3A_453] {strides = array<i32>} : memref<1056xi32, #tpu.memory_space<vmem>>, vector<16xi32>,
        %bitcast3A = vector.bitcast %get3A_450 : vector<16xi32> to vector<16xi32>
        %shift_right_logical3A = arith.constant 10 : i32
        %shift_right_logical3A_455 = vector.broadcast %shift_right_logical3A : i32 to vector<16xi32>
        %shift_right_logical3A_456 = arith.shrui %bitcast3A, %shift_right_logical3A_455 : vector<16xi32>
        %and3A = arith.constant 31 : i32
        %and3A_457 = vector.broadcast %and3A : i32 to vector<16xi32>
        %and3A_458 = arith.andi %shift_right_logical3A_456, %and3A_457 : vector<16xi32>
        %bitcast3A_459 = vector.bitcast %and3A_458 : vector<16xi32> to vector<16xi32>
        %broadcast_in_dim3A_460 = arith.constant true
        %broadcast_in_dim3A_461 = vector.broadcast %broadcast_in_dim3A_460 : i1 to vector<16xi1>
        %unique3A, %unique3A_462 = tpu.scan_count mask(%broadcast_in_dim3A_461 : vector<16xi1>) value(%bitcast3A_459 : vector<16xi32>) : vector<16xi1>, vector<16xi32>
        %gather3A_463 = tpu.vector_load_idx %arg20[%bitcast3A_459] : memref<32xi32, #tpu.memory_space<vmem>>[vector<16xi32>], vector<16xi32>,
        %sub3A_464 = arith.constant 1 : i32
        %sub3A_465 = vector.broadcast %sub3A_464 : i32 to vector<16xi32>
        %sub3A_466 = arith.subi %unique3A_462, %sub3A_465 : vector<16xi32>
        %add3A_467 = arith.addi %gather3A_463, %sub3A_466 : vector<16xi32>
        tpu.vector_store_idx %arg17[%add3A_467], %get3A_450 : memref<1024xi32, #tpu.memory_space<vmem>>[vector<16xi32>], vector<16xi32>,
        tpu.vector_store_idx %arg18[%add3A_467], %get3A_454 : memref<1024xi32, #tpu.memory_space<vmem>>[vector<16xi32>], vector<16xi32>,
        tpu.vector_store_idx %arg20[%bitcast3A_459], %unique3A_462 masked %unique3A {add = true} : memref<32xi32, #tpu.memory_space<vmem>>[vector<16xi32>], vector<16xi32>, vector<16xi1>
        %scan3A_468 = arith.constant 0 : i32
        scf.yield %scan3A_468 : i32
      }
      %scan3A_169 = arith.constant 64 : i32
      %broadcast_in_dim3A_170 = arith.constant 0 : i32
      %broadcast_in_dim3A_171 = vector.broadcast %broadcast_in_dim3A_170 : i32 to vector<16xi32>
      %swap3A_172 = arith.constant 0 : index
      %swap3A_173 = tpu.vector_load %arg19[%swap3A_172] {strides = array<i32>} : memref<32xi32, #tpu.memory_space<vmem>>, vector<16xi32>,
      tpu.vector_store %arg19[%swap3A_172], %broadcast_in_dim3A_171 {strides = array<i32>} : memref<32xi32, #tpu.memory_space<vmem>>, vector<16xi32>,
      %broadcast_in_dim3A_174 = arith.constant 0 : i32
      %broadcast_in_dim3A_175 = vector.broadcast %broadcast_in_dim3A_174 : i32 to vector<16xi32>
      %swap3A_176 = arith.constant 16 : index
      %swap3A_177 = tpu.vector_load %arg19[%swap3A_176] {strides = array<i32>} : memref<32xi32, #tpu.memory_space<vmem>>, vector<16xi32>,
      tpu.vector_store %arg19[%swap3A_176], %broadcast_in_dim3A_175 {strides = array<i32>} : memref<32xi32, #tpu.memory_space<vmem>>, vector<16xi32>,
      %scan3A_178 = arith.constant 0 : i32
      %scan3A_179 = arith.constant 0 : i32
      %scan3A_180 = arith.constant 64 : i32
      %scan3A_181 = arith.addi %scan3A_179, %scan3A_180 : i32
      %scan3A_182 = arith.constant 1 : i32
      %scan3A_183 = scf.for %scan3A_445 = %scan3A_179 to %scan3A_181 step %scan3A_182 iter_args(%scan3A_446 = %scan3A_178) -> (i32)  : i32 {
        %mul3A_447 = arith.constant 16 : i32
        %mul3A_448 = arith.muli %scan3A_445, %mul3A_447 : i32
        %get3A_449 = arith.index_cast %mul3A_448 : i32 to index
        %get3A_450 = tpu.vector_load %arg17[%get3A_449] {strides = array<i32>} : memref<1024xi32, #tpu.memory_space<vmem>>, vector<16xi32>,
        %bitcast3A = vector.bitcast %get3A_450 : vector<16xi32> to vector<16xi32>
        %shift_right_logical3A = arith.constant 15 : i32
        %shift_right_logical3A_451 = vector.broadcast %shift_right_logical3A : i32 to vector<16xi32>
        %shift_right_logical3A_452 = arith.shrui %bitcast3A, %shift_right_logical3A_451 : vector<16xi32>
        %and3A = arith.constant 31 : i32
        %and3A_453 = vector.broadcast %and3A : i32 to vector<16xi32>
        %and3A_454 = arith.andi %shift_right_logical3A_452, %and3A_453 : vector<16xi32>
        %bitcast3A_455 = vector.bitcast %and3A_454 : vector<16xi32> to vector<16xi32>
        %broadcast_in_dim3A_456 = arith.constant true
        %broadcast_in_dim3A_457 = vector.broadcast %broadcast_in_dim3A_456 : i1 to vector<16xi1>
        %unique3A, %unique3A_458 = tpu.scan_count mask(%broadcast_in_dim3A_457 : vector<16xi1>) value(%bitcast3A_455 : vector<16xi32>) : vector<16xi1>, vector<16xi32>
        tpu.vector_store_idx %arg19[%bitcast3A_455], %unique3A_458 masked %unique3A {add = true} : memref<32xi32, #tpu.memory_space<vmem>>[vector<16xi32>], vector<16xi32>, vector<16xi1>
        %scan3A_459 = arith.constant 0 : i32
        scf.yield %scan3A_459 : i32
      }
      %scan3A_184 = arith.constant 64 : i32
      %get3A_185 = arith.constant 0 : index
      %get3A_186 = tpu.vector_load %arg19[%get3A_185] {strides = array<i32>} : memref<32xi32, #tpu.memory_space<vmem>>, vector<16xi32>,
      %get3A_187 = arith.constant 16 : index
      %get3A_188 = tpu.vector_load %arg19[%get3A_187] {strides = array<i32>} : memref<32xi32, #tpu.memory_space<vmem>>, vector<16xi32>,
      %broadcast_in_dim3A_189 = arith.constant true
      %broadcast_in_dim3A_190 = vector.broadcast %broadcast_in_dim3A_189 : i1 to vector<16xi1>
      %masked_cumsum3A_191 = tpu.scan <sum>, %get3A_186 masked %broadcast_in_dim3A_190 : vector<16xi32>, vector<16xi1> -> vector<16xi32>
      %sub3A_192 = arith.subi %masked_cumsum3A_191, %get3A_186 : vector<16xi32>
      %broadcast_in_dim3A_193 = arith.constant true
      %broadcast_in_dim3A_194 = vector.broadcast %broadcast_in_dim3A_193 : i1 to vector<16xi1>
      %masked_cumsum3A_195 = tpu.scan <sum>, %get3A_186 masked %broadcast_in_dim3A_194 : vector<16xi32>, vector<16xi1> -> vector<16xi32>
      %reduce_max3A_196 = arith.constant true
      %reduce_max3A_197 = vector.broadcast %reduce_max3A_196 : i1 to vector<16xi1>
      %reduce_max3A_198 = arith.constant -2147483648 : i32
      %reduce_max3A_199 = vector.broadcast %reduce_max3A_198 : i32 to vector<16xi32>
      %reduce_max3A_200 = arith.xori %masked_cumsum3A_195, %reduce_max3A_199 : vector<16xi32>
      %reduce_max3A_201 = tpu.scan <max>, %reduce_max3A_200 masked %reduce_max3A_197 : vector<16xi32>, vector<16xi1> -> vector<16xi32>
      %reduce_max3A_202 = arith.xori %reduce_max3A_201, %reduce_max3A_199 : vector<16xi32>
      %reduce_max3A_203 = vector.extract %reduce_max3A_202[15] : i32 from vector<16xi32>
      %broadcast_in_dim3A_204 = arith.constant true
      %broadcast_in_dim3A_205 = vector.broadcast %broadcast_in_dim3A_204 : i1 to vector<16xi1>
      %masked_cumsum3A_206 = tpu.scan <sum>, %get3A_188 masked %broadcast_in_dim3A_205 : vector<16xi32>, vector<16xi1> -> vector<16xi32>
      %sub3A_207 = arith.subi %masked_cumsum3A_206, %get3A_188 : vector<16xi32>
      %add3A_208 = vector.broadcast %reduce_max3A_203 : i32 to vector<16xi32>
      %add3A_209 = arith.addi %sub3A_207, %add3A_208 : vector<16xi32>
      %swap3A_210 = arith.constant 0 : index
      %swap3A_211 = tpu.vector_load %arg20[%swap3A_210] {strides = array<i32>} : memref<32xi32, #tpu.memory_space<vmem>>, vector<16xi32>,
      tpu.vector_store %arg20[%swap3A_210], %sub3A_192 {strides = array<i32>} : memref<32xi32, #tpu.memory_space<vmem>>, vector<16xi32>,
      %swap3A_212 = arith.constant 16 : index
      %swap3A_213 = tpu.vector_load %arg20[%swap3A_212] {strides = array<i32>} : memref<32xi32, #tpu.memory_space<vmem>>, vector<16xi32>,
      tpu.vector_store %arg20[%swap3A_212], %add3A_209 {strides = array<i32>} : memref<32xi32, #tpu.memory_space<vmem>>, vector<16xi32>,
      %scan3A_214 = arith.constant 0 : i32
      %scan3A_215 = arith.constant 0 : i32
      %scan3A_216 = arith.constant 64 : i32
      %scan3A_217 = arith.addi %scan3A_215, %scan3A_216 : i32
      %scan3A_218 = arith.constant 1 : i32
      %scan3A_219 = scf.for %scan3A_445 = %scan3A_215 to %scan3A_217 step %scan3A_218 iter_args(%scan3A_446 = %scan3A_214) -> (i32)  : i32 {
        %mul3A_447 = arith.constant 16 : i32
        %mul3A_448 = arith.muli %scan3A_445, %mul3A_447 : i32
        %get3A_449 = arith.index_cast %mul3A_448 : i32 to index
        %get3A_450 = tpu.vector_load %arg17[%get3A_449] {strides = array<i32>} : memref<1024xi32, #tpu.memory_space<vmem>>, vector<16xi32>,
        %mul3A_451 = arith.constant 16 : i32
        %mul3A_452 = arith.muli %scan3A_445, %mul3A_451 : i32
        %get3A_453 = arith.index_cast %mul3A_452 : i32 to index
        %get3A_454 = tpu.vector_load %arg18[%get3A_453] {strides = array<i32>} : memref<1024xi32, #tpu.memory_space<vmem>>, vector<16xi32>,
        %bitcast3A = vector.bitcast %get3A_450 : vector<16xi32> to vector<16xi32>
        %shift_right_logical3A = arith.constant 15 : i32
        %shift_right_logical3A_455 = vector.broadcast %shift_right_logical3A : i32 to vector<16xi32>
        %shift_right_logical3A_456 = arith.shrui %bitcast3A, %shift_right_logical3A_455 : vector<16xi32>
        %and3A = arith.constant 31 : i32
        %and3A_457 = vector.broadcast %and3A : i32 to vector<16xi32>
        %and3A_458 = arith.andi %shift_right_logical3A_456, %and3A_457 : vector<16xi32>
        %bitcast3A_459 = vector.bitcast %and3A_458 : vector<16xi32> to vector<16xi32>
        %broadcast_in_dim3A_460 = arith.constant true
        %broadcast_in_dim3A_461 = vector.broadcast %broadcast_in_dim3A_460 : i1 to vector<16xi1>
        %unique3A, %unique3A_462 = tpu.scan_count mask(%broadcast_in_dim3A_461 : vector<16xi1>) value(%bitcast3A_459 : vector<16xi32>) : vector<16xi1>, vector<16xi32>
        %gather3A_463 = tpu.vector_load_idx %arg20[%bitcast3A_459] : memref<32xi32, #tpu.memory_space<vmem>>[vector<16xi32>], vector<16xi32>,
        %sub3A_464 = arith.constant 1 : i32
        %sub3A_465 = vector.broadcast %sub3A_464 : i32 to vector<16xi32>
        %sub3A_466 = arith.subi %unique3A_462, %sub3A_465 : vector<16xi32>
        %add3A_467 = arith.addi %gather3A_463, %sub3A_466 : vector<16xi32>
        tpu.vector_store_idx %arg15[%add3A_467], %get3A_450 : memref<1056xi32, #tpu.memory_space<vmem>>[vector<16xi32>], vector<16xi32>,
        tpu.vector_store_idx %arg16[%add3A_467], %get3A_454 : memref<1056xi32, #tpu.memory_space<vmem>>[vector<16xi32>], vector<16xi32>,
        tpu.vector_store_idx %arg20[%bitcast3A_459], %unique3A_462 masked %unique3A {add = true} : memref<32xi32, #tpu.memory_space<vmem>>[vector<16xi32>], vector<16xi32>, vector<16xi1>
        %scan3A_468 = arith.constant 0 : i32
        scf.yield %scan3A_468 : i32
      }
      %scan3A_220 = arith.constant 64 : i32
      %broadcast_in_dim3A_221 = arith.constant 0 : i32
      %broadcast_in_dim3A_222 = vector.broadcast %broadcast_in_dim3A_221 : i32 to vector<16xi32>
      %swap3A_223 = arith.constant 0 : index
      %swap3A_224 = tpu.vector_load %arg19[%swap3A_223] {strides = array<i32>} : memref<32xi32, #tpu.memory_space<vmem>>, vector<16xi32>,
      tpu.vector_store %arg19[%swap3A_223], %broadcast_in_dim3A_222 {strides = array<i32>} : memref<32xi32, #tpu.memory_space<vmem>>, vector<16xi32>,
      %broadcast_in_dim3A_225 = arith.constant 0 : i32
      %broadcast_in_dim3A_226 = vector.broadcast %broadcast_in_dim3A_225 : i32 to vector<16xi32>
      %swap3A_227 = arith.constant 16 : index
      %swap3A_228 = tpu.vector_load %arg19[%swap3A_227] {strides = array<i32>} : memref<32xi32, #tpu.memory_space<vmem>>, vector<16xi32>,
      tpu.vector_store %arg19[%swap3A_227], %broadcast_in_dim3A_226 {strides = array<i32>} : memref<32xi32, #tpu.memory_space<vmem>>, vector<16xi32>,
      %scan3A_229 = arith.constant 0 : i32
      %scan3A_230 = arith.constant 0 : i32
      %scan3A_231 = arith.constant 64 : i32
      %scan3A_232 = arith.addi %scan3A_230, %scan3A_231 : i32
      %scan3A_233 = arith.constant 1 : i32
      %scan3A_234 = scf.for %scan3A_445 = %scan3A_230 to %scan3A_232 step %scan3A_233 iter_args(%scan3A_446 = %scan3A_229) -> (i32)  : i32 {
        %mul3A_447 = arith.constant 16 : i32
        %mul3A_448 = arith.muli %scan3A_445, %mul3A_447 : i32
        %get3A_449 = arith.index_cast %mul3A_448 : i32 to index
        %get3A_450 = tpu.vector_load %arg15[%get3A_449] {strides = array<i32>} : memref<1056xi32, #tpu.memory_space<vmem>>, vector<16xi32>,
        %bitcast3A = vector.bitcast %get3A_450 : vector<16xi32> to vector<16xi32>
        %shift_right_logical3A = arith.constant 20 : i32
        %shift_right_logical3A_451 = vector.broadcast %shift_right_logical3A : i32 to vector<16xi32>
        %shift_right_logical3A_452 = arith.shrui %bitcast3A, %shift_right_logical3A_451 : vector<16xi32>
        %and3A = arith.constant 31 : i32
        %and3A_453 = vector.broadcast %and3A : i32 to vector<16xi32>
        %and3A_454 = arith.andi %shift_right_logical3A_452, %and3A_453 : vector<16xi32>
        %bitcast3A_455 = vector.bitcast %and3A_454 : vector<16xi32> to vector<16xi32>
        %broadcast_in_dim3A_456 = arith.constant true
        %broadcast_in_dim3A_457 = vector.broadcast %broadcast_in_dim3A_456 : i1 to vector<16xi1>
        %unique3A, %unique3A_458 = tpu.scan_count mask(%broadcast_in_dim3A_457 : vector<16xi1>) value(%bitcast3A_455 : vector<16xi32>) : vector<16xi1>, vector<16xi32>
        tpu.vector_store_idx %arg19[%bitcast3A_455], %unique3A_458 masked %unique3A {add = true} : memref<32xi32, #tpu.memory_space<vmem>>[vector<16xi32>], vector<16xi32>, vector<16xi1>
        %scan3A_459 = arith.constant 0 : i32
        scf.yield %scan3A_459 : i32
      }
      %scan3A_235 = arith.constant 64 : i32
      %get3A_236 = arith.constant 0 : index
      %get3A_237 = tpu.vector_load %arg19[%get3A_236] {strides = array<i32>} : memref<32xi32, #tpu.memory_space<vmem>>, vector<16xi32>,
      %get3A_238 = arith.constant 16 : index
      %get3A_239 = tpu.vector_load %arg19[%get3A_238] {strides = array<i32>} : memref<32xi32, #tpu.memory_space<vmem>>, vector<16xi32>,
      %broadcast_in_dim3A_240 = arith.constant true
      %broadcast_in_dim3A_241 = vector.broadcast %broadcast_in_dim3A_240 : i1 to vector<16xi1>
      %masked_cumsum3A_242 = tpu.scan <sum>, %get3A_237 masked %broadcast_in_dim3A_241 : vector<16xi32>, vector<16xi1> -> vector<16xi32>
      %sub3A_243 = arith.subi %masked_cumsum3A_242, %get3A_237 : vector<16xi32>
      %broadcast_in_dim3A_244 = arith.constant true
      %broadcast_in_dim3A_245 = vector.broadcast %broadcast_in_dim3A_244 : i1 to vector<16xi1>
      %masked_cumsum3A_246 = tpu.scan <sum>, %get3A_237 masked %broadcast_in_dim3A_245 : vector<16xi32>, vector<16xi1> -> vector<16xi32>
      %reduce_max3A_247 = arith.constant true
      %reduce_max3A_248 = vector.broadcast %reduce_max3A_247 : i1 to vector<16xi1>
      %reduce_max3A_249 = arith.constant -2147483648 : i32
      %reduce_max3A_250 = vector.broadcast %reduce_max3A_249 : i32 to vector<16xi32>
      %reduce_max3A_251 = arith.xori %masked_cumsum3A_246, %reduce_max3A_250 : vector<16xi32>
      %reduce_max3A_252 = tpu.scan <max>, %reduce_max3A_251 masked %reduce_max3A_248 : vector<16xi32>, vector<16xi1> -> vector<16xi32>
      %reduce_max3A_253 = arith.xori %reduce_max3A_252, %reduce_max3A_250 : vector<16xi32>
      %reduce_max3A_254 = vector.extract %reduce_max3A_253[15] : i32 from vector<16xi32>
      %broadcast_in_dim3A_255 = arith.constant true
      %broadcast_in_dim3A_256 = vector.broadcast %broadcast_in_dim3A_255 : i1 to vector<16xi1>
      %masked_cumsum3A_257 = tpu.scan <sum>, %get3A_239 masked %broadcast_in_dim3A_256 : vector<16xi32>, vector<16xi1> -> vector<16xi32>
      %sub3A_258 = arith.subi %masked_cumsum3A_257, %get3A_239 : vector<16xi32>
      %add3A_259 = vector.broadcast %reduce_max3A_254 : i32 to vector<16xi32>
      %add3A_260 = arith.addi %sub3A_258, %add3A_259 : vector<16xi32>
      %swap3A_261 = arith.constant 0 : index
      %swap3A_262 = tpu.vector_load %arg20[%swap3A_261] {strides = array<i32>} : memref<32xi32, #tpu.memory_space<vmem>>, vector<16xi32>,
      tpu.vector_store %arg20[%swap3A_261], %sub3A_243 {strides = array<i32>} : memref<32xi32, #tpu.memory_space<vmem>>, vector<16xi32>,
      %swap3A_263 = arith.constant 16 : index
      %swap3A_264 = tpu.vector_load %arg20[%swap3A_263] {strides = array<i32>} : memref<32xi32, #tpu.memory_space<vmem>>, vector<16xi32>,
      tpu.vector_store %arg20[%swap3A_263], %add3A_260 {strides = array<i32>} : memref<32xi32, #tpu.memory_space<vmem>>, vector<16xi32>,
      %scan3A_265 = arith.constant 0 : i32
      %scan3A_266 = arith.constant 0 : i32
      %scan3A_267 = arith.constant 64 : i32
      %scan3A_268 = arith.addi %scan3A_266, %scan3A_267 : i32
      %scan3A_269 = arith.constant 1 : i32
      %scan3A_270 = scf.for %scan3A_445 = %scan3A_266 to %scan3A_268 step %scan3A_269 iter_args(%scan3A_446 = %scan3A_265) -> (i32)  : i32 {
        %mul3A_447 = arith.constant 16 : i32
        %mul3A_448 = arith.muli %scan3A_445, %mul3A_447 : i32
        %get3A_449 = arith.index_cast %mul3A_448 : i32 to index
        %get3A_450 = tpu.vector_load %arg15[%get3A_449] {strides = array<i32>} : memref<1056xi32, #tpu.memory_space<vmem>>, vector<16xi32>,
        %mul3A_451 = arith.constant 16 : i32
        %mul3A_452 = arith.muli %scan3A_445, %mul3A_451 : i32
        %get3A_453 = arith.index_cast %mul3A_452 : i32 to index
        %get3A_454 = tpu.vector_load %arg16[%get3A_453] {strides = array<i32>} : memref<1056xi32, #tpu.memory_space<vmem>>, vector<16xi32>,
        %bitcast3A = vector.bitcast %get3A_450 : vector<16xi32> to vector<16xi32>
        %shift_right_logical3A = arith.constant 20 : i32
        %shift_right_logical3A_455 = vector.broadcast %shift_right_logical3A : i32 to vector<16xi32>
        %shift_right_logical3A_456 = arith.shrui %bitcast3A, %shift_right_logical3A_455 : vector<16xi32>
        %and3A = arith.constant 31 : i32
        %and3A_457 = vector.broadcast %and3A : i32 to vector<16xi32>
        %and3A_458 = arith.andi %shift_right_logical3A_456, %and3A_457 : vector<16xi32>
        %bitcast3A_459 = vector.bitcast %and3A_458 : vector<16xi32> to vector<16xi32>
        %broadcast_in_dim3A_460 = arith.constant true
        %broadcast_in_dim3A_461 = vector.broadcast %broadcast_in_dim3A_460 : i1 to vector<16xi1>
        %unique3A, %unique3A_462 = tpu.scan_count mask(%broadcast_in_dim3A_461 : vector<16xi1>) value(%bitcast3A_459 : vector<16xi32>) : vector<16xi1>, vector<16xi32>
        %gather3A_463 = tpu.vector_load_idx %arg20[%bitcast3A_459] : memref<32xi32, #tpu.memory_space<vmem>>[vector<16xi32>], vector<16xi32>,
        %sub3A_464 = arith.constant 1 : i32
        %sub3A_465 = vector.broadcast %sub3A_464 : i32 to vector<16xi32>
        %sub3A_466 = arith.subi %unique3A_462, %sub3A_465 : vector<16xi32>
        %add3A_467 = arith.addi %gather3A_463, %sub3A_466 : vector<16xi32>
        tpu.vector_store_idx %arg17[%add3A_467], %get3A_450 : memref<1024xi32, #tpu.memory_space<vmem>>[vector<16xi32>], vector<16xi32>,
        tpu.vector_store_idx %arg18[%add3A_467], %get3A_454 : memref<1024xi32, #tpu.memory_space<vmem>>[vector<16xi32>], vector<16xi32>,
        tpu.vector_store_idx %arg20[%bitcast3A_459], %unique3A_462 masked %unique3A {add = true} : memref<32xi32, #tpu.memory_space<vmem>>[vector<16xi32>], vector<16xi32>, vector<16xi1>
        %scan3A_468 = arith.constant 0 : i32
        scf.yield %scan3A_468 : i32
      }
      %scan3A_271 = arith.constant 64 : i32
      %broadcast_in_dim3A_272 = arith.constant 0 : i32
      %broadcast_in_dim3A_273 = vector.broadcast %broadcast_in_dim3A_272 : i32 to vector<16xi32>
      %swap3A_274 = arith.constant 0 : index
      %swap3A_275 = tpu.vector_load %arg19[%swap3A_274] {strides = array<i32>} : memref<32xi32, #tpu.memory_space<vmem>>, vector<16xi32>,
      tpu.vector_store %arg19[%swap3A_274], %broadcast_in_dim3A_273 {strides = array<i32>} : memref<32xi32, #tpu.memory_space<vmem>>, vector<16xi32>,
      %broadcast_in_dim3A_276 = arith.constant 0 : i32
      %broadcast_in_dim3A_277 = vector.broadcast %broadcast_in_dim3A_276 : i32 to vector<16xi32>
      %swap3A_278 = arith.constant 16 : index
      %swap3A_279 = tpu.vector_load %arg19[%swap3A_278] {strides = array<i32>} : memref<32xi32, #tpu.memory_space<vmem>>, vector<16xi32>,
      tpu.vector_store %arg19[%swap3A_278], %broadcast_in_dim3A_277 {strides = array<i32>} : memref<32xi32, #tpu.memory_space<vmem>>, vector<16xi32>,
      %scan3A_280 = arith.constant 0 : i32
      %scan3A_281 = arith.constant 0 : i32
      %scan3A_282 = arith.constant 64 : i32
      %scan3A_283 = arith.addi %scan3A_281, %scan3A_282 : i32
      %scan3A_284 = arith.constant 1 : i32
      %scan3A_285 = scf.for %scan3A_445 = %scan3A_281 to %scan3A_283 step %scan3A_284 iter_args(%scan3A_446 = %scan3A_280) -> (i32)  : i32 {
        %mul3A_447 = arith.constant 16 : i32
        %mul3A_448 = arith.muli %scan3A_445, %mul3A_447 : i32
        %get3A_449 = arith.index_cast %mul3A_448 : i32 to index
        %get3A_450 = tpu.vector_load %arg17[%get3A_449] {strides = array<i32>} : memref<1024xi32, #tpu.memory_space<vmem>>, vector<16xi32>,
        %bitcast3A = vector.bitcast %get3A_450 : vector<16xi32> to vector<16xi32>
        %shift_right_logical3A = arith.constant 25 : i32
        %shift_right_logical3A_451 = vector.broadcast %shift_right_logical3A : i32 to vector<16xi32>
        %shift_right_logical3A_452 = arith.shrui %bitcast3A, %shift_right_logical3A_451 : vector<16xi32>
        %and3A = arith.constant 31 : i32
        %and3A_453 = vector.broadcast %and3A : i32 to vector<16xi32>
        %and3A_454 = arith.andi %shift_right_logical3A_452, %and3A_453 : vector<16xi32>
        %bitcast3A_455 = vector.bitcast %and3A_454 : vector<16xi32> to vector<16xi32>
        %broadcast_in_dim3A_456 = arith.constant true
        %broadcast_in_dim3A_457 = vector.broadcast %broadcast_in_dim3A_456 : i1 to vector<16xi1>
        %unique3A, %unique3A_458 = tpu.scan_count mask(%broadcast_in_dim3A_457 : vector<16xi1>) value(%bitcast3A_455 : vector<16xi32>) : vector<16xi1>, vector<16xi32>
        tpu.vector_store_idx %arg19[%bitcast3A_455], %unique3A_458 masked %unique3A {add = true} : memref<32xi32, #tpu.memory_space<vmem>>[vector<16xi32>], vector<16xi32>, vector<16xi1>
        %scan3A_459 = arith.constant 0 : i32
        scf.yield %scan3A_459 : i32
      }
      %scan3A_286 = arith.constant 64 : i32
      %get3A_287 = arith.constant 0 : index
      %get3A_288 = tpu.vector_load %arg19[%get3A_287] {strides = array<i32>} : memref<32xi32, #tpu.memory_space<vmem>>, vector<16xi32>,
      %get3A_289 = arith.constant 16 : index
      %get3A_290 = tpu.vector_load %arg19[%get3A_289] {strides = array<i32>} : memref<32xi32, #tpu.memory_space<vmem>>, vector<16xi32>,
      %broadcast_in_dim3A_291 = arith.constant true
      %broadcast_in_dim3A_292 = vector.broadcast %broadcast_in_dim3A_291 : i1 to vector<16xi1>
      %masked_cumsum3A_293 = tpu.scan <sum>, %get3A_288 masked %broadcast_in_dim3A_292 : vector<16xi32>, vector<16xi1> -> vector<16xi32>
      %sub3A_294 = arith.subi %masked_cumsum3A_293, %get3A_288 : vector<16xi32>
      %broadcast_in_dim3A_295 = arith.constant true
      %broadcast_in_dim3A_296 = vector.broadcast %broadcast_in_dim3A_295 : i1 to vector<16xi1>
      %masked_cumsum3A_297 = tpu.scan <sum>, %get3A_288 masked %broadcast_in_dim3A_296 : vector<16xi32>, vector<16xi1> -> vector<16xi32>
      %reduce_max3A_298 = arith.constant true
      %reduce_max3A_299 = vector.broadcast %reduce_max3A_298 : i1 to vector<16xi1>
      %reduce_max3A_300 = arith.constant -2147483648 : i32
      %reduce_max3A_301 = vector.broadcast %reduce_max3A_300 : i32 to vector<16xi32>
      %reduce_max3A_302 = arith.xori %masked_cumsum3A_297, %reduce_max3A_301 : vector<16xi32>
      %reduce_max3A_303 = tpu.scan <max>, %reduce_max3A_302 masked %reduce_max3A_299 : vector<16xi32>, vector<16xi1> -> vector<16xi32>
      %reduce_max3A_304 = arith.xori %reduce_max3A_303, %reduce_max3A_301 : vector<16xi32>
      %reduce_max3A_305 = vector.extract %reduce_max3A_304[15] : i32 from vector<16xi32>
      %broadcast_in_dim3A_306 = arith.constant true
      %broadcast_in_dim3A_307 = vector.broadcast %broadcast_in_dim3A_306 : i1 to vector<16xi1>
      %masked_cumsum3A_308 = tpu.scan <sum>, %get3A_290 masked %broadcast_in_dim3A_307 : vector<16xi32>, vector<16xi1> -> vector<16xi32>
      %sub3A_309 = arith.subi %masked_cumsum3A_308, %get3A_290 : vector<16xi32>
      %add3A_310 = vector.broadcast %reduce_max3A_305 : i32 to vector<16xi32>
      %add3A_311 = arith.addi %sub3A_309, %add3A_310 : vector<16xi32>
      %swap3A_312 = arith.constant 0 : index
      %swap3A_313 = tpu.vector_load %arg20[%swap3A_312] {strides = array<i32>} : memref<32xi32, #tpu.memory_space<vmem>>, vector<16xi32>,
      tpu.vector_store %arg20[%swap3A_312], %sub3A_294 {strides = array<i32>} : memref<32xi32, #tpu.memory_space<vmem>>, vector<16xi32>,
      %swap3A_314 = arith.constant 16 : index
      %swap3A_315 = tpu.vector_load %arg20[%swap3A_314] {strides = array<i32>} : memref<32xi32, #tpu.memory_space<vmem>>, vector<16xi32>,
      tpu.vector_store %arg20[%swap3A_314], %add3A_311 {strides = array<i32>} : memref<32xi32, #tpu.memory_space<vmem>>, vector<16xi32>,
      %scan3A_316 = arith.constant 0 : i32
      %scan3A_317 = arith.constant 0 : i32
      %scan3A_318 = arith.constant 64 : i32
      %scan3A_319 = arith.addi %scan3A_317, %scan3A_318 : i32
      %scan3A_320 = arith.constant 1 : i32
      %scan3A_321 = scf.for %scan3A_445 = %scan3A_317 to %scan3A_319 step %scan3A_320 iter_args(%scan3A_446 = %scan3A_316) -> (i32)  : i32 {
        %mul3A_447 = arith.constant 16 : i32
        %mul3A_448 = arith.muli %scan3A_445, %mul3A_447 : i32
        %get3A_449 = arith.index_cast %mul3A_448 : i32 to index
        %get3A_450 = tpu.vector_load %arg17[%get3A_449] {strides = array<i32>} : memref<1024xi32, #tpu.memory_space<vmem>>, vector<16xi32>,
        %mul3A_451 = arith.constant 16 : i32
        %mul3A_452 = arith.muli %scan3A_445, %mul3A_451 : i32
        %get3A_453 = arith.index_cast %mul3A_452 : i32 to index
        %get3A_454 = tpu.vector_load %arg18[%get3A_453] {strides = array<i32>} : memref<1024xi32, #tpu.memory_space<vmem>>, vector<16xi32>,
        %bitcast3A = vector.bitcast %get3A_450 : vector<16xi32> to vector<16xi32>
        %shift_right_logical3A = arith.constant 25 : i32
        %shift_right_logical3A_455 = vector.broadcast %shift_right_logical3A : i32 to vector<16xi32>
        %shift_right_logical3A_456 = arith.shrui %bitcast3A, %shift_right_logical3A_455 : vector<16xi32>
        %and3A = arith.constant 31 : i32
        %and3A_457 = vector.broadcast %and3A : i32 to vector<16xi32>
        %and3A_458 = arith.andi %shift_right_logical3A_456, %and3A_457 : vector<16xi32>
        %bitcast3A_459 = vector.bitcast %and3A_458 : vector<16xi32> to vector<16xi32>
        %broadcast_in_dim3A_460 = arith.constant true
        %broadcast_in_dim3A_461 = vector.broadcast %broadcast_in_dim3A_460 : i1 to vector<16xi1>
        %unique3A, %unique3A_462 = tpu.scan_count mask(%broadcast_in_dim3A_461 : vector<16xi1>) value(%bitcast3A_459 : vector<16xi32>) : vector<16xi1>, vector<16xi32>
        %gather3A_463 = tpu.vector_load_idx %arg20[%bitcast3A_459] : memref<32xi32, #tpu.memory_space<vmem>>[vector<16xi32>], vector<16xi32>,
        %sub3A_464 = arith.constant 1 : i32
        %sub3A_465 = vector.broadcast %sub3A_464 : i32 to vector<16xi32>
        %sub3A_466 = arith.subi %unique3A_462, %sub3A_465 : vector<16xi32>
        %add3A_467 = arith.addi %gather3A_463, %sub3A_466 : vector<16xi32>
        tpu.vector_store_idx %arg15[%add3A_467], %get3A_450 : memref<1056xi32, #tpu.memory_space<vmem>>[vector<16xi32>], vector<16xi32>,
        tpu.vector_store_idx %arg16[%add3A_467], %get3A_454 : memref<1056xi32, #tpu.memory_space<vmem>>[vector<16xi32>], vector<16xi32>,
        tpu.vector_store_idx %arg20[%bitcast3A_459], %unique3A_462 masked %unique3A {add = true} : memref<32xi32, #tpu.memory_space<vmem>>[vector<16xi32>], vector<16xi32>, vector<16xi1>
        %scan3A_468 = arith.constant 0 : i32
        scf.yield %scan3A_468 : i32
      }
      %scan3A_322 = arith.constant 64 : i32
      %scan3A_323 = arith.constant 0 : i32
      %scan3A_324 = arith.constant 0 : i32
      %scan3A_325 = arith.constant 64 : i32
      %scan3A_326 = arith.addi %scan3A_324, %scan3A_325 : i32
      %scan3A_327 = arith.constant 1 : i32
      %scan3A_328 = scf.for %scan3A_445 = %scan3A_324 to %scan3A_326 step %scan3A_327 iter_args(%scan3A_446 = %scan3A_323) -> (i32)  : i32 {
        %mul3A_447 = arith.constant 16 : i32
        %mul3A_448 = arith.muli %scan3A_445, %mul3A_447 : i32
        %get3A_449 = arith.index_cast %mul3A_448 : i32 to index
        %get3A_450 = tpu.vector_load %arg15[%get3A_449] {strides = array<i32>} : memref<1056xi32, #tpu.memory_space<vmem>>, vector<16xi32>,
        %not3A = arith.constant dense<-1> : vector<16xi32>
        %not3A_451 = arith.xori %get3A_450, %not3A : vector<16xi32>
        %bitcast3A = vector.bitcast %not3A_451 : vector<16xi32> to vector<16xf32>
        %mul3A_452 = arith.constant 16 : i32
        %mul3A_453 = arith.muli %scan3A_445, %mul3A_452 : i32
        %swap3A_454 = arith.index_cast %mul3A_453 : i32 to index
        %swap3A_455 = tpu.vector_load %arg22[%swap3A_454] {strides = array<i32>} : memref<1024xf32, #tpu.memory_space<vmem>>, vector<16xf32>,
        tpu.vector_store %arg22[%swap3A_454], %bitcast3A {strides = array<i32>} : memref<1024xf32, #tpu.memory_space<vmem>>, vector<16xf32>,
        %mul3A_456 = arith.constant 16 : i32
        %mul3A_457 = arith.muli %scan3A_445, %mul3A_456 : i32
        %get3A_458 = arith.index_cast %mul3A_457 : i32 to index
        %get3A_459 = tpu.vector_load %arg16[%get3A_458] {strides = array<i32>} : memref<1056xi32, #tpu.memory_space<vmem>>, vector<16xi32>,
        %ge3A = arith.constant 20480 : i32
        %ge3A_460 = vector.broadcast %ge3A : i32 to vector<16xi32>
        %ge3A_461 = arith.cmpi sge, %get3A_459, %ge3A_460 : vector<16xi32>
        %broadcast_in_dim3A_462 = arith.constant 480 : i32
        %broadcast_in_dim3A_463 = vector.broadcast %broadcast_in_dim3A_462 : i32 to vector<16xi32>
        %broadcast_in_dim3A_464 = arith.constant 0 : i32
        %broadcast_in_dim3A_465 = vector.broadcast %broadcast_in_dim3A_464 : i32 to vector<16xi32>
        %select_n3A_466 = arith.select %ge3A_461, %broadcast_in_dim3A_463, %broadcast_in_dim3A_465 : vector<16xi1>, vector<16xi32>
        %sub3A_467 = arith.subi %get3A_459, %select_n3A_466 : vector<16xi32>
        %mul3A_468 = arith.constant 16 : i32
        %mul3A_469 = arith.muli %scan3A_445, %mul3A_468 : i32
        %swap3A_470 = arith.index_cast %mul3A_469 : i32 to index
        %swap3A_471 = tpu.vector_load %arg21[%swap3A_470] {strides = array<i32>} : memref<1024xi32, #tpu.memory_space<vmem>>, vector<16xi32>,
        tpu.vector_store %arg21[%swap3A_470], %sub3A_467 {strides = array<i32>} : memref<1024xi32, #tpu.memory_space<vmem>>, vector<16xi32>,
        %scan3A_472 = arith.constant 0 : i32
        scf.yield %scan3A_472 : i32
      }
      %scan3A_329 = arith.constant 64 : i32
      %broadcast_in_dim3A_330 = arith.constant 0 : i32
      %broadcast_in_dim3A_331 = vector.broadcast %broadcast_in_dim3A_330 : i32 to vector<16xi32>
      %get3A_332 = arith.constant 48 : index
      %get3A_333 = tpu.vector_load %arg12[%get3A_332] {strides = array<i32>} : memref<64xi32, #tpu.memory_space<vmem>>, vector<16xi32>,
      %get3A_334 = arith.constant 48 : index
      %get3A_335 = tpu.vector_load %arg13[%get3A_334] {strides = array<i32>} : memref<64xi32, #tpu.memory_space<vmem>>, vector<16xi32>,
      %eq3A = arith.constant 1 : i32
      %eq3A_336 = vector.broadcast %eq3A : i32 to vector<16xi32>
      %eq3A_337 = arith.cmpi eq, %get3A_335, %eq3A_336 : vector<16xi32>
      %broadcast_in_dim3A_338 = arith.constant 0 : i32
      %broadcast_in_dim3A_339 = vector.broadcast %broadcast_in_dim3A_338 : i32 to vector<16xi32>
      %select_n3A = arith.select %eq3A_337, %get3A_333, %broadcast_in_dim3A_339 : vector<16xi1>, vector<16xi32>
      %ne3A = arith.constant 0 : i32
      %ne3A_340 = vector.broadcast %ne3A : i32 to vector<16xi32>
      %ne3A_341 = arith.cmpi ne, %select_n3A, %ne3A_340 : vector<16xi32>
      %all_reduce_ffs3A = tpu.all_reduce %ne3A_341 {dim = 0 : i64, kind = #tpu.reduction_kind<find_first_set>} : vector<16xi1> -> vector<16xi32>
      %swap3A_342 = arith.constant 0 : index
      %swap3A_343 = tpu.vector_load %arg24[%swap3A_342] {strides = array<i32>} : memref<16xi32, #tpu.memory_space<vmem>>, vector<16xi32>,
      tpu.vector_store %arg24[%swap3A_342], %select_n3A {strides = array<i32>} : memref<16xi32, #tpu.memory_space<vmem>>, vector<16xi32>,
      %min3A = arith.constant 15 : i32
      %min3A_344 = vector.broadcast %min3A : i32 to vector<16xi32>
      %min3A_345 = arith.minsi %all_reduce_ffs3A, %min3A_344 : vector<16xi32>
      %gather3A = tpu.vector_load_idx %arg24[%min3A_345] : memref<16xi32, #tpu.memory_space<vmem>>[vector<16xi32>], vector<16xi32>,
      %lt3A_346 = arith.constant 16 : i32
      %lt3A_347 = vector.broadcast %lt3A_346 : i32 to vector<16xi32>
      %lt3A_348 = arith.cmpi slt, %all_reduce_ffs3A, %lt3A_347 : vector<16xi32>
      %select_n3A_349 = arith.select %lt3A_348, %gather3A, %broadcast_in_dim3A_331 : vector<16xi1>, vector<16xi32>
      %get3A_350 = arith.constant 32 : index
      %get3A_351 = tpu.vector_load %arg12[%get3A_350] {strides = array<i32>} : memref<64xi32, #tpu.memory_space<vmem>>, vector<16xi32>,
      %get3A_352 = arith.constant 32 : index
      %get3A_353 = tpu.vector_load %arg13[%get3A_352] {strides = array<i32>} : memref<64xi32, #tpu.memory_space<vmem>>, vector<16xi32>,
      %eq3A_354 = arith.constant 1 : i32
      %eq3A_355 = vector.broadcast %eq3A_354 : i32 to vector<16xi32>
      %eq3A_356 = arith.cmpi eq, %get3A_353, %eq3A_355 : vector<16xi32>
      %broadcast_in_dim3A_357 = arith.constant 0 : i32
      %broadcast_in_dim3A_358 = vector.broadcast %broadcast_in_dim3A_357 : i32 to vector<16xi32>
      %select_n3A_359 = arith.select %eq3A_356, %get3A_351, %broadcast_in_dim3A_358 : vector<16xi1>, vector<16xi32>
      %ne3A_360 = arith.constant 0 : i32
      %ne3A_361 = vector.broadcast %ne3A_360 : i32 to vector<16xi32>
      %ne3A_362 = arith.cmpi ne, %select_n3A_359, %ne3A_361 : vector<16xi32>
      %all_reduce_ffs3A_363 = tpu.all_reduce %ne3A_362 {dim = 0 : i64, kind = #tpu.reduction_kind<find_first_set>} : vector<16xi1> -> vector<16xi32>
      %swap3A_364 = arith.constant 0 : index
      %swap3A_365 = tpu.vector_load %arg24[%swap3A_364] {strides = array<i32>} : memref<16xi32, #tpu.memory_space<vmem>>, vector<16xi32>,
      tpu.vector_store %arg24[%swap3A_364], %select_n3A_359 {strides = array<i32>} : memref<16xi32, #tpu.memory_space<vmem>>, vector<16xi32>,
      %min3A_366 = arith.constant 15 : i32
      %min3A_367 = vector.broadcast %min3A_366 : i32 to vector<16xi32>
      %min3A_368 = arith.minsi %all_reduce_ffs3A_363, %min3A_367 : vector<16xi32>
      %gather3A_369 = tpu.vector_load_idx %arg24[%min3A_368] : memref<16xi32, #tpu.memory_space<vmem>>[vector<16xi32>], vector<16xi32>,
      %lt3A_370 = arith.constant 16 : i32
      %lt3A_371 = vector.broadcast %lt3A_370 : i32 to vector<16xi32>
      %lt3A_372 = arith.cmpi slt, %all_reduce_ffs3A_363, %lt3A_371 : vector<16xi32>
      %select_n3A_373 = arith.select %lt3A_372, %gather3A_369, %select_n3A_349 : vector<16xi1>, vector<16xi32>
      %get3A_374 = arith.constant 16 : index
      %get3A_375 = tpu.vector_load %arg12[%get3A_374] {strides = array<i32>} : memref<64xi32, #tpu.memory_space<vmem>>, vector<16xi32>,
      %get3A_376 = arith.constant 16 : index
      %get3A_377 = tpu.vector_load %arg13[%get3A_376] {strides = array<i32>} : memref<64xi32, #tpu.memory_space<vmem>>, vector<16xi32>,
      %eq3A_378 = arith.constant 1 : i32
      %eq3A_379 = vector.broadcast %eq3A_378 : i32 to vector<16xi32>
      %eq3A_380 = arith.cmpi eq, %get3A_377, %eq3A_379 : vector<16xi32>
      %broadcast_in_dim3A_381 = arith.constant 0 : i32
      %broadcast_in_dim3A_382 = vector.broadcast %broadcast_in_dim3A_381 : i32 to vector<16xi32>
      %select_n3A_383 = arith.select %eq3A_380, %get3A_375, %broadcast_in_dim3A_382 : vector<16xi1>, vector<16xi32>
      %ne3A_384 = arith.constant 0 : i32
      %ne3A_385 = vector.broadcast %ne3A_384 : i32 to vector<16xi32>
      %ne3A_386 = arith.cmpi ne, %select_n3A_383, %ne3A_385 : vector<16xi32>
      %all_reduce_ffs3A_387 = tpu.all_reduce %ne3A_386 {dim = 0 : i64, kind = #tpu.reduction_kind<find_first_set>} : vector<16xi1> -> vector<16xi32>
      %swap3A_388 = arith.constant 0 : index
      %swap3A_389 = tpu.vector_load %arg24[%swap3A_388] {strides = array<i32>} : memref<16xi32, #tpu.memory_space<vmem>>, vector<16xi32>,
      tpu.vector_store %arg24[%swap3A_388], %select_n3A_383 {strides = array<i32>} : memref<16xi32, #tpu.memory_space<vmem>>, vector<16xi32>,
      %min3A_390 = arith.constant 15 : i32
      %min3A_391 = vector.broadcast %min3A_390 : i32 to vector<16xi32>
      %min3A_392 = arith.minsi %all_reduce_ffs3A_387, %min3A_391 : vector<16xi32>
      %gather3A_393 = tpu.vector_load_idx %arg24[%min3A_392] : memref<16xi32, #tpu.memory_space<vmem>>[vector<16xi32>], vector<16xi32>,
      %lt3A_394 = arith.constant 16 : i32
      %lt3A_395 = vector.broadcast %lt3A_394 : i32 to vector<16xi32>
      %lt3A_396 = arith.cmpi slt, %all_reduce_ffs3A_387, %lt3A_395 : vector<16xi32>
      %select_n3A_397 = arith.select %lt3A_396, %gather3A_393, %select_n3A_373 : vector<16xi1>, vector<16xi32>
      %get3A_398 = arith.constant 0 : index
      %get3A_399 = tpu.vector_load %arg12[%get3A_398] {strides = array<i32>} : memref<64xi32, #tpu.memory_space<vmem>>, vector<16xi32>,
      %get3A_400 = arith.constant 0 : index
      %get3A_401 = tpu.vector_load %arg13[%get3A_400] {strides = array<i32>} : memref<64xi32, #tpu.memory_space<vmem>>, vector<16xi32>,
      %eq3A_402 = arith.constant 1 : i32
      %eq3A_403 = vector.broadcast %eq3A_402 : i32 to vector<16xi32>
      %eq3A_404 = arith.cmpi eq, %get3A_401, %eq3A_403 : vector<16xi32>
      %broadcast_in_dim3A_405 = arith.constant 0 : i32
      %broadcast_in_dim3A_406 = vector.broadcast %broadcast_in_dim3A_405 : i32 to vector<16xi32>
      %select_n3A_407 = arith.select %eq3A_404, %get3A_399, %broadcast_in_dim3A_406 : vector<16xi1>, vector<16xi32>
      %ne3A_408 = arith.constant 0 : i32
      %ne3A_409 = vector.broadcast %ne3A_408 : i32 to vector<16xi32>
      %ne3A_410 = arith.cmpi ne, %select_n3A_407, %ne3A_409 : vector<16xi32>
      %all_reduce_ffs3A_411 = tpu.all_reduce %ne3A_410 {dim = 0 : i64, kind = #tpu.reduction_kind<find_first_set>} : vector<16xi1> -> vector<16xi32>
      %swap3A_412 = arith.constant 0 : index
      %swap3A_413 = tpu.vector_load %arg24[%swap3A_412] {strides = array<i32>} : memref<16xi32, #tpu.memory_space<vmem>>, vector<16xi32>,
      tpu.vector_store %arg24[%swap3A_412], %select_n3A_407 {strides = array<i32>} : memref<16xi32, #tpu.memory_space<vmem>>, vector<16xi32>,
      %min3A_414 = arith.constant 15 : i32
      %min3A_415 = vector.broadcast %min3A_414 : i32 to vector<16xi32>
      %min3A_416 = arith.minsi %all_reduce_ffs3A_411, %min3A_415 : vector<16xi32>
      %gather3A_417 = tpu.vector_load_idx %arg24[%min3A_416] : memref<16xi32, #tpu.memory_space<vmem>>[vector<16xi32>], vector<16xi32>,
      %lt3A_418 = arith.constant 16 : i32
      %lt3A_419 = vector.broadcast %lt3A_418 : i32 to vector<16xi32>
      %lt3A_420 = arith.cmpi slt, %all_reduce_ffs3A_411, %lt3A_419 : vector<16xi32>
      %select_n3A_421 = arith.select %lt3A_420, %gather3A_417, %select_n3A_397 : vector<16xi1>, vector<16xi32>
      %convert_element_type3A_422 = arith.sitofp %select_n3A_421 : vector<16xi32> to vector<16xf32>
      %dma_wait3A = arith.constant 0 : i32
      %dma_wait3A_423 = tpu.memref_slice %arg4[%add3A, %dma_wait3A] : memref<16x80000xf32, #tpu.memory_space<hbm>> -> memref<1x80000xf32, #tpu.memory_space<hbm>>
      %dma_wait3A_424 = tpu.memref_squeeze %dma_wait3A_423 : memref<1x80000xf32, #tpu.memory_space<hbm>> -> memref<80000xf32, #tpu.memory_space<hbm>>
      %dma_wait3A_425 = arith.constant 0 : i32
      %dma_wait3A_426 = tpu.memref_slice %arg4[%add3A, %dma_wait3A_425] : memref<16x80000xf32, #tpu.memory_space<hbm>> -> memref<1x80000xf32, #tpu.memory_space<hbm>>
      %dma_wait3A_427 = tpu.memref_squeeze %dma_wait3A_426 : memref<1x80000xf32, #tpu.memory_space<hbm>> -> memref<80000xf32, #tpu.memory_space<hbm>>
      tpu.wait_dma2 semaphore(%arg25 : memref<!tpu.dma_semaphore, #tpu.memory_space<semaphore_mem>>) src(%dma_wait3A_427 : memref<80000xf32, #tpu.memory_space<hbm>>) dst(%arg14 : memref<80000xf32, #tpu.memory_space<vmem>>)
      %broadcast_in_dim3A_428 = arith.constant 0 : i32
      %broadcast_in_dim3A_429 = vector.broadcast %broadcast_in_dim3A_428 : i32 to vector<16xi32>
      %broadcast_in_dim3A_430 = vector.broadcast %add3A : i32 to vector<16xi32>
      %gather3A_431 = tpu.vector_load_idx %arg11[%broadcast_in_dim3A_429, %broadcast_in_dim3A_430] : memref<2x16xf32, #tpu.memory_space<vmem>>[vector<16xi32>, vector<16xi32>], vector<16xf32>,
      %broadcast_in_dim3A_432 = arith.constant 1 : i32
      %broadcast_in_dim3A_433 = vector.broadcast %broadcast_in_dim3A_432 : i32 to vector<16xi32>
      %broadcast_in_dim3A_434 = vector.broadcast %add3A : i32 to vector<16xi32>
      %gather3A_435 = tpu.vector_load_idx %arg11[%broadcast_in_dim3A_433, %broadcast_in_dim3A_434] : memref<2x16xf32, #tpu.memory_space<vmem>>[vector<16xi32>, vector<16xi32>], vector<16xf32>,
      %scan3A_436 = arith.constant 0 : i32
      %scan3A_437 = arith.constant 0 : i32
      %scan3A_438 = arith.constant 375 : i32
      %scan3A_439 = arith.addi %scan3A_437, %scan3A_438 : i32
      %scan3A_440 = arith.constant 1 : i32
      %scan3A_441 = scf.for %scan3A_445 = %scan3A_437 to %scan3A_439 step %scan3A_440 iter_args(%scan3A_446 = %scan3A_436) -> (i32)  : i32 {
        %mul3A_447 = arith.constant 16 : i32
        %mul3A_448 = arith.muli %scan3A_445, %mul3A_447 : i32
        %add3A_449 = vector.broadcast %mul3A_448 : i32 to vector<16xi32>
        %add3A_450 = arith.addi %add3A_449, %iota3A : vector<16xi32>
        %jit3A = arith.constant 6 : i32
        %div3A = vector.broadcast %jit3A : i32 to vector<16xi32>
        %div3A_451 = arith.divsi %add3A_450, %div3A : vector<16xi32>
        %sign3A = arith.constant 0 : i32
        %sign3A_452 = vector.broadcast %sign3A : i32 to vector<16xi32>
        %sign3A_453 = arith.cmpi sgt, %add3A_450, %sign3A_452 : vector<16xi32>
        %sign3A_454 = arith.extui %sign3A_453 : vector<16xi1> to vector<16xi32>
        %sign3A_455 = arith.constant 0 : i32
        %sign3A_456 = vector.broadcast %sign3A_455 : i32 to vector<16xi32>
        %sign3A_457 = arith.cmpi slt, %add3A_450, %sign3A_456 : vector<16xi32>
        %sign3A_458 = arith.extui %sign3A_457 : vector<16xi1> to vector<16xi32>
        %sign3A_459 = arith.subi %sign3A_454, %sign3A_458 : vector<16xi32>
        %sign3A_460 = arith.constant 0 : i32
        %sign3A_461 = arith.cmpi sgt, %jit3A, %sign3A_460 : i32
        %sign3A_462 = arith.extui %sign3A_461 : i1 to i32
        %sign3A_463 = arith.constant 0 : i32
        %sign3A_464 = arith.cmpi slt, %jit3A, %sign3A_463 : i32
        %sign3A_465 = arith.extui %sign3A_464 : i1 to i32
        %sign3A_466 = arith.subi %sign3A_462, %sign3A_465 : i32
        %ne3A_467 = vector.broadcast %sign3A_466 : i32 to vector<16xi32>
        %ne3A_468 = arith.cmpi ne, %sign3A_459, %ne3A_467 : vector<16xi32>
        %rem3A = vector.broadcast %jit3A : i32 to vector<16xi32>
        %rem3A_469 = arith.remsi %add3A_450, %rem3A : vector<16xi32>
        %ne3A_470 = arith.constant 0 : i32
        %ne3A_471 = vector.broadcast %ne3A_470 : i32 to vector<16xi32>
        %ne3A_472 = arith.cmpi ne, %rem3A_469, %ne3A_471 : vector<16xi32>
        %and3A = arith.andi %ne3A_468, %ne3A_472 : vector<16xi1>
        %sub3A_473 = arith.constant 1 : i32
        %sub3A_474 = vector.broadcast %sub3A_473 : i32 to vector<16xi32>
        %sub3A_475 = arith.subi %div3A_451, %sub3A_474 : vector<16xi32>
        %select_n3A_476 = arith.select %and3A, %sub3A_475, %div3A_451 : vector<16xi1>, vector<16xi32>
        %mul3A_477 = arith.constant 6 : i32
        %mul3A_478 = vector.broadcast %mul3A_477 : i32 to vector<16xi32>
        %mul3A_479 = arith.muli %select_n3A_476, %mul3A_478 : vector<16xi32>
        %sub3A_480 = arith.subi %add3A_450, %mul3A_479 : vector<16xi32>
        %gather3A_481 = tpu.vector_load_idx %arg22[%select_n3A_476] : memref<1024xf32, #tpu.memory_space<vmem>>[vector<16xi32>], vector<16xf32>,
        %sub3A_482 = arith.constant 2 : i32
        %sub3A_483 = vector.broadcast %sub3A_482 : i32 to vector<16xi32>
        %sub3A_484 = arith.subi %sub3A_480, %sub3A_483 : vector<16xi32>
        %and3A_485 = arith.constant 1 : i32
        %and3A_486 = vector.broadcast %and3A_485 : i32 to vector<16xi32>
        %and3A_487 = arith.andi %sub3A_484, %and3A_486 : vector<16xi32>
        %add3A_488 = arith.constant 2 : i32
        %add3A_489 = vector.broadcast %add3A_488 : i32 to vector<16xi32>
        %add3A_490 = arith.addi %and3A_487, %add3A_489 : vector<16xi32>
        %gather3A_491 = tpu.vector_load_idx %arg21[%select_n3A_476] : memref<1024xi32, #tpu.memory_space<vmem>>[vector<16xi32>], vector<16xi32>,
        %mul3A_492 = arith.constant 4 : i32
        %mul3A_493 = vector.broadcast %mul3A_492 : i32 to vector<16xi32>
        %mul3A_494 = arith.muli %gather3A_491, %mul3A_493 : vector<16xi32>
        %add3A_495 = arith.addi %mul3A_494, %and3A_487 : vector<16xi32>
        %gather3A_496 = tpu.vector_load_idx %arg14[%add3A_495] : memref<80000xf32, #tpu.memory_space<vmem>>[vector<16xi32>], vector<16xf32>,
        %mul3A_497 = arith.constant 4 : i32
        %mul3A_498 = vector.broadcast %mul3A_497 : i32 to vector<16xi32>
        %mul3A_499 = arith.muli %gather3A_491, %mul3A_498 : vector<16xi32>
        %add3A_500 = arith.addi %mul3A_499, %add3A_490 : vector<16xi32>
        %gather3A_501 = tpu.vector_load_idx %arg14[%add3A_500] : memref<80000xf32, #tpu.memory_space<vmem>>[vector<16xi32>], vector<16xf32>,
        %lt3A_502 = arith.constant 4 : i32
        %lt3A_503 = vector.broadcast %lt3A_502 : i32 to vector<16xi32>
        %lt3A_504 = arith.cmpi slt, %sub3A_480, %lt3A_503 : vector<16xi32>
        %broadcast_in_dim3A_505 = arith.constant -5.000000e-01 : f32
        %broadcast_in_dim3A_506 = vector.broadcast %broadcast_in_dim3A_505 : f32 to vector<16xf32>
        %broadcast_in_dim3A_507 = arith.constant 5.000000e-01 : f32
        %broadcast_in_dim3A_508 = vector.broadcast %broadcast_in_dim3A_507 : f32 to vector<16xf32>
        %select_n3A_509 = arith.select %lt3A_504, %broadcast_in_dim3A_506, %broadcast_in_dim3A_508 : vector<16xi1>, vector<16xf32>
        %eq3A_510 = arith.constant 0 : i32
        %eq3A_511 = vector.broadcast %eq3A_510 : i32 to vector<16xi32>
        %eq3A_512 = arith.cmpi eq, %and3A_487, %eq3A_511 : vector<16xi32>
        %select_n3A_513 = arith.select %eq3A_512, %gather3A_435, %gather3A_431 : vector<16xi1>, vector<16xf32>
        %mul3A_514 = arith.mulf %select_n3A_509, %gather3A_501 : vector<16xf32>
        %add3A_515 = arith.addf %gather3A_496, %mul3A_514 : vector<16xf32>
        %mul3A_516 = arith.mulf %add3A_515, %select_n3A_513 : vector<16xf32>
        %eq3A_517 = arith.constant 0 : i32
        %eq3A_518 = vector.broadcast %eq3A_517 : i32 to vector<16xi32>
        %eq3A_519 = arith.cmpi eq, %sub3A_480, %eq3A_518 : vector<16xi32>
        %eq3A_520 = arith.constant 1 : i32
        %eq3A_521 = vector.broadcast %eq3A_520 : i32 to vector<16xi32>
        %eq3A_522 = arith.cmpi eq, %sub3A_480, %eq3A_521 : vector<16xi32>
        %select_n3A_523 = arith.select %eq3A_522, %convert_element_type3A_422, %mul3A_516 : vector<16xi1>, vector<16xf32>
        %select_n3A_524 = arith.select %eq3A_519, %gather3A_481, %select_n3A_523 : vector<16xi1>, vector<16xf32>
        %mul3A_525 = arith.constant 16 : i32
        %mul3A_526 = arith.muli %scan3A_445, %mul3A_525 : i32
        %swap3A_527 = arith.index_cast %mul3A_526 : i32 to index
        %swap3A_528 = tpu.vector_load %arg23[%swap3A_527] {strides = array<i32>} : memref<6096xf32, #tpu.memory_space<vmem>>, vector<16xf32>,
        tpu.vector_store %arg23[%swap3A_527], %select_n3A_524 {strides = array<i32>} : memref<6096xf32, #tpu.memory_space<vmem>>, vector<16xf32>,
        %scan3A_529 = arith.constant 0 : i32
        scf.yield %scan3A_529 : i32
      }
      %scan3A_442 = arith.constant 375 : i32
      %mul3A_443 = arith.constant 6000 : i32
      %mul3A_444 = arith.muli %add3A, %mul3A_443 : i32
      "tpu.region"() ({
        %run_scoped3A = tpu.sem_alloc : memref<!tpu.dma_semaphore, #tpu.memory_space<semaphore_mem>>
        %dma_start3A_445 = arith.constant 0 : i32
        %dma_start3A_446 = tpu.memref_slice %arg23[%dma_start3A_445] : memref<6096xf32, #tpu.memory_space<vmem>> -> memref<6000xf32, #tpu.memory_space<vmem>>
        %dma_start3A_447 = tpu.memref_slice %arg8[%mul3A_444] : memref<96000xf32, #tpu.memory_space<hbm>> -> memref<6000xf32, #tpu.memory_space<hbm>>
        %dma_start3A_448 = tpu.memref_slice %arg8[%mul3A_444] : memref<96000xf32, #tpu.memory_space<hbm>> -> memref<6000xf32, #tpu.memory_space<hbm>>
        %dma_start3A_449 = arith.constant 0 : i32
        %dma_start3A_450 = tpu.memref_slice %arg23[%dma_start3A_449] : memref<6096xf32, #tpu.memory_space<vmem>> -> memref<6000xf32, #tpu.memory_space<vmem>>
        tpu.enqueue_dma source(%dma_start3A_450 : memref<6000xf32, #tpu.memory_space<vmem>>) target(%dma_start3A_448 : memref<6000xf32, #tpu.memory_space<hbm>>) target_semaphore(%run_scoped3A : memref<!tpu.dma_semaphore, #tpu.memory_space<semaphore_mem>>)
        %dma_wait3A_451 = arith.constant 0 : i32
        %dma_wait3A_452 = tpu.memref_slice %arg23[%dma_wait3A_451] : memref<6096xf32, #tpu.memory_space<vmem>> -> memref<6000xf32, #tpu.memory_space<vmem>>
        %dma_wait3A_453 = tpu.memref_slice %arg8[%mul3A_444] : memref<96000xf32, #tpu.memory_space<hbm>> -> memref<6000xf32, #tpu.memory_space<hbm>>
        %dma_wait3A_454 = tpu.memref_slice %arg8[%mul3A_444] : memref<96000xf32, #tpu.memory_space<hbm>> -> memref<6000xf32, #tpu.memory_space<hbm>>
        %dma_wait3A_455 = arith.constant 0 : i32
        %dma_wait3A_456 = tpu.memref_slice %arg23[%dma_wait3A_455] : memref<6096xf32, #tpu.memory_space<vmem>> -> memref<6000xf32, #tpu.memory_space<vmem>>
        tpu.wait_dma2 semaphore(%run_scoped3A : memref<!tpu.dma_semaphore, #tpu.memory_space<semaphore_mem>>) src(%dma_wait3A_456 : memref<6000xf32, #tpu.memory_space<vmem>>) dst(%dma_wait3A_454 : memref<6000xf32, #tpu.memory_space<hbm>>)
        tpu.yield
      }) : () -> ()
    } else {
    }
    return
  }
}

module attributes {stable_mosaic.version = 14 : i64} {
  func.func @_thresh_body(%arg0: memref<16x20480xf32, #tpu.memory_space<vmem>>, %arg1: memref<16x1x128xi32, #tpu.memory_space<vmem>>) attributes {dimension_semantics = [], scalar_prefetch = 0 : i64, scratch_operands = 0 : i64, tpu.core_type = #tpu.core_type<tc>} {
    %get3A = arith.constant 0 : index
    %get3A_0 = arith.constant 0 : index
    %get3A_1 = vector.load %arg0[%get3A, %get3A_0] : memref<16x20480xf32, #tpu.memory_space<vmem>>, vector<16x20480xf32>
    %bitcast3A = tpu.bitcast %get3A_1 : vector<16x20480xf32> -> vector<16x20480xi32>
    %broadcast_in_dim3A = arith.constant 0 : i32
    %broadcast_in_dim3A_2 = vector.broadcast %broadcast_in_dim3A : i32 to vector<16x1xi32>
    %scan3A = arith.constant 0 : i32
    %scan3A_3 = arith.constant 31 : i32
    %scan3A_4 = arith.addi %scan3A, %scan3A_3 : i32
    %scan3A_5 = arith.constant 1 : i32
    %scan3A_6 = scf.for %scan3A_14 = %scan3A to %scan3A_4 step %scan3A_5 iter_args(%scan3A_15 = %broadcast_in_dim3A_2) -> (vector<16x1xi32>)  : i32 {
      %sub3A = arith.constant 30 : i32
      %sub3A_16 = arith.subi %sub3A, %scan3A_14 : i32
      %shift_left3A = arith.constant 1 : i32
      %shift_left3A_17 = arith.shli %shift_left3A, %sub3A_16 : i32
      %or3A = vector.broadcast %shift_left3A_17 : i32 to vector<16x1xi32>
      %or3A_18 = arith.ori %scan3A_15, %or3A : vector<16x1xi32>
      %ge3A = vector.broadcast %or3A_18 : vector<16x1xi32> to vector<16x20480xi32>
      %ge3A_19 = arith.cmpi sge, %bitcast3A, %ge3A : vector<16x20480xi32>
      %convert_element_type3A = arith.extui %ge3A_19 : vector<16x20480xi1> to vector<16x20480xi32>
      %reduce_sum3A = arith.constant dense<0> : vector<16xi32>
      %reduce_sum3A_20 = vector.multi_reduction <add>, %convert_element_type3A, %reduce_sum3A [1] : vector<16x20480xi32> to vector<16xi32>
      %broadcast_in_dim3A_21 = vector.shape_cast %reduce_sum3A_20 : vector<16xi32> to vector<16x1xi32>
      %ge3A_22 = arith.constant 1000 : i32
      %ge3A_23 = vector.broadcast %ge3A_22 : i32 to vector<16x1xi32>
      %ge3A_24 = arith.cmpi sge, %broadcast_in_dim3A_21, %ge3A_23 : vector<16x1xi32>
      %select_n3A = arith.select %ge3A_24, %or3A_18, %scan3A_15 : vector<16x1xi1>, vector<16x1xi32>
      scf.yield %select_n3A : vector<16x1xi32>
    }
    %scan3A_7 = arith.constant 31 : i32
    %broadcast_in_dim3A_8 = vector.shape_cast %scan3A_6 : vector<16x1xi32> to vector<16x1x1xi32>
    %broadcast_in_dim3A_9 = vector.shape_cast %broadcast_in_dim3A_8 : vector<16x1x1xi32> to vector<16x1x1xi32>
    %broadcast_in_dim3A_10 = vector.broadcast %broadcast_in_dim3A_9 : vector<16x1x1xi32> to vector<16x1x128xi32>
    %swap3A = arith.constant 0 : index
    %swap3A_11 = arith.constant 0 : index
    %swap3A_12 = arith.constant 0 : index
    %swap3A_13 = vector.load %arg1[%swap3A, %swap3A_11, %swap3A_12] : memref<16x1x128xi32, #tpu.memory_space<vmem>>, vector<16x1x128xi32>
    tpu.vector_store %arg1[%swap3A, %swap3A_11, %swap3A_12], %broadcast_in_dim3A_10 {strides = array<i32>} : memref<16x1x128xi32, #tpu.memory_space<vmem>>, vector<16x1x128xi32>,
    return
  }
}

module attributes {stable_mosaic.version = 14 : i64} {
  func.func @_softmax_thresh_body(%arg0: i32, %arg1: i32, %arg2: memref<1x20000x91xf32, #tpu.memory_space<vmem>>, %arg3: memref<1x1x1x20480xf32, #tpu.memory_space<vmem>>, %arg4: memref<91x20000xf32, #tpu.memory_space<vmem>>) attributes {dimension_semantics = [#tpu.dimension_semantics<parallel>, #tpu.dimension_semantics<parallel>], iteration_bounds = array<i64: 16, 1>, scalar_prefetch = 0 : i64, scratch_operands = 1 : i64, tpu.core_type = #tpu.core_type<tc>, window_params = [{transform_indices = @transform_0, window_bounds = array<i64: 1, 20000, 91>}, {transform_indices = @transform_1, window_bounds = array<i64: 1, 1, 1, 20480>}]} {
    %get3A = arith.constant 0 : index
    %get3A_0 = arith.constant 0 : index
    %get3A_1 = arith.constant 0 : index
    %get3A_2 = vector.load %arg2[%get3A, %get3A_0, %get3A_1] : memref<1x20000x91xf32, #tpu.memory_space<vmem>>, vector<1x20000x91xf32>
    %get3A_3 = vector.shape_cast %get3A_2 : vector<1x20000x91xf32> to vector<20000x91xf32>
    %transpose3A = tpu.transpose %get3A_3, [1, 0] : vector<20000x91xf32> -> vector<91x20000xf32>
    %swap3A = arith.constant 0 : index
    %swap3A_4 = arith.constant 0 : index
    %swap3A_5 = vector.load %arg4[%swap3A, %swap3A_4] : memref<91x20000xf32, #tpu.memory_space<vmem>>, vector<91x20000xf32>
    tpu.vector_store %arg4[%swap3A, %swap3A_4], %transpose3A {strides = array<i32>} : memref<91x20000xf32, #tpu.memory_space<vmem>>, vector<91x20000xf32>,
    %get3A_6 = arith.constant 0 : index
    %get3A_7 = arith.constant 0 : index
    %get3A_8 = vector.load %arg4[%get3A_6, %get3A_7] : memref<91x20000xf32, #tpu.memory_space<vmem>>, vector<1x20000xf32>
    %get3A_9 = vector.shape_cast %get3A_8 : vector<1x20000xf32> to vector<20000xf32>
    %get3A_10 = arith.constant 1 : index
    %get3A_11 = arith.constant 0 : index
    %get3A_12 = vector.load %arg4[%get3A_10, %get3A_11] : memref<91x20000xf32, #tpu.memory_space<vmem>>, vector<1x20000xf32>
    %get3A_13 = vector.shape_cast %get3A_12 : vector<1x20000xf32> to vector<20000xf32>
    %max3A = arith.maximumf %get3A_9, %get3A_13 : vector<20000xf32>
    %get3A_14 = arith.constant 2 : index
    %get3A_15 = arith.constant 0 : index
    %get3A_16 = vector.load %arg4[%get3A_14, %get3A_15] : memref<91x20000xf32, #tpu.memory_space<vmem>>, vector<1x20000xf32>
    %get3A_17 = vector.shape_cast %get3A_16 : vector<1x20000xf32> to vector<20000xf32>
    %max3A_18 = arith.maximumf %max3A, %get3A_17 : vector<20000xf32>
    %get3A_19 = arith.constant 3 : index
    %get3A_20 = arith.constant 0 : index
    %get3A_21 = vector.load %arg4[%get3A_19, %get3A_20] : memref<91x20000xf32, #tpu.memory_space<vmem>>, vector<1x20000xf32>
    %get3A_22 = vector.shape_cast %get3A_21 : vector<1x20000xf32> to vector<20000xf32>
    %max3A_23 = arith.maximumf %max3A_18, %get3A_22 : vector<20000xf32>
    %get3A_24 = arith.constant 4 : index
    %get3A_25 = arith.constant 0 : index
    %get3A_26 = vector.load %arg4[%get3A_24, %get3A_25] : memref<91x20000xf32, #tpu.memory_space<vmem>>, vector<1x20000xf32>
    %get3A_27 = vector.shape_cast %get3A_26 : vector<1x20000xf32> to vector<20000xf32>
    %max3A_28 = arith.maximumf %max3A_23, %get3A_27 : vector<20000xf32>
    %get3A_29 = arith.constant 5 : index
    %get3A_30 = arith.constant 0 : index
    %get3A_31 = vector.load %arg4[%get3A_29, %get3A_30] : memref<91x20000xf32, #tpu.memory_space<vmem>>, vector<1x20000xf32>
    %get3A_32 = vector.shape_cast %get3A_31 : vector<1x20000xf32> to vector<20000xf32>
    %max3A_33 = arith.maximumf %max3A_28, %get3A_32 : vector<20000xf32>
    %get3A_34 = arith.constant 6 : index
    %get3A_35 = arith.constant 0 : index
    %get3A_36 = vector.load %arg4[%get3A_34, %get3A_35] : memref<91x20000xf32, #tpu.memory_space<vmem>>, vector<1x20000xf32>
    %get3A_37 = vector.shape_cast %get3A_36 : vector<1x20000xf32> to vector<20000xf32>
    %max3A_38 = arith.maximumf %max3A_33, %get3A_37 : vector<20000xf32>
    %get3A_39 = arith.constant 7 : index
    %get3A_40 = arith.constant 0 : index
    %get3A_41 = vector.load %arg4[%get3A_39, %get3A_40] : memref<91x20000xf32, #tpu.memory_space<vmem>>, vector<1x20000xf32>
    %get3A_42 = vector.shape_cast %get3A_41 : vector<1x20000xf32> to vector<20000xf32>
    %max3A_43 = arith.maximumf %max3A_38, %get3A_42 : vector<20000xf32>
    %get3A_44 = arith.constant 8 : index
    %get3A_45 = arith.constant 0 : index
    %get3A_46 = vector.load %arg4[%get3A_44, %get3A_45] : memref<91x20000xf32, #tpu.memory_space<vmem>>, vector<1x20000xf32>
    %get3A_47 = vector.shape_cast %get3A_46 : vector<1x20000xf32> to vector<20000xf32>
    %max3A_48 = arith.maximumf %max3A_43, %get3A_47 : vector<20000xf32>
    %get3A_49 = arith.constant 9 : index
    %get3A_50 = arith.constant 0 : index
    %get3A_51 = vector.load %arg4[%get3A_49, %get3A_50] : memref<91x20000xf32, #tpu.memory_space<vmem>>, vector<1x20000xf32>
    %get3A_52 = vector.shape_cast %get3A_51 : vector<1x20000xf32> to vector<20000xf32>
    %max3A_53 = arith.maximumf %max3A_48, %get3A_52 : vector<20000xf32>
    %get3A_54 = arith.constant 10 : index
    %get3A_55 = arith.constant 0 : index
    %get3A_56 = vector.load %arg4[%get3A_54, %get3A_55] : memref<91x20000xf32, #tpu.memory_space<vmem>>, vector<1x20000xf32>
    %get3A_57 = vector.shape_cast %get3A_56 : vector<1x20000xf32> to vector<20000xf32>
    %max3A_58 = arith.maximumf %max3A_53, %get3A_57 : vector<20000xf32>
    %get3A_59 = arith.constant 11 : index
    %get3A_60 = arith.constant 0 : index
    %get3A_61 = vector.load %arg4[%get3A_59, %get3A_60] : memref<91x20000xf32, #tpu.memory_space<vmem>>, vector<1x20000xf32>
    %get3A_62 = vector.shape_cast %get3A_61 : vector<1x20000xf32> to vector<20000xf32>
    %max3A_63 = arith.maximumf %max3A_58, %get3A_62 : vector<20000xf32>
    %get3A_64 = arith.constant 12 : index
    %get3A_65 = arith.constant 0 : index
    %get3A_66 = vector.load %arg4[%get3A_64, %get3A_65] : memref<91x20000xf32, #tpu.memory_space<vmem>>, vector<1x20000xf32>
    %get3A_67 = vector.shape_cast %get3A_66 : vector<1x20000xf32> to vector<20000xf32>
    %max3A_68 = arith.maximumf %max3A_63, %get3A_67 : vector<20000xf32>
    %get3A_69 = arith.constant 13 : index
    %get3A_70 = arith.constant 0 : index
    %get3A_71 = vector.load %arg4[%get3A_69, %get3A_70] : memref<91x20000xf32, #tpu.memory_space<vmem>>, vector<1x20000xf32>
    %get3A_72 = vector.shape_cast %get3A_71 : vector<1x20000xf32> to vector<20000xf32>
    %max3A_73 = arith.maximumf %max3A_68, %get3A_72 : vector<20000xf32>
    %get3A_74 = arith.constant 14 : index
    %get3A_75 = arith.constant 0 : index
    %get3A_76 = vector.load %arg4[%get3A_74, %get3A_75] : memref<91x20000xf32, #tpu.memory_space<vmem>>, vector<1x20000xf32>
    %get3A_77 = vector.shape_cast %get3A_76 : vector<1x20000xf32> to vector<20000xf32>
    %max3A_78 = arith.maximumf %max3A_73, %get3A_77 : vector<20000xf32>
    %get3A_79 = arith.constant 15 : index
    %get3A_80 = arith.constant 0 : index
    %get3A_81 = vector.load %arg4[%get3A_79, %get3A_80] : memref<91x20000xf32, #tpu.memory_space<vmem>>, vector<1x20000xf32>
    %get3A_82 = vector.shape_cast %get3A_81 : vector<1x20000xf32> to vector<20000xf32>
    %max3A_83 = arith.maximumf %max3A_78, %get3A_82 : vector<20000xf32>
    %get3A_84 = arith.constant 16 : index
    %get3A_85 = arith.constant 0 : index
    %get3A_86 = vector.load %arg4[%get3A_84, %get3A_85] : memref<91x20000xf32, #tpu.memory_space<vmem>>, vector<1x20000xf32>
    %get3A_87 = vector.shape_cast %get3A_86 : vector<1x20000xf32> to vector<20000xf32>
    %max3A_88 = arith.maximumf %max3A_83, %get3A_87 : vector<20000xf32>
    %get3A_89 = arith.constant 17 : index
    %get3A_90 = arith.constant 0 : index
    %get3A_91 = vector.load %arg4[%get3A_89, %get3A_90] : memref<91x20000xf32, #tpu.memory_space<vmem>>, vector<1x20000xf32>
    %get3A_92 = vector.shape_cast %get3A_91 : vector<1x20000xf32> to vector<20000xf32>
    %max3A_93 = arith.maximumf %max3A_88, %get3A_92 : vector<20000xf32>
    %get3A_94 = arith.constant 18 : index
    %get3A_95 = arith.constant 0 : index
    %get3A_96 = vector.load %arg4[%get3A_94, %get3A_95] : memref<91x20000xf32, #tpu.memory_space<vmem>>, vector<1x20000xf32>
    %get3A_97 = vector.shape_cast %get3A_96 : vector<1x20000xf32> to vector<20000xf32>
    %max3A_98 = arith.maximumf %max3A_93, %get3A_97 : vector<20000xf32>
    %get3A_99 = arith.constant 19 : index
    %get3A_100 = arith.constant 0 : index
    %get3A_101 = vector.load %arg4[%get3A_99, %get3A_100] : memref<91x20000xf32, #tpu.memory_space<vmem>>, vector<1x20000xf32>
    %get3A_102 = vector.shape_cast %get3A_101 : vector<1x20000xf32> to vector<20000xf32>
    %max3A_103 = arith.maximumf %max3A_98, %get3A_102 : vector<20000xf32>
    %get3A_104 = arith.constant 20 : index
    %get3A_105 = arith.constant 0 : index
    %get3A_106 = vector.load %arg4[%get3A_104, %get3A_105] : memref<91x20000xf32, #tpu.memory_space<vmem>>, vector<1x20000xf32>
    %get3A_107 = vector.shape_cast %get3A_106 : vector<1x20000xf32> to vector<20000xf32>
    %max3A_108 = arith.maximumf %max3A_103, %get3A_107 : vector<20000xf32>
    %get3A_109 = arith.constant 21 : index
    %get3A_110 = arith.constant 0 : index
    %get3A_111 = vector.load %arg4[%get3A_109, %get3A_110] : memref<91x20000xf32, #tpu.memory_space<vmem>>, vector<1x20000xf32>
    %get3A_112 = vector.shape_cast %get3A_111 : vector<1x20000xf32> to vector<20000xf32>
    %max3A_113 = arith.maximumf %max3A_108, %get3A_112 : vector<20000xf32>
    %get3A_114 = arith.constant 22 : index
    %get3A_115 = arith.constant 0 : index
    %get3A_116 = vector.load %arg4[%get3A_114, %get3A_115] : memref<91x20000xf32, #tpu.memory_space<vmem>>, vector<1x20000xf32>
    %get3A_117 = vector.shape_cast %get3A_116 : vector<1x20000xf32> to vector<20000xf32>
    %max3A_118 = arith.maximumf %max3A_113, %get3A_117 : vector<20000xf32>
    %get3A_119 = arith.constant 23 : index
    %get3A_120 = arith.constant 0 : index
    %get3A_121 = vector.load %arg4[%get3A_119, %get3A_120] : memref<91x20000xf32, #tpu.memory_space<vmem>>, vector<1x20000xf32>
    %get3A_122 = vector.shape_cast %get3A_121 : vector<1x20000xf32> to vector<20000xf32>
    %max3A_123 = arith.maximumf %max3A_118, %get3A_122 : vector<20000xf32>
    %get3A_124 = arith.constant 24 : index
    %get3A_125 = arith.constant 0 : index
    %get3A_126 = vector.load %arg4[%get3A_124, %get3A_125] : memref<91x20000xf32, #tpu.memory_space<vmem>>, vector<1x20000xf32>
    %get3A_127 = vector.shape_cast %get3A_126 : vector<1x20000xf32> to vector<20000xf32>
    %max3A_128 = arith.maximumf %max3A_123, %get3A_127 : vector<20000xf32>
    %get3A_129 = arith.constant 25 : index
    %get3A_130 = arith.constant 0 : index
    %get3A_131 = vector.load %arg4[%get3A_129, %get3A_130] : memref<91x20000xf32, #tpu.memory_space<vmem>>, vector<1x20000xf32>
    %get3A_132 = vector.shape_cast %get3A_131 : vector<1x20000xf32> to vector<20000xf32>
    %max3A_133 = arith.maximumf %max3A_128, %get3A_132 : vector<20000xf32>
    %get3A_134 = arith.constant 26 : index
    %get3A_135 = arith.constant 0 : index
    %get3A_136 = vector.load %arg4[%get3A_134, %get3A_135] : memref<91x20000xf32, #tpu.memory_space<vmem>>, vector<1x20000xf32>
    %get3A_137 = vector.shape_cast %get3A_136 : vector<1x20000xf32> to vector<20000xf32>
    %max3A_138 = arith.maximumf %max3A_133, %get3A_137 : vector<20000xf32>
    %get3A_139 = arith.constant 27 : index
    %get3A_140 = arith.constant 0 : index
    %get3A_141 = vector.load %arg4[%get3A_139, %get3A_140] : memref<91x20000xf32, #tpu.memory_space<vmem>>, vector<1x20000xf32>
    %get3A_142 = vector.shape_cast %get3A_141 : vector<1x20000xf32> to vector<20000xf32>
    %max3A_143 = arith.maximumf %max3A_138, %get3A_142 : vector<20000xf32>
    %get3A_144 = arith.constant 28 : index
    %get3A_145 = arith.constant 0 : index
    %get3A_146 = vector.load %arg4[%get3A_144, %get3A_145] : memref<91x20000xf32, #tpu.memory_space<vmem>>, vector<1x20000xf32>
    %get3A_147 = vector.shape_cast %get3A_146 : vector<1x20000xf32> to vector<20000xf32>
    %max3A_148 = arith.maximumf %max3A_143, %get3A_147 : vector<20000xf32>
    %get3A_149 = arith.constant 29 : index
    %get3A_150 = arith.constant 0 : index
    %get3A_151 = vector.load %arg4[%get3A_149, %get3A_150] : memref<91x20000xf32, #tpu.memory_space<vmem>>, vector<1x20000xf32>
    %get3A_152 = vector.shape_cast %get3A_151 : vector<1x20000xf32> to vector<20000xf32>
    %max3A_153 = arith.maximumf %max3A_148, %get3A_152 : vector<20000xf32>
    %get3A_154 = arith.constant 30 : index
    %get3A_155 = arith.constant 0 : index
    %get3A_156 = vector.load %arg4[%get3A_154, %get3A_155] : memref<91x20000xf32, #tpu.memory_space<vmem>>, vector<1x20000xf32>
    %get3A_157 = vector.shape_cast %get3A_156 : vector<1x20000xf32> to vector<20000xf32>
    %max3A_158 = arith.maximumf %max3A_153, %get3A_157 : vector<20000xf32>
    %get3A_159 = arith.constant 31 : index
    %get3A_160 = arith.constant 0 : index
    %get3A_161 = vector.load %arg4[%get3A_159, %get3A_160] : memref<91x20000xf32, #tpu.memory_space<vmem>>, vector<1x20000xf32>
    %get3A_162 = vector.shape_cast %get3A_161 : vector<1x20000xf32> to vector<20000xf32>
    %max3A_163 = arith.maximumf %max3A_158, %get3A_162 : vector<20000xf32>
    %get3A_164 = arith.constant 32 : index
    %get3A_165 = arith.constant 0 : index
    %get3A_166 = vector.load %arg4[%get3A_164, %get3A_165] : memref<91x20000xf32, #tpu.memory_space<vmem>>, vector<1x20000xf32>
    %get3A_167 = vector.shape_cast %get3A_166 : vector<1x20000xf32> to vector<20000xf32>
    %max3A_168 = arith.maximumf %max3A_163, %get3A_167 : vector<20000xf32>
    %get3A_169 = arith.constant 33 : index
    %get3A_170 = arith.constant 0 : index
    %get3A_171 = vector.load %arg4[%get3A_169, %get3A_170] : memref<91x20000xf32, #tpu.memory_space<vmem>>, vector<1x20000xf32>
    %get3A_172 = vector.shape_cast %get3A_171 : vector<1x20000xf32> to vector<20000xf32>
    %max3A_173 = arith.maximumf %max3A_168, %get3A_172 : vector<20000xf32>
    %get3A_174 = arith.constant 34 : index
    %get3A_175 = arith.constant 0 : index
    %get3A_176 = vector.load %arg4[%get3A_174, %get3A_175] : memref<91x20000xf32, #tpu.memory_space<vmem>>, vector<1x20000xf32>
    %get3A_177 = vector.shape_cast %get3A_176 : vector<1x20000xf32> to vector<20000xf32>
    %max3A_178 = arith.maximumf %max3A_173, %get3A_177 : vector<20000xf32>
    %get3A_179 = arith.constant 35 : index
    %get3A_180 = arith.constant 0 : index
    %get3A_181 = vector.load %arg4[%get3A_179, %get3A_180] : memref<91x20000xf32, #tpu.memory_space<vmem>>, vector<1x20000xf32>
    %get3A_182 = vector.shape_cast %get3A_181 : vector<1x20000xf32> to vector<20000xf32>
    %max3A_183 = arith.maximumf %max3A_178, %get3A_182 : vector<20000xf32>
    %get3A_184 = arith.constant 36 : index
    %get3A_185 = arith.constant 0 : index
    %get3A_186 = vector.load %arg4[%get3A_184, %get3A_185] : memref<91x20000xf32, #tpu.memory_space<vmem>>, vector<1x20000xf32>
    %get3A_187 = vector.shape_cast %get3A_186 : vector<1x20000xf32> to vector<20000xf32>
    %max3A_188 = arith.maximumf %max3A_183, %get3A_187 : vector<20000xf32>
    %get3A_189 = arith.constant 37 : index
    %get3A_190 = arith.constant 0 : index
    %get3A_191 = vector.load %arg4[%get3A_189, %get3A_190] : memref<91x20000xf32, #tpu.memory_space<vmem>>, vector<1x20000xf32>
    %get3A_192 = vector.shape_cast %get3A_191 : vector<1x20000xf32> to vector<20000xf32>
    %max3A_193 = arith.maximumf %max3A_188, %get3A_192 : vector<20000xf32>
    %get3A_194 = arith.constant 38 : index
    %get3A_195 = arith.constant 0 : index
    %get3A_196 = vector.load %arg4[%get3A_194, %get3A_195] : memref<91x20000xf32, #tpu.memory_space<vmem>>, vector<1x20000xf32>
    %get3A_197 = vector.shape_cast %get3A_196 : vector<1x20000xf32> to vector<20000xf32>
    %max3A_198 = arith.maximumf %max3A_193, %get3A_197 : vector<20000xf32>
    %get3A_199 = arith.constant 39 : index
    %get3A_200 = arith.constant 0 : index
    %get3A_201 = vector.load %arg4[%get3A_199, %get3A_200] : memref<91x20000xf32, #tpu.memory_space<vmem>>, vector<1x20000xf32>
    %get3A_202 = vector.shape_cast %get3A_201 : vector<1x20000xf32> to vector<20000xf32>
    %max3A_203 = arith.maximumf %max3A_198, %get3A_202 : vector<20000xf32>
    %get3A_204 = arith.constant 40 : index
    %get3A_205 = arith.constant 0 : index
    %get3A_206 = vector.load %arg4[%get3A_204, %get3A_205] : memref<91x20000xf32, #tpu.memory_space<vmem>>, vector<1x20000xf32>
    %get3A_207 = vector.shape_cast %get3A_206 : vector<1x20000xf32> to vector<20000xf32>
    %max3A_208 = arith.maximumf %max3A_203, %get3A_207 : vector<20000xf32>
    %get3A_209 = arith.constant 41 : index
    %get3A_210 = arith.constant 0 : index
    %get3A_211 = vector.load %arg4[%get3A_209, %get3A_210] : memref<91x20000xf32, #tpu.memory_space<vmem>>, vector<1x20000xf32>
    %get3A_212 = vector.shape_cast %get3A_211 : vector<1x20000xf32> to vector<20000xf32>
    %max3A_213 = arith.maximumf %max3A_208, %get3A_212 : vector<20000xf32>
    %get3A_214 = arith.constant 42 : index
    %get3A_215 = arith.constant 0 : index
    %get3A_216 = vector.load %arg4[%get3A_214, %get3A_215] : memref<91x20000xf32, #tpu.memory_space<vmem>>, vector<1x20000xf32>
    %get3A_217 = vector.shape_cast %get3A_216 : vector<1x20000xf32> to vector<20000xf32>
    %max3A_218 = arith.maximumf %max3A_213, %get3A_217 : vector<20000xf32>
    %get3A_219 = arith.constant 43 : index
    %get3A_220 = arith.constant 0 : index
    %get3A_221 = vector.load %arg4[%get3A_219, %get3A_220] : memref<91x20000xf32, #tpu.memory_space<vmem>>, vector<1x20000xf32>
    %get3A_222 = vector.shape_cast %get3A_221 : vector<1x20000xf32> to vector<20000xf32>
    %max3A_223 = arith.maximumf %max3A_218, %get3A_222 : vector<20000xf32>
    %get3A_224 = arith.constant 44 : index
    %get3A_225 = arith.constant 0 : index
    %get3A_226 = vector.load %arg4[%get3A_224, %get3A_225] : memref<91x20000xf32, #tpu.memory_space<vmem>>, vector<1x20000xf32>
    %get3A_227 = vector.shape_cast %get3A_226 : vector<1x20000xf32> to vector<20000xf32>
    %max3A_228 = arith.maximumf %max3A_223, %get3A_227 : vector<20000xf32>
    %get3A_229 = arith.constant 45 : index
    %get3A_230 = arith.constant 0 : index
    %get3A_231 = vector.load %arg4[%get3A_229, %get3A_230] : memref<91x20000xf32, #tpu.memory_space<vmem>>, vector<1x20000xf32>
    %get3A_232 = vector.shape_cast %get3A_231 : vector<1x20000xf32> to vector<20000xf32>
    %max3A_233 = arith.maximumf %max3A_228, %get3A_232 : vector<20000xf32>
    %get3A_234 = arith.constant 46 : index
    %get3A_235 = arith.constant 0 : index
    %get3A_236 = vector.load %arg4[%get3A_234, %get3A_235] : memref<91x20000xf32, #tpu.memory_space<vmem>>, vector<1x20000xf32>
    %get3A_237 = vector.shape_cast %get3A_236 : vector<1x20000xf32> to vector<20000xf32>
    %max3A_238 = arith.maximumf %max3A_233, %get3A_237 : vector<20000xf32>
    %get3A_239 = arith.constant 47 : index
    %get3A_240 = arith.constant 0 : index
    %get3A_241 = vector.load %arg4[%get3A_239, %get3A_240] : memref<91x20000xf32, #tpu.memory_space<vmem>>, vector<1x20000xf32>
    %get3A_242 = vector.shape_cast %get3A_241 : vector<1x20000xf32> to vector<20000xf32>
    %max3A_243 = arith.maximumf %max3A_238, %get3A_242 : vector<20000xf32>
    %get3A_244 = arith.constant 48 : index
    %get3A_245 = arith.constant 0 : index
    %get3A_246 = vector.load %arg4[%get3A_244, %get3A_245] : memref<91x20000xf32, #tpu.memory_space<vmem>>, vector<1x20000xf32>
    %get3A_247 = vector.shape_cast %get3A_246 : vector<1x20000xf32> to vector<20000xf32>
    %max3A_248 = arith.maximumf %max3A_243, %get3A_247 : vector<20000xf32>
    %get3A_249 = arith.constant 49 : index
    %get3A_250 = arith.constant 0 : index
    %get3A_251 = vector.load %arg4[%get3A_249, %get3A_250] : memref<91x20000xf32, #tpu.memory_space<vmem>>, vector<1x20000xf32>
    %get3A_252 = vector.shape_cast %get3A_251 : vector<1x20000xf32> to vector<20000xf32>
    %max3A_253 = arith.maximumf %max3A_248, %get3A_252 : vector<20000xf32>
    %get3A_254 = arith.constant 50 : index
    %get3A_255 = arith.constant 0 : index
    %get3A_256 = vector.load %arg4[%get3A_254, %get3A_255] : memref<91x20000xf32, #tpu.memory_space<vmem>>, vector<1x20000xf32>
    %get3A_257 = vector.shape_cast %get3A_256 : vector<1x20000xf32> to vector<20000xf32>
    %max3A_258 = arith.maximumf %max3A_253, %get3A_257 : vector<20000xf32>
    %get3A_259 = arith.constant 51 : index
    %get3A_260 = arith.constant 0 : index
    %get3A_261 = vector.load %arg4[%get3A_259, %get3A_260] : memref<91x20000xf32, #tpu.memory_space<vmem>>, vector<1x20000xf32>
    %get3A_262 = vector.shape_cast %get3A_261 : vector<1x20000xf32> to vector<20000xf32>
    %max3A_263 = arith.maximumf %max3A_258, %get3A_262 : vector<20000xf32>
    %get3A_264 = arith.constant 52 : index
    %get3A_265 = arith.constant 0 : index
    %get3A_266 = vector.load %arg4[%get3A_264, %get3A_265] : memref<91x20000xf32, #tpu.memory_space<vmem>>, vector<1x20000xf32>
    %get3A_267 = vector.shape_cast %get3A_266 : vector<1x20000xf32> to vector<20000xf32>
    %max3A_268 = arith.maximumf %max3A_263, %get3A_267 : vector<20000xf32>
    %get3A_269 = arith.constant 53 : index
    %get3A_270 = arith.constant 0 : index
    %get3A_271 = vector.load %arg4[%get3A_269, %get3A_270] : memref<91x20000xf32, #tpu.memory_space<vmem>>, vector<1x20000xf32>
    %get3A_272 = vector.shape_cast %get3A_271 : vector<1x20000xf32> to vector<20000xf32>
    %max3A_273 = arith.maximumf %max3A_268, %get3A_272 : vector<20000xf32>
    %get3A_274 = arith.constant 54 : index
    %get3A_275 = arith.constant 0 : index
    %get3A_276 = vector.load %arg4[%get3A_274, %get3A_275] : memref<91x20000xf32, #tpu.memory_space<vmem>>, vector<1x20000xf32>
    %get3A_277 = vector.shape_cast %get3A_276 : vector<1x20000xf32> to vector<20000xf32>
    %max3A_278 = arith.maximumf %max3A_273, %get3A_277 : vector<20000xf32>
    %get3A_279 = arith.constant 55 : index
    %get3A_280 = arith.constant 0 : index
    %get3A_281 = vector.load %arg4[%get3A_279, %get3A_280] : memref<91x20000xf32, #tpu.memory_space<vmem>>, vector<1x20000xf32>
    %get3A_282 = vector.shape_cast %get3A_281 : vector<1x20000xf32> to vector<20000xf32>
    %max3A_283 = arith.maximumf %max3A_278, %get3A_282 : vector<20000xf32>
    %get3A_284 = arith.constant 56 : index
    %get3A_285 = arith.constant 0 : index
    %get3A_286 = vector.load %arg4[%get3A_284, %get3A_285] : memref<91x20000xf32, #tpu.memory_space<vmem>>, vector<1x20000xf32>
    %get3A_287 = vector.shape_cast %get3A_286 : vector<1x20000xf32> to vector<20000xf32>
    %max3A_288 = arith.maximumf %max3A_283, %get3A_287 : vector<20000xf32>
    %get3A_289 = arith.constant 57 : index
    %get3A_290 = arith.constant 0 : index
    %get3A_291 = vector.load %arg4[%get3A_289, %get3A_290] : memref<91x20000xf32, #tpu.memory_space<vmem>>, vector<1x20000xf32>
    %get3A_292 = vector.shape_cast %get3A_291 : vector<1x20000xf32> to vector<20000xf32>
    %max3A_293 = arith.maximumf %max3A_288, %get3A_292 : vector<20000xf32>
    %get3A_294 = arith.constant 58 : index
    %get3A_295 = arith.constant 0 : index
    %get3A_296 = vector.load %arg4[%get3A_294, %get3A_295] : memref<91x20000xf32, #tpu.memory_space<vmem>>, vector<1x20000xf32>
    %get3A_297 = vector.shape_cast %get3A_296 : vector<1x20000xf32> to vector<20000xf32>
    %max3A_298 = arith.maximumf %max3A_293, %get3A_297 : vector<20000xf32>
    %get3A_299 = arith.constant 59 : index
    %get3A_300 = arith.constant 0 : index
    %get3A_301 = vector.load %arg4[%get3A_299, %get3A_300] : memref<91x20000xf32, #tpu.memory_space<vmem>>, vector<1x20000xf32>
    %get3A_302 = vector.shape_cast %get3A_301 : vector<1x20000xf32> to vector<20000xf32>
    %max3A_303 = arith.maximumf %max3A_298, %get3A_302 : vector<20000xf32>
    %get3A_304 = arith.constant 60 : index
    %get3A_305 = arith.constant 0 : index
    %get3A_306 = vector.load %arg4[%get3A_304, %get3A_305] : memref<91x20000xf32, #tpu.memory_space<vmem>>, vector<1x20000xf32>
    %get3A_307 = vector.shape_cast %get3A_306 : vector<1x20000xf32> to vector<20000xf32>
    %max3A_308 = arith.maximumf %max3A_303, %get3A_307 : vector<20000xf32>
    %get3A_309 = arith.constant 61 : index
    %get3A_310 = arith.constant 0 : index
    %get3A_311 = vector.load %arg4[%get3A_309, %get3A_310] : memref<91x20000xf32, #tpu.memory_space<vmem>>, vector<1x20000xf32>
    %get3A_312 = vector.shape_cast %get3A_311 : vector<1x20000xf32> to vector<20000xf32>
    %max3A_313 = arith.maximumf %max3A_308, %get3A_312 : vector<20000xf32>
    %get3A_314 = arith.constant 62 : index
    %get3A_315 = arith.constant 0 : index
    %get3A_316 = vector.load %arg4[%get3A_314, %get3A_315] : memref<91x20000xf32, #tpu.memory_space<vmem>>, vector<1x20000xf32>
    %get3A_317 = vector.shape_cast %get3A_316 : vector<1x20000xf32> to vector<20000xf32>
    %max3A_318 = arith.maximumf %max3A_313, %get3A_317 : vector<20000xf32>
    %get3A_319 = arith.constant 63 : index
    %get3A_320 = arith.constant 0 : index
    %get3A_321 = vector.load %arg4[%get3A_319, %get3A_320] : memref<91x20000xf32, #tpu.memory_space<vmem>>, vector<1x20000xf32>
    %get3A_322 = vector.shape_cast %get3A_321 : vector<1x20000xf32> to vector<20000xf32>
    %max3A_323 = arith.maximumf %max3A_318, %get3A_322 : vector<20000xf32>
    %get3A_324 = arith.constant 64 : index
    %get3A_325 = arith.constant 0 : index
    %get3A_326 = vector.load %arg4[%get3A_324, %get3A_325] : memref<91x20000xf32, #tpu.memory_space<vmem>>, vector<1x20000xf32>
    %get3A_327 = vector.shape_cast %get3A_326 : vector<1x20000xf32> to vector<20000xf32>
    %max3A_328 = arith.maximumf %max3A_323, %get3A_327 : vector<20000xf32>
    %get3A_329 = arith.constant 65 : index
    %get3A_330 = arith.constant 0 : index
    %get3A_331 = vector.load %arg4[%get3A_329, %get3A_330] : memref<91x20000xf32, #tpu.memory_space<vmem>>, vector<1x20000xf32>
    %get3A_332 = vector.shape_cast %get3A_331 : vector<1x20000xf32> to vector<20000xf32>
    %max3A_333 = arith.maximumf %max3A_328, %get3A_332 : vector<20000xf32>
    %get3A_334 = arith.constant 66 : index
    %get3A_335 = arith.constant 0 : index
    %get3A_336 = vector.load %arg4[%get3A_334, %get3A_335] : memref<91x20000xf32, #tpu.memory_space<vmem>>, vector<1x20000xf32>
    %get3A_337 = vector.shape_cast %get3A_336 : vector<1x20000xf32> to vector<20000xf32>
    %max3A_338 = arith.maximumf %max3A_333, %get3A_337 : vector<20000xf32>
    %get3A_339 = arith.constant 67 : index
    %get3A_340 = arith.constant 0 : index
    %get3A_341 = vector.load %arg4[%get3A_339, %get3A_340] : memref<91x20000xf32, #tpu.memory_space<vmem>>, vector<1x20000xf32>
    %get3A_342 = vector.shape_cast %get3A_341 : vector<1x20000xf32> to vector<20000xf32>
    %max3A_343 = arith.maximumf %max3A_338, %get3A_342 : vector<20000xf32>
    %get3A_344 = arith.constant 68 : index
    %get3A_345 = arith.constant 0 : index
    %get3A_346 = vector.load %arg4[%get3A_344, %get3A_345] : memref<91x20000xf32, #tpu.memory_space<vmem>>, vector<1x20000xf32>
    %get3A_347 = vector.shape_cast %get3A_346 : vector<1x20000xf32> to vector<20000xf32>
    %max3A_348 = arith.maximumf %max3A_343, %get3A_347 : vector<20000xf32>
    %get3A_349 = arith.constant 69 : index
    %get3A_350 = arith.constant 0 : index
    %get3A_351 = vector.load %arg4[%get3A_349, %get3A_350] : memref<91x20000xf32, #tpu.memory_space<vmem>>, vector<1x20000xf32>
    %get3A_352 = vector.shape_cast %get3A_351 : vector<1x20000xf32> to vector<20000xf32>
    %max3A_353 = arith.maximumf %max3A_348, %get3A_352 : vector<20000xf32>
    %get3A_354 = arith.constant 70 : index
    %get3A_355 = arith.constant 0 : index
    %get3A_356 = vector.load %arg4[%get3A_354, %get3A_355] : memref<91x20000xf32, #tpu.memory_space<vmem>>, vector<1x20000xf32>
    %get3A_357 = vector.shape_cast %get3A_356 : vector<1x20000xf32> to vector<20000xf32>
    %max3A_358 = arith.maximumf %max3A_353, %get3A_357 : vector<20000xf32>
    %get3A_359 = arith.constant 71 : index
    %get3A_360 = arith.constant 0 : index
    %get3A_361 = vector.load %arg4[%get3A_359, %get3A_360] : memref<91x20000xf32, #tpu.memory_space<vmem>>, vector<1x20000xf32>
    %get3A_362 = vector.shape_cast %get3A_361 : vector<1x20000xf32> to vector<20000xf32>
    %max3A_363 = arith.maximumf %max3A_358, %get3A_362 : vector<20000xf32>
    %get3A_364 = arith.constant 72 : index
    %get3A_365 = arith.constant 0 : index
    %get3A_366 = vector.load %arg4[%get3A_364, %get3A_365] : memref<91x20000xf32, #tpu.memory_space<vmem>>, vector<1x20000xf32>
    %get3A_367 = vector.shape_cast %get3A_366 : vector<1x20000xf32> to vector<20000xf32>
    %max3A_368 = arith.maximumf %max3A_363, %get3A_367 : vector<20000xf32>
    %get3A_369 = arith.constant 73 : index
    %get3A_370 = arith.constant 0 : index
    %get3A_371 = vector.load %arg4[%get3A_369, %get3A_370] : memref<91x20000xf32, #tpu.memory_space<vmem>>, vector<1x20000xf32>
    %get3A_372 = vector.shape_cast %get3A_371 : vector<1x20000xf32> to vector<20000xf32>
    %max3A_373 = arith.maximumf %max3A_368, %get3A_372 : vector<20000xf32>
    %get3A_374 = arith.constant 74 : index
    %get3A_375 = arith.constant 0 : index
    %get3A_376 = vector.load %arg4[%get3A_374, %get3A_375] : memref<91x20000xf32, #tpu.memory_space<vmem>>, vector<1x20000xf32>
    %get3A_377 = vector.shape_cast %get3A_376 : vector<1x20000xf32> to vector<20000xf32>
    %max3A_378 = arith.maximumf %max3A_373, %get3A_377 : vector<20000xf32>
    %get3A_379 = arith.constant 75 : index
    %get3A_380 = arith.constant 0 : index
    %get3A_381 = vector.load %arg4[%get3A_379, %get3A_380] : memref<91x20000xf32, #tpu.memory_space<vmem>>, vector<1x20000xf32>
    %get3A_382 = vector.shape_cast %get3A_381 : vector<1x20000xf32> to vector<20000xf32>
    %max3A_383 = arith.maximumf %max3A_378, %get3A_382 : vector<20000xf32>
    %get3A_384 = arith.constant 76 : index
    %get3A_385 = arith.constant 0 : index
    %get3A_386 = vector.load %arg4[%get3A_384, %get3A_385] : memref<91x20000xf32, #tpu.memory_space<vmem>>, vector<1x20000xf32>
    %get3A_387 = vector.shape_cast %get3A_386 : vector<1x20000xf32> to vector<20000xf32>
    %max3A_388 = arith.maximumf %max3A_383, %get3A_387 : vector<20000xf32>
    %get3A_389 = arith.constant 77 : index
    %get3A_390 = arith.constant 0 : index
    %get3A_391 = vector.load %arg4[%get3A_389, %get3A_390] : memref<91x20000xf32, #tpu.memory_space<vmem>>, vector<1x20000xf32>
    %get3A_392 = vector.shape_cast %get3A_391 : vector<1x20000xf32> to vector<20000xf32>
    %max3A_393 = arith.maximumf %max3A_388, %get3A_392 : vector<20000xf32>
    %get3A_394 = arith.constant 78 : index
    %get3A_395 = arith.constant 0 : index
    %get3A_396 = vector.load %arg4[%get3A_394, %get3A_395] : memref<91x20000xf32, #tpu.memory_space<vmem>>, vector<1x20000xf32>
    %get3A_397 = vector.shape_cast %get3A_396 : vector<1x20000xf32> to vector<20000xf32>
    %max3A_398 = arith.maximumf %max3A_393, %get3A_397 : vector<20000xf32>
    %get3A_399 = arith.constant 79 : index
    %get3A_400 = arith.constant 0 : index
    %get3A_401 = vector.load %arg4[%get3A_399, %get3A_400] : memref<91x20000xf32, #tpu.memory_space<vmem>>, vector<1x20000xf32>
    %get3A_402 = vector.shape_cast %get3A_401 : vector<1x20000xf32> to vector<20000xf32>
    %max3A_403 = arith.maximumf %max3A_398, %get3A_402 : vector<20000xf32>
    %get3A_404 = arith.constant 80 : index
    %get3A_405 = arith.constant 0 : index
    %get3A_406 = vector.load %arg4[%get3A_404, %get3A_405] : memref<91x20000xf32, #tpu.memory_space<vmem>>, vector<1x20000xf32>
    %get3A_407 = vector.shape_cast %get3A_406 : vector<1x20000xf32> to vector<20000xf32>
    %max3A_408 = arith.maximumf %max3A_403, %get3A_407 : vector<20000xf32>
    %get3A_409 = arith.constant 81 : index
    %get3A_410 = arith.constant 0 : index
    %get3A_411 = vector.load %arg4[%get3A_409, %get3A_410] : memref<91x20000xf32, #tpu.memory_space<vmem>>, vector<1x20000xf32>
    %get3A_412 = vector.shape_cast %get3A_411 : vector<1x20000xf32> to vector<20000xf32>
    %max3A_413 = arith.maximumf %max3A_408, %get3A_412 : vector<20000xf32>
    %get3A_414 = arith.constant 82 : index
    %get3A_415 = arith.constant 0 : index
    %get3A_416 = vector.load %arg4[%get3A_414, %get3A_415] : memref<91x20000xf32, #tpu.memory_space<vmem>>, vector<1x20000xf32>
    %get3A_417 = vector.shape_cast %get3A_416 : vector<1x20000xf32> to vector<20000xf32>
    %max3A_418 = arith.maximumf %max3A_413, %get3A_417 : vector<20000xf32>
    %get3A_419 = arith.constant 83 : index
    %get3A_420 = arith.constant 0 : index
    %get3A_421 = vector.load %arg4[%get3A_419, %get3A_420] : memref<91x20000xf32, #tpu.memory_space<vmem>>, vector<1x20000xf32>
    %get3A_422 = vector.shape_cast %get3A_421 : vector<1x20000xf32> to vector<20000xf32>
    %max3A_423 = arith.maximumf %max3A_418, %get3A_422 : vector<20000xf32>
    %get3A_424 = arith.constant 84 : index
    %get3A_425 = arith.constant 0 : index
    %get3A_426 = vector.load %arg4[%get3A_424, %get3A_425] : memref<91x20000xf32, #tpu.memory_space<vmem>>, vector<1x20000xf32>
    %get3A_427 = vector.shape_cast %get3A_426 : vector<1x20000xf32> to vector<20000xf32>
    %max3A_428 = arith.maximumf %max3A_423, %get3A_427 : vector<20000xf32>
    %get3A_429 = arith.constant 85 : index
    %get3A_430 = arith.constant 0 : index
    %get3A_431 = vector.load %arg4[%get3A_429, %get3A_430] : memref<91x20000xf32, #tpu.memory_space<vmem>>, vector<1x20000xf32>
    %get3A_432 = vector.shape_cast %get3A_431 : vector<1x20000xf32> to vector<20000xf32>
    %max3A_433 = arith.maximumf %max3A_428, %get3A_432 : vector<20000xf32>
    %get3A_434 = arith.constant 86 : index
    %get3A_435 = arith.constant 0 : index
    %get3A_436 = vector.load %arg4[%get3A_434, %get3A_435] : memref<91x20000xf32, #tpu.memory_space<vmem>>, vector<1x20000xf32>
    %get3A_437 = vector.shape_cast %get3A_436 : vector<1x20000xf32> to vector<20000xf32>
    %max3A_438 = arith.maximumf %max3A_433, %get3A_437 : vector<20000xf32>
    %get3A_439 = arith.constant 87 : index
    %get3A_440 = arith.constant 0 : index
    %get3A_441 = vector.load %arg4[%get3A_439, %get3A_440] : memref<91x20000xf32, #tpu.memory_space<vmem>>, vector<1x20000xf32>
    %get3A_442 = vector.shape_cast %get3A_441 : vector<1x20000xf32> to vector<20000xf32>
    %max3A_443 = arith.maximumf %max3A_438, %get3A_442 : vector<20000xf32>
    %get3A_444 = arith.constant 88 : index
    %get3A_445 = arith.constant 0 : index
    %get3A_446 = vector.load %arg4[%get3A_444, %get3A_445] : memref<91x20000xf32, #tpu.memory_space<vmem>>, vector<1x20000xf32>
    %get3A_447 = vector.shape_cast %get3A_446 : vector<1x20000xf32> to vector<20000xf32>
    %max3A_448 = arith.maximumf %max3A_443, %get3A_447 : vector<20000xf32>
    %get3A_449 = arith.constant 89 : index
    %get3A_450 = arith.constant 0 : index
    %get3A_451 = vector.load %arg4[%get3A_449, %get3A_450] : memref<91x20000xf32, #tpu.memory_space<vmem>>, vector<1x20000xf32>
    %get3A_452 = vector.shape_cast %get3A_451 : vector<1x20000xf32> to vector<20000xf32>
    %max3A_453 = arith.maximumf %max3A_448, %get3A_452 : vector<20000xf32>
    %get3A_454 = arith.constant 90 : index
    %get3A_455 = arith.constant 0 : index
    %get3A_456 = vector.load %arg4[%get3A_454, %get3A_455] : memref<91x20000xf32, #tpu.memory_space<vmem>>, vector<1x20000xf32>
    %get3A_457 = vector.shape_cast %get3A_456 : vector<1x20000xf32> to vector<20000xf32>
    %max3A_458 = arith.maximumf %max3A_453, %get3A_457 : vector<20000xf32>
    %get3A_459 = arith.constant 0 : index
    %get3A_460 = arith.constant 0 : index
    %get3A_461 = vector.load %arg4[%get3A_459, %get3A_460] : memref<91x20000xf32, #tpu.memory_space<vmem>>, vector<1x20000xf32>
    %get3A_462 = vector.shape_cast %get3A_461 : vector<1x20000xf32> to vector<20000xf32>
    %sub3A = arith.subf %get3A_462, %max3A_458 : vector<20000xf32>
    %exp3A = math.exp %sub3A : vector<20000xf32>
    %get3A_463 = arith.constant 1 : index
    %get3A_464 = arith.constant 0 : index
    %get3A_465 = vector.load %arg4[%get3A_463, %get3A_464] : memref<91x20000xf32, #tpu.memory_space<vmem>>, vector<1x20000xf32>
    %get3A_466 = vector.shape_cast %get3A_465 : vector<1x20000xf32> to vector<20000xf32>
    %sub3A_467 = arith.subf %get3A_466, %max3A_458 : vector<20000xf32>
    %exp3A_468 = math.exp %sub3A_467 : vector<20000xf32>
    %add3A = arith.addf %exp3A, %exp3A_468 : vector<20000xf32>
    %get3A_469 = arith.constant 2 : index
    %get3A_470 = arith.constant 0 : index
    %get3A_471 = vector.load %arg4[%get3A_469, %get3A_470] : memref<91x20000xf32, #tpu.memory_space<vmem>>, vector<1x20000xf32>
    %get3A_472 = vector.shape_cast %get3A_471 : vector<1x20000xf32> to vector<20000xf32>
    %sub3A_473 = arith.subf %get3A_472, %max3A_458 : vector<20000xf32>
    %exp3A_474 = math.exp %sub3A_473 : vector<20000xf32>
    %add3A_475 = arith.addf %add3A, %exp3A_474 : vector<20000xf32>
    %get3A_476 = arith.constant 3 : index
    %get3A_477 = arith.constant 0 : index
    %get3A_478 = vector.load %arg4[%get3A_476, %get3A_477] : memref<91x20000xf32, #tpu.memory_space<vmem>>, vector<1x20000xf32>
    %get3A_479 = vector.shape_cast %get3A_478 : vector<1x20000xf32> to vector<20000xf32>
    %sub3A_480 = arith.subf %get3A_479, %max3A_458 : vector<20000xf32>
    %exp3A_481 = math.exp %sub3A_480 : vector<20000xf32>
    %add3A_482 = arith.addf %add3A_475, %exp3A_481 : vector<20000xf32>
    %get3A_483 = arith.constant 4 : index
    %get3A_484 = arith.constant 0 : index
    %get3A_485 = vector.load %arg4[%get3A_483, %get3A_484] : memref<91x20000xf32, #tpu.memory_space<vmem>>, vector<1x20000xf32>
    %get3A_486 = vector.shape_cast %get3A_485 : vector<1x20000xf32> to vector<20000xf32>
    %sub3A_487 = arith.subf %get3A_486, %max3A_458 : vector<20000xf32>
    %exp3A_488 = math.exp %sub3A_487 : vector<20000xf32>
    %add3A_489 = arith.addf %add3A_482, %exp3A_488 : vector<20000xf32>
    %get3A_490 = arith.constant 5 : index
    %get3A_491 = arith.constant 0 : index
    %get3A_492 = vector.load %arg4[%get3A_490, %get3A_491] : memref<91x20000xf32, #tpu.memory_space<vmem>>, vector<1x20000xf32>
    %get3A_493 = vector.shape_cast %get3A_492 : vector<1x20000xf32> to vector<20000xf32>
    %sub3A_494 = arith.subf %get3A_493, %max3A_458 : vector<20000xf32>
    %exp3A_495 = math.exp %sub3A_494 : vector<20000xf32>
    %add3A_496 = arith.addf %add3A_489, %exp3A_495 : vector<20000xf32>
    %get3A_497 = arith.constant 6 : index
    %get3A_498 = arith.constant 0 : index
    %get3A_499 = vector.load %arg4[%get3A_497, %get3A_498] : memref<91x20000xf32, #tpu.memory_space<vmem>>, vector<1x20000xf32>
    %get3A_500 = vector.shape_cast %get3A_499 : vector<1x20000xf32> to vector<20000xf32>
    %sub3A_501 = arith.subf %get3A_500, %max3A_458 : vector<20000xf32>
    %exp3A_502 = math.exp %sub3A_501 : vector<20000xf32>
    %add3A_503 = arith.addf %add3A_496, %exp3A_502 : vector<20000xf32>
    %get3A_504 = arith.constant 7 : index
    %get3A_505 = arith.constant 0 : index
    %get3A_506 = vector.load %arg4[%get3A_504, %get3A_505] : memref<91x20000xf32, #tpu.memory_space<vmem>>, vector<1x20000xf32>
    %get3A_507 = vector.shape_cast %get3A_506 : vector<1x20000xf32> to vector<20000xf32>
    %sub3A_508 = arith.subf %get3A_507, %max3A_458 : vector<20000xf32>
    %exp3A_509 = math.exp %sub3A_508 : vector<20000xf32>
    %add3A_510 = arith.addf %add3A_503, %exp3A_509 : vector<20000xf32>
    %get3A_511 = arith.constant 8 : index
    %get3A_512 = arith.constant 0 : index
    %get3A_513 = vector.load %arg4[%get3A_511, %get3A_512] : memref<91x20000xf32, #tpu.memory_space<vmem>>, vector<1x20000xf32>
    %get3A_514 = vector.shape_cast %get3A_513 : vector<1x20000xf32> to vector<20000xf32>
    %sub3A_515 = arith.subf %get3A_514, %max3A_458 : vector<20000xf32>
    %exp3A_516 = math.exp %sub3A_515 : vector<20000xf32>
    %add3A_517 = arith.addf %add3A_510, %exp3A_516 : vector<20000xf32>
    %get3A_518 = arith.constant 9 : index
    %get3A_519 = arith.constant 0 : index
    %get3A_520 = vector.load %arg4[%get3A_518, %get3A_519] : memref<91x20000xf32, #tpu.memory_space<vmem>>, vector<1x20000xf32>
    %get3A_521 = vector.shape_cast %get3A_520 : vector<1x20000xf32> to vector<20000xf32>
    %sub3A_522 = arith.subf %get3A_521, %max3A_458 : vector<20000xf32>
    %exp3A_523 = math.exp %sub3A_522 : vector<20000xf32>
    %add3A_524 = arith.addf %add3A_517, %exp3A_523 : vector<20000xf32>
    %get3A_525 = arith.constant 10 : index
    %get3A_526 = arith.constant 0 : index
    %get3A_527 = vector.load %arg4[%get3A_525, %get3A_526] : memref<91x20000xf32, #tpu.memory_space<vmem>>, vector<1x20000xf32>
    %get3A_528 = vector.shape_cast %get3A_527 : vector<1x20000xf32> to vector<20000xf32>
    %sub3A_529 = arith.subf %get3A_528, %max3A_458 : vector<20000xf32>
    %exp3A_530 = math.exp %sub3A_529 : vector<20000xf32>
    %add3A_531 = arith.addf %add3A_524, %exp3A_530 : vector<20000xf32>
    %get3A_532 = arith.constant 11 : index
    %get3A_533 = arith.constant 0 : index
    %get3A_534 = vector.load %arg4[%get3A_532, %get3A_533] : memref<91x20000xf32, #tpu.memory_space<vmem>>, vector<1x20000xf32>
    %get3A_535 = vector.shape_cast %get3A_534 : vector<1x20000xf32> to vector<20000xf32>
    %sub3A_536 = arith.subf %get3A_535, %max3A_458 : vector<20000xf32>
    %exp3A_537 = math.exp %sub3A_536 : vector<20000xf32>
    %add3A_538 = arith.addf %add3A_531, %exp3A_537 : vector<20000xf32>
    %get3A_539 = arith.constant 12 : index
    %get3A_540 = arith.constant 0 : index
    %get3A_541 = vector.load %arg4[%get3A_539, %get3A_540] : memref<91x20000xf32, #tpu.memory_space<vmem>>, vector<1x20000xf32>
    %get3A_542 = vector.shape_cast %get3A_541 : vector<1x20000xf32> to vector<20000xf32>
    %sub3A_543 = arith.subf %get3A_542, %max3A_458 : vector<20000xf32>
    %exp3A_544 = math.exp %sub3A_543 : vector<20000xf32>
    %add3A_545 = arith.addf %add3A_538, %exp3A_544 : vector<20000xf32>
    %get3A_546 = arith.constant 13 : index
    %get3A_547 = arith.constant 0 : index
    %get3A_548 = vector.load %arg4[%get3A_546, %get3A_547] : memref<91x20000xf32, #tpu.memory_space<vmem>>, vector<1x20000xf32>
    %get3A_549 = vector.shape_cast %get3A_548 : vector<1x20000xf32> to vector<20000xf32>
    %sub3A_550 = arith.subf %get3A_549, %max3A_458 : vector<20000xf32>
    %exp3A_551 = math.exp %sub3A_550 : vector<20000xf32>
    %get3A_552 = arith.constant 14 : index
    %get3A_553 = arith.constant 0 : index
    %get3A_554 = vector.load %arg4[%get3A_552, %get3A_553] : memref<91x20000xf32, #tpu.memory_space<vmem>>, vector<1x20000xf32>
    %get3A_555 = vector.shape_cast %get3A_554 : vector<1x20000xf32> to vector<20000xf32>
    %sub3A_556 = arith.subf %get3A_555, %max3A_458 : vector<20000xf32>
    %exp3A_557 = math.exp %sub3A_556 : vector<20000xf32>
    %add3A_558 = arith.addf %exp3A_551, %exp3A_557 : vector<20000xf32>
    %get3A_559 = arith.constant 15 : index
    %get3A_560 = arith.constant 0 : index
    %get3A_561 = vector.load %arg4[%get3A_559, %get3A_560] : memref<91x20000xf32, #tpu.memory_space<vmem>>, vector<1x20000xf32>
    %get3A_562 = vector.shape_cast %get3A_561 : vector<1x20000xf32> to vector<20000xf32>
    %sub3A_563 = arith.subf %get3A_562, %max3A_458 : vector<20000xf32>
    %exp3A_564 = math.exp %sub3A_563 : vector<20000xf32>
    %add3A_565 = arith.addf %add3A_558, %exp3A_564 : vector<20000xf32>
    %get3A_566 = arith.constant 16 : index
    %get3A_567 = arith.constant 0 : index
    %get3A_568 = vector.load %arg4[%get3A_566, %get3A_567] : memref<91x20000xf32, #tpu.memory_space<vmem>>, vector<1x20000xf32>
    %get3A_569 = vector.shape_cast %get3A_568 : vector<1x20000xf32> to vector<20000xf32>
    %sub3A_570 = arith.subf %get3A_569, %max3A_458 : vector<20000xf32>
    %exp3A_571 = math.exp %sub3A_570 : vector<20000xf32>
    %add3A_572 = arith.addf %add3A_565, %exp3A_571 : vector<20000xf32>
    %get3A_573 = arith.constant 17 : index
    %get3A_574 = arith.constant 0 : index
    %get3A_575 = vector.load %arg4[%get3A_573, %get3A_574] : memref<91x20000xf32, #tpu.memory_space<vmem>>, vector<1x20000xf32>
    %get3A_576 = vector.shape_cast %get3A_575 : vector<1x20000xf32> to vector<20000xf32>
    %sub3A_577 = arith.subf %get3A_576, %max3A_458 : vector<20000xf32>
    %exp3A_578 = math.exp %sub3A_577 : vector<20000xf32>
    %add3A_579 = arith.addf %add3A_572, %exp3A_578 : vector<20000xf32>
    %get3A_580 = arith.constant 18 : index
    %get3A_581 = arith.constant 0 : index
    %get3A_582 = vector.load %arg4[%get3A_580, %get3A_581] : memref<91x20000xf32, #tpu.memory_space<vmem>>, vector<1x20000xf32>
    %get3A_583 = vector.shape_cast %get3A_582 : vector<1x20000xf32> to vector<20000xf32>
    %sub3A_584 = arith.subf %get3A_583, %max3A_458 : vector<20000xf32>
    %exp3A_585 = math.exp %sub3A_584 : vector<20000xf32>
    %add3A_586 = arith.addf %add3A_579, %exp3A_585 : vector<20000xf32>
    %get3A_587 = arith.constant 19 : index
    %get3A_588 = arith.constant 0 : index
    %get3A_589 = vector.load %arg4[%get3A_587, %get3A_588] : memref<91x20000xf32, #tpu.memory_space<vmem>>, vector<1x20000xf32>
    %get3A_590 = vector.shape_cast %get3A_589 : vector<1x20000xf32> to vector<20000xf32>
    %sub3A_591 = arith.subf %get3A_590, %max3A_458 : vector<20000xf32>
    %exp3A_592 = math.exp %sub3A_591 : vector<20000xf32>
    %add3A_593 = arith.addf %add3A_586, %exp3A_592 : vector<20000xf32>
    %get3A_594 = arith.constant 20 : index
    %get3A_595 = arith.constant 0 : index
    %get3A_596 = vector.load %arg4[%get3A_594, %get3A_595] : memref<91x20000xf32, #tpu.memory_space<vmem>>, vector<1x20000xf32>
    %get3A_597 = vector.shape_cast %get3A_596 : vector<1x20000xf32> to vector<20000xf32>
    %sub3A_598 = arith.subf %get3A_597, %max3A_458 : vector<20000xf32>
    %exp3A_599 = math.exp %sub3A_598 : vector<20000xf32>
    %add3A_600 = arith.addf %add3A_593, %exp3A_599 : vector<20000xf32>
    %get3A_601 = arith.constant 21 : index
    %get3A_602 = arith.constant 0 : index
    %get3A_603 = vector.load %arg4[%get3A_601, %get3A_602] : memref<91x20000xf32, #tpu.memory_space<vmem>>, vector<1x20000xf32>
    %get3A_604 = vector.shape_cast %get3A_603 : vector<1x20000xf32> to vector<20000xf32>
    %sub3A_605 = arith.subf %get3A_604, %max3A_458 : vector<20000xf32>
    %exp3A_606 = math.exp %sub3A_605 : vector<20000xf32>
    %add3A_607 = arith.addf %add3A_600, %exp3A_606 : vector<20000xf32>
    %get3A_608 = arith.constant 22 : index
    %get3A_609 = arith.constant 0 : index
    %get3A_610 = vector.load %arg4[%get3A_608, %get3A_609] : memref<91x20000xf32, #tpu.memory_space<vmem>>, vector<1x20000xf32>
    %get3A_611 = vector.shape_cast %get3A_610 : vector<1x20000xf32> to vector<20000xf32>
    %sub3A_612 = arith.subf %get3A_611, %max3A_458 : vector<20000xf32>
    %exp3A_613 = math.exp %sub3A_612 : vector<20000xf32>
    %add3A_614 = arith.addf %add3A_607, %exp3A_613 : vector<20000xf32>
    %get3A_615 = arith.constant 23 : index
    %get3A_616 = arith.constant 0 : index
    %get3A_617 = vector.load %arg4[%get3A_615, %get3A_616] : memref<91x20000xf32, #tpu.memory_space<vmem>>, vector<1x20000xf32>
    %get3A_618 = vector.shape_cast %get3A_617 : vector<1x20000xf32> to vector<20000xf32>
    %sub3A_619 = arith.subf %get3A_618, %max3A_458 : vector<20000xf32>
    %exp3A_620 = math.exp %sub3A_619 : vector<20000xf32>
    %add3A_621 = arith.addf %add3A_614, %exp3A_620 : vector<20000xf32>
    %get3A_622 = arith.constant 24 : index
    %get3A_623 = arith.constant 0 : index
    %get3A_624 = vector.load %arg4[%get3A_622, %get3A_623] : memref<91x20000xf32, #tpu.memory_space<vmem>>, vector<1x20000xf32>
    %get3A_625 = vector.shape_cast %get3A_624 : vector<1x20000xf32> to vector<20000xf32>
    %sub3A_626 = arith.subf %get3A_625, %max3A_458 : vector<20000xf32>
    %exp3A_627 = math.exp %sub3A_626 : vector<20000xf32>
    %add3A_628 = arith.addf %add3A_621, %exp3A_627 : vector<20000xf32>
    %get3A_629 = arith.constant 25 : index
    %get3A_630 = arith.constant 0 : index
    %get3A_631 = vector.load %arg4[%get3A_629, %get3A_630] : memref<91x20000xf32, #tpu.memory_space<vmem>>, vector<1x20000xf32>
    %get3A_632 = vector.shape_cast %get3A_631 : vector<1x20000xf32> to vector<20000xf32>
    %sub3A_633 = arith.subf %get3A_632, %max3A_458 : vector<20000xf32>
    %exp3A_634 = math.exp %sub3A_633 : vector<20000xf32>
    %add3A_635 = arith.addf %add3A_628, %exp3A_634 : vector<20000xf32>
    %add3A_636 = arith.addf %add3A_545, %add3A_635 : vector<20000xf32>
    %get3A_637 = arith.constant 26 : index
    %get3A_638 = arith.constant 0 : index
    %get3A_639 = vector.load %arg4[%get3A_637, %get3A_638] : memref<91x20000xf32, #tpu.memory_space<vmem>>, vector<1x20000xf32>
    %get3A_640 = vector.shape_cast %get3A_639 : vector<1x20000xf32> to vector<20000xf32>
    %sub3A_641 = arith.subf %get3A_640, %max3A_458 : vector<20000xf32>
    %exp3A_642 = math.exp %sub3A_641 : vector<20000xf32>
    %get3A_643 = arith.constant 27 : index
    %get3A_644 = arith.constant 0 : index
    %get3A_645 = vector.load %arg4[%get3A_643, %get3A_644] : memref<91x20000xf32, #tpu.memory_space<vmem>>, vector<1x20000xf32>
    %get3A_646 = vector.shape_cast %get3A_645 : vector<1x20000xf32> to vector<20000xf32>
    %sub3A_647 = arith.subf %get3A_646, %max3A_458 : vector<20000xf32>
    %exp3A_648 = math.exp %sub3A_647 : vector<20000xf32>
    %add3A_649 = arith.addf %exp3A_642, %exp3A_648 : vector<20000xf32>
    %get3A_650 = arith.constant 28 : index
    %get3A_651 = arith.constant 0 : index
    %get3A_652 = vector.load %arg4[%get3A_650, %get3A_651] : memref<91x20000xf32, #tpu.memory_space<vmem>>, vector<1x20000xf32>
    %get3A_653 = vector.shape_cast %get3A_652 : vector<1x20000xf32> to vector<20000xf32>
    %sub3A_654 = arith.subf %get3A_653, %max3A_458 : vector<20000xf32>
    %exp3A_655 = math.exp %sub3A_654 : vector<20000xf32>
    %add3A_656 = arith.addf %add3A_649, %exp3A_655 : vector<20000xf32>
    %get3A_657 = arith.constant 29 : index
    %get3A_658 = arith.constant 0 : index
    %get3A_659 = vector.load %arg4[%get3A_657, %get3A_658] : memref<91x20000xf32, #tpu.memory_space<vmem>>, vector<1x20000xf32>
    %get3A_660 = vector.shape_cast %get3A_659 : vector<1x20000xf32> to vector<20000xf32>
    %sub3A_661 = arith.subf %get3A_660, %max3A_458 : vector<20000xf32>
    %exp3A_662 = math.exp %sub3A_661 : vector<20000xf32>
    %add3A_663 = arith.addf %add3A_656, %exp3A_662 : vector<20000xf32>
    %get3A_664 = arith.constant 30 : index
    %get3A_665 = arith.constant 0 : index
    %get3A_666 = vector.load %arg4[%get3A_664, %get3A_665] : memref<91x20000xf32, #tpu.memory_space<vmem>>, vector<1x20000xf32>
    %get3A_667 = vector.shape_cast %get3A_666 : vector<1x20000xf32> to vector<20000xf32>
    %sub3A_668 = arith.subf %get3A_667, %max3A_458 : vector<20000xf32>
    %exp3A_669 = math.exp %sub3A_668 : vector<20000xf32>
    %add3A_670 = arith.addf %add3A_663, %exp3A_669 : vector<20000xf32>
    %get3A_671 = arith.constant 31 : index
    %get3A_672 = arith.constant 0 : index
    %get3A_673 = vector.load %arg4[%get3A_671, %get3A_672] : memref<91x20000xf32, #tpu.memory_space<vmem>>, vector<1x20000xf32>
    %get3A_674 = vector.shape_cast %get3A_673 : vector<1x20000xf32> to vector<20000xf32>
    %sub3A_675 = arith.subf %get3A_674, %max3A_458 : vector<20000xf32>
    %exp3A_676 = math.exp %sub3A_675 : vector<20000xf32>
    %add3A_677 = arith.addf %add3A_670, %exp3A_676 : vector<20000xf32>
    %get3A_678 = arith.constant 32 : index
    %get3A_679 = arith.constant 0 : index
    %get3A_680 = vector.load %arg4[%get3A_678, %get3A_679] : memref<91x20000xf32, #tpu.memory_space<vmem>>, vector<1x20000xf32>
    %get3A_681 = vector.shape_cast %get3A_680 : vector<1x20000xf32> to vector<20000xf32>
    %sub3A_682 = arith.subf %get3A_681, %max3A_458 : vector<20000xf32>
    %exp3A_683 = math.exp %sub3A_682 : vector<20000xf32>
    %add3A_684 = arith.addf %add3A_677, %exp3A_683 : vector<20000xf32>
    %get3A_685 = arith.constant 33 : index
    %get3A_686 = arith.constant 0 : index
    %get3A_687 = vector.load %arg4[%get3A_685, %get3A_686] : memref<91x20000xf32, #tpu.memory_space<vmem>>, vector<1x20000xf32>
    %get3A_688 = vector.shape_cast %get3A_687 : vector<1x20000xf32> to vector<20000xf32>
    %sub3A_689 = arith.subf %get3A_688, %max3A_458 : vector<20000xf32>
    %exp3A_690 = math.exp %sub3A_689 : vector<20000xf32>
    %add3A_691 = arith.addf %add3A_684, %exp3A_690 : vector<20000xf32>
    %get3A_692 = arith.constant 34 : index
    %get3A_693 = arith.constant 0 : index
    %get3A_694 = vector.load %arg4[%get3A_692, %get3A_693] : memref<91x20000xf32, #tpu.memory_space<vmem>>, vector<1x20000xf32>
    %get3A_695 = vector.shape_cast %get3A_694 : vector<1x20000xf32> to vector<20000xf32>
    %sub3A_696 = arith.subf %get3A_695, %max3A_458 : vector<20000xf32>
    %exp3A_697 = math.exp %sub3A_696 : vector<20000xf32>
    %add3A_698 = arith.addf %add3A_691, %exp3A_697 : vector<20000xf32>
    %get3A_699 = arith.constant 35 : index
    %get3A_700 = arith.constant 0 : index
    %get3A_701 = vector.load %arg4[%get3A_699, %get3A_700] : memref<91x20000xf32, #tpu.memory_space<vmem>>, vector<1x20000xf32>
    %get3A_702 = vector.shape_cast %get3A_701 : vector<1x20000xf32> to vector<20000xf32>
    %sub3A_703 = arith.subf %get3A_702, %max3A_458 : vector<20000xf32>
    %exp3A_704 = math.exp %sub3A_703 : vector<20000xf32>
    %add3A_705 = arith.addf %add3A_698, %exp3A_704 : vector<20000xf32>
    %get3A_706 = arith.constant 36 : index
    %get3A_707 = arith.constant 0 : index
    %get3A_708 = vector.load %arg4[%get3A_706, %get3A_707] : memref<91x20000xf32, #tpu.memory_space<vmem>>, vector<1x20000xf32>
    %get3A_709 = vector.shape_cast %get3A_708 : vector<1x20000xf32> to vector<20000xf32>
    %sub3A_710 = arith.subf %get3A_709, %max3A_458 : vector<20000xf32>
    %exp3A_711 = math.exp %sub3A_710 : vector<20000xf32>
    %add3A_712 = arith.addf %add3A_705, %exp3A_711 : vector<20000xf32>
    %get3A_713 = arith.constant 37 : index
    %get3A_714 = arith.constant 0 : index
    %get3A_715 = vector.load %arg4[%get3A_713, %get3A_714] : memref<91x20000xf32, #tpu.memory_space<vmem>>, vector<1x20000xf32>
    %get3A_716 = vector.shape_cast %get3A_715 : vector<1x20000xf32> to vector<20000xf32>
    %sub3A_717 = arith.subf %get3A_716, %max3A_458 : vector<20000xf32>
    %exp3A_718 = math.exp %sub3A_717 : vector<20000xf32>
    %add3A_719 = arith.addf %add3A_712, %exp3A_718 : vector<20000xf32>
    %get3A_720 = arith.constant 38 : index
    %get3A_721 = arith.constant 0 : index
    %get3A_722 = vector.load %arg4[%get3A_720, %get3A_721] : memref<91x20000xf32, #tpu.memory_space<vmem>>, vector<1x20000xf32>
    %get3A_723 = vector.shape_cast %get3A_722 : vector<1x20000xf32> to vector<20000xf32>
    %sub3A_724 = arith.subf %get3A_723, %max3A_458 : vector<20000xf32>
    %exp3A_725 = math.exp %sub3A_724 : vector<20000xf32>
    %add3A_726 = arith.addf %add3A_719, %exp3A_725 : vector<20000xf32>
    %add3A_727 = arith.addf %add3A_636, %add3A_726 : vector<20000xf32>
    %get3A_728 = arith.constant 39 : index
    %get3A_729 = arith.constant 0 : index
    %get3A_730 = vector.load %arg4[%get3A_728, %get3A_729] : memref<91x20000xf32, #tpu.memory_space<vmem>>, vector<1x20000xf32>
    %get3A_731 = vector.shape_cast %get3A_730 : vector<1x20000xf32> to vector<20000xf32>
    %sub3A_732 = arith.subf %get3A_731, %max3A_458 : vector<20000xf32>
    %exp3A_733 = math.exp %sub3A_732 : vector<20000xf32>
    %get3A_734 = arith.constant 40 : index
    %get3A_735 = arith.constant 0 : index
    %get3A_736 = vector.load %arg4[%get3A_734, %get3A_735] : memref<91x20000xf32, #tpu.memory_space<vmem>>, vector<1x20000xf32>
    %get3A_737 = vector.shape_cast %get3A_736 : vector<1x20000xf32> to vector<20000xf32>
    %sub3A_738 = arith.subf %get3A_737, %max3A_458 : vector<20000xf32>
    %exp3A_739 = math.exp %sub3A_738 : vector<20000xf32>
    %add3A_740 = arith.addf %exp3A_733, %exp3A_739 : vector<20000xf32>
    %get3A_741 = arith.constant 41 : index
    %get3A_742 = arith.constant 0 : index
    %get3A_743 = vector.load %arg4[%get3A_741, %get3A_742] : memref<91x20000xf32, #tpu.memory_space<vmem>>, vector<1x20000xf32>
    %get3A_744 = vector.shape_cast %get3A_743 : vector<1x20000xf32> to vector<20000xf32>
    %sub3A_745 = arith.subf %get3A_744, %max3A_458 : vector<20000xf32>
    %exp3A_746 = math.exp %sub3A_745 : vector<20000xf32>
    %add3A_747 = arith.addf %add3A_740, %exp3A_746 : vector<20000xf32>
    %get3A_748 = arith.constant 42 : index
    %get3A_749 = arith.constant 0 : index
    %get3A_750 = vector.load %arg4[%get3A_748, %get3A_749] : memref<91x20000xf32, #tpu.memory_space<vmem>>, vector<1x20000xf32>
    %get3A_751 = vector.shape_cast %get3A_750 : vector<1x20000xf32> to vector<20000xf32>
    %sub3A_752 = arith.subf %get3A_751, %max3A_458 : vector<20000xf32>
    %exp3A_753 = math.exp %sub3A_752 : vector<20000xf32>
    %add3A_754 = arith.addf %add3A_747, %exp3A_753 : vector<20000xf32>
    %get3A_755 = arith.constant 43 : index
    %get3A_756 = arith.constant 0 : index
    %get3A_757 = vector.load %arg4[%get3A_755, %get3A_756] : memref<91x20000xf32, #tpu.memory_space<vmem>>, vector<1x20000xf32>
    %get3A_758 = vector.shape_cast %get3A_757 : vector<1x20000xf32> to vector<20000xf32>
    %sub3A_759 = arith.subf %get3A_758, %max3A_458 : vector<20000xf32>
    %exp3A_760 = math.exp %sub3A_759 : vector<20000xf32>
    %add3A_761 = arith.addf %add3A_754, %exp3A_760 : vector<20000xf32>
    %get3A_762 = arith.constant 44 : index
    %get3A_763 = arith.constant 0 : index
    %get3A_764 = vector.load %arg4[%get3A_762, %get3A_763] : memref<91x20000xf32, #tpu.memory_space<vmem>>, vector<1x20000xf32>
    %get3A_765 = vector.shape_cast %get3A_764 : vector<1x20000xf32> to vector<20000xf32>
    %sub3A_766 = arith.subf %get3A_765, %max3A_458 : vector<20000xf32>
    %exp3A_767 = math.exp %sub3A_766 : vector<20000xf32>
    %add3A_768 = arith.addf %add3A_761, %exp3A_767 : vector<20000xf32>
    %get3A_769 = arith.constant 45 : index
    %get3A_770 = arith.constant 0 : index
    %get3A_771 = vector.load %arg4[%get3A_769, %get3A_770] : memref<91x20000xf32, #tpu.memory_space<vmem>>, vector<1x20000xf32>
    %get3A_772 = vector.shape_cast %get3A_771 : vector<1x20000xf32> to vector<20000xf32>
    %sub3A_773 = arith.subf %get3A_772, %max3A_458 : vector<20000xf32>
    %exp3A_774 = math.exp %sub3A_773 : vector<20000xf32>
    %add3A_775 = arith.addf %add3A_768, %exp3A_774 : vector<20000xf32>
    %get3A_776 = arith.constant 46 : index
    %get3A_777 = arith.constant 0 : index
    %get3A_778 = vector.load %arg4[%get3A_776, %get3A_777] : memref<91x20000xf32, #tpu.memory_space<vmem>>, vector<1x20000xf32>
    %get3A_779 = vector.shape_cast %get3A_778 : vector<1x20000xf32> to vector<20000xf32>
    %sub3A_780 = arith.subf %get3A_779, %max3A_458 : vector<20000xf32>
    %exp3A_781 = math.exp %sub3A_780 : vector<20000xf32>
    %add3A_782 = arith.addf %add3A_775, %exp3A_781 : vector<20000xf32>
    %get3A_783 = arith.constant 47 : index
    %get3A_784 = arith.constant 0 : index
    %get3A_785 = vector.load %arg4[%get3A_783, %get3A_784] : memref<91x20000xf32, #tpu.memory_space<vmem>>, vector<1x20000xf32>
    %get3A_786 = vector.shape_cast %get3A_785 : vector<1x20000xf32> to vector<20000xf32>
    %sub3A_787 = arith.subf %get3A_786, %max3A_458 : vector<20000xf32>
    %exp3A_788 = math.exp %sub3A_787 : vector<20000xf32>
    %add3A_789 = arith.addf %add3A_782, %exp3A_788 : vector<20000xf32>
    %get3A_790 = arith.constant 48 : index
    %get3A_791 = arith.constant 0 : index
    %get3A_792 = vector.load %arg4[%get3A_790, %get3A_791] : memref<91x20000xf32, #tpu.memory_space<vmem>>, vector<1x20000xf32>
    %get3A_793 = vector.shape_cast %get3A_792 : vector<1x20000xf32> to vector<20000xf32>
    %sub3A_794 = arith.subf %get3A_793, %max3A_458 : vector<20000xf32>
    %exp3A_795 = math.exp %sub3A_794 : vector<20000xf32>
    %add3A_796 = arith.addf %add3A_789, %exp3A_795 : vector<20000xf32>
    %get3A_797 = arith.constant 49 : index
    %get3A_798 = arith.constant 0 : index
    %get3A_799 = vector.load %arg4[%get3A_797, %get3A_798] : memref<91x20000xf32, #tpu.memory_space<vmem>>, vector<1x20000xf32>
    %get3A_800 = vector.shape_cast %get3A_799 : vector<1x20000xf32> to vector<20000xf32>
    %sub3A_801 = arith.subf %get3A_800, %max3A_458 : vector<20000xf32>
    %exp3A_802 = math.exp %sub3A_801 : vector<20000xf32>
    %add3A_803 = arith.addf %add3A_796, %exp3A_802 : vector<20000xf32>
    %get3A_804 = arith.constant 50 : index
    %get3A_805 = arith.constant 0 : index
    %get3A_806 = vector.load %arg4[%get3A_804, %get3A_805] : memref<91x20000xf32, #tpu.memory_space<vmem>>, vector<1x20000xf32>
    %get3A_807 = vector.shape_cast %get3A_806 : vector<1x20000xf32> to vector<20000xf32>
    %sub3A_808 = arith.subf %get3A_807, %max3A_458 : vector<20000xf32>
    %exp3A_809 = math.exp %sub3A_808 : vector<20000xf32>
    %add3A_810 = arith.addf %add3A_803, %exp3A_809 : vector<20000xf32>
    %get3A_811 = arith.constant 51 : index
    %get3A_812 = arith.constant 0 : index
    %get3A_813 = vector.load %arg4[%get3A_811, %get3A_812] : memref<91x20000xf32, #tpu.memory_space<vmem>>, vector<1x20000xf32>
    %get3A_814 = vector.shape_cast %get3A_813 : vector<1x20000xf32> to vector<20000xf32>
    %sub3A_815 = arith.subf %get3A_814, %max3A_458 : vector<20000xf32>
    %exp3A_816 = math.exp %sub3A_815 : vector<20000xf32>
    %add3A_817 = arith.addf %add3A_810, %exp3A_816 : vector<20000xf32>
    %add3A_818 = arith.addf %add3A_727, %add3A_817 : vector<20000xf32>
    %get3A_819 = arith.constant 52 : index
    %get3A_820 = arith.constant 0 : index
    %get3A_821 = vector.load %arg4[%get3A_819, %get3A_820] : memref<91x20000xf32, #tpu.memory_space<vmem>>, vector<1x20000xf32>
    %get3A_822 = vector.shape_cast %get3A_821 : vector<1x20000xf32> to vector<20000xf32>
    %sub3A_823 = arith.subf %get3A_822, %max3A_458 : vector<20000xf32>
    %exp3A_824 = math.exp %sub3A_823 : vector<20000xf32>
    %get3A_825 = arith.constant 53 : index
    %get3A_826 = arith.constant 0 : index
    %get3A_827 = vector.load %arg4[%get3A_825, %get3A_826] : memref<91x20000xf32, #tpu.memory_space<vmem>>, vector<1x20000xf32>
    %get3A_828 = vector.shape_cast %get3A_827 : vector<1x20000xf32> to vector<20000xf32>
    %sub3A_829 = arith.subf %get3A_828, %max3A_458 : vector<20000xf32>
    %exp3A_830 = math.exp %sub3A_829 : vector<20000xf32>
    %add3A_831 = arith.addf %exp3A_824, %exp3A_830 : vector<20000xf32>
    %get3A_832 = arith.constant 54 : index
    %get3A_833 = arith.constant 0 : index
    %get3A_834 = vector.load %arg4[%get3A_832, %get3A_833] : memref<91x20000xf32, #tpu.memory_space<vmem>>, vector<1x20000xf32>
    %get3A_835 = vector.shape_cast %get3A_834 : vector<1x20000xf32> to vector<20000xf32>
    %sub3A_836 = arith.subf %get3A_835, %max3A_458 : vector<20000xf32>
    %exp3A_837 = math.exp %sub3A_836 : vector<20000xf32>
    %add3A_838 = arith.addf %add3A_831, %exp3A_837 : vector<20000xf32>
    %get3A_839 = arith.constant 55 : index
    %get3A_840 = arith.constant 0 : index
    %get3A_841 = vector.load %arg4[%get3A_839, %get3A_840] : memref<91x20000xf32, #tpu.memory_space<vmem>>, vector<1x20000xf32>
    %get3A_842 = vector.shape_cast %get3A_841 : vector<1x20000xf32> to vector<20000xf32>
    %sub3A_843 = arith.subf %get3A_842, %max3A_458 : vector<20000xf32>
    %exp3A_844 = math.exp %sub3A_843 : vector<20000xf32>
    %add3A_845 = arith.addf %add3A_838, %exp3A_844 : vector<20000xf32>
    %get3A_846 = arith.constant 56 : index
    %get3A_847 = arith.constant 0 : index
    %get3A_848 = vector.load %arg4[%get3A_846, %get3A_847] : memref<91x20000xf32, #tpu.memory_space<vmem>>, vector<1x20000xf32>
    %get3A_849 = vector.shape_cast %get3A_848 : vector<1x20000xf32> to vector<20000xf32>
    %sub3A_850 = arith.subf %get3A_849, %max3A_458 : vector<20000xf32>
    %exp3A_851 = math.exp %sub3A_850 : vector<20000xf32>
    %add3A_852 = arith.addf %add3A_845, %exp3A_851 : vector<20000xf32>
    %get3A_853 = arith.constant 57 : index
    %get3A_854 = arith.constant 0 : index
    %get3A_855 = vector.load %arg4[%get3A_853, %get3A_854] : memref<91x20000xf32, #tpu.memory_space<vmem>>, vector<1x20000xf32>
    %get3A_856 = vector.shape_cast %get3A_855 : vector<1x20000xf32> to vector<20000xf32>
    %sub3A_857 = arith.subf %get3A_856, %max3A_458 : vector<20000xf32>
    %exp3A_858 = math.exp %sub3A_857 : vector<20000xf32>
    %add3A_859 = arith.addf %add3A_852, %exp3A_858 : vector<20000xf32>
    %get3A_860 = arith.constant 58 : index
    %get3A_861 = arith.constant 0 : index
    %get3A_862 = vector.load %arg4[%get3A_860, %get3A_861] : memref<91x20000xf32, #tpu.memory_space<vmem>>, vector<1x20000xf32>
    %get3A_863 = vector.shape_cast %get3A_862 : vector<1x20000xf32> to vector<20000xf32>
    %sub3A_864 = arith.subf %get3A_863, %max3A_458 : vector<20000xf32>
    %exp3A_865 = math.exp %sub3A_864 : vector<20000xf32>
    %add3A_866 = arith.addf %add3A_859, %exp3A_865 : vector<20000xf32>
    %get3A_867 = arith.constant 59 : index
    %get3A_868 = arith.constant 0 : index
    %get3A_869 = vector.load %arg4[%get3A_867, %get3A_868] : memref<91x20000xf32, #tpu.memory_space<vmem>>, vector<1x20000xf32>
    %get3A_870 = vector.shape_cast %get3A_869 : vector<1x20000xf32> to vector<20000xf32>
    %sub3A_871 = arith.subf %get3A_870, %max3A_458 : vector<20000xf32>
    %exp3A_872 = math.exp %sub3A_871 : vector<20000xf32>
    %add3A_873 = arith.addf %add3A_866, %exp3A_872 : vector<20000xf32>
    %get3A_874 = arith.constant 60 : index
    %get3A_875 = arith.constant 0 : index
    %get3A_876 = vector.load %arg4[%get3A_874, %get3A_875] : memref<91x20000xf32, #tpu.memory_space<vmem>>, vector<1x20000xf32>
    %get3A_877 = vector.shape_cast %get3A_876 : vector<1x20000xf32> to vector<20000xf32>
    %sub3A_878 = arith.subf %get3A_877, %max3A_458 : vector<20000xf32>
    %exp3A_879 = math.exp %sub3A_878 : vector<20000xf32>
    %add3A_880 = arith.addf %add3A_873, %exp3A_879 : vector<20000xf32>
    %get3A_881 = arith.constant 61 : index
    %get3A_882 = arith.constant 0 : index
    %get3A_883 = vector.load %arg4[%get3A_881, %get3A_882] : memref<91x20000xf32, #tpu.memory_space<vmem>>, vector<1x20000xf32>
    %get3A_884 = vector.shape_cast %get3A_883 : vector<1x20000xf32> to vector<20000xf32>
    %sub3A_885 = arith.subf %get3A_884, %max3A_458 : vector<20000xf32>
    %exp3A_886 = math.exp %sub3A_885 : vector<20000xf32>
    %add3A_887 = arith.addf %add3A_880, %exp3A_886 : vector<20000xf32>
    %get3A_888 = arith.constant 62 : index
    %get3A_889 = arith.constant 0 : index
    %get3A_890 = vector.load %arg4[%get3A_888, %get3A_889] : memref<91x20000xf32, #tpu.memory_space<vmem>>, vector<1x20000xf32>
    %get3A_891 = vector.shape_cast %get3A_890 : vector<1x20000xf32> to vector<20000xf32>
    %sub3A_892 = arith.subf %get3A_891, %max3A_458 : vector<20000xf32>
    %exp3A_893 = math.exp %sub3A_892 : vector<20000xf32>
    %add3A_894 = arith.addf %add3A_887, %exp3A_893 : vector<20000xf32>
    %get3A_895 = arith.constant 63 : index
    %get3A_896 = arith.constant 0 : index
    %get3A_897 = vector.load %arg4[%get3A_895, %get3A_896] : memref<91x20000xf32, #tpu.memory_space<vmem>>, vector<1x20000xf32>
    %get3A_898 = vector.shape_cast %get3A_897 : vector<1x20000xf32> to vector<20000xf32>
    %sub3A_899 = arith.subf %get3A_898, %max3A_458 : vector<20000xf32>
    %exp3A_900 = math.exp %sub3A_899 : vector<20000xf32>
    %add3A_901 = arith.addf %add3A_894, %exp3A_900 : vector<20000xf32>
    %get3A_902 = arith.constant 64 : index
    %get3A_903 = arith.constant 0 : index
    %get3A_904 = vector.load %arg4[%get3A_902, %get3A_903] : memref<91x20000xf32, #tpu.memory_space<vmem>>, vector<1x20000xf32>
    %get3A_905 = vector.shape_cast %get3A_904 : vector<1x20000xf32> to vector<20000xf32>
    %sub3A_906 = arith.subf %get3A_905, %max3A_458 : vector<20000xf32>
    %exp3A_907 = math.exp %sub3A_906 : vector<20000xf32>
    %add3A_908 = arith.addf %add3A_901, %exp3A_907 : vector<20000xf32>
    %add3A_909 = arith.addf %add3A_818, %add3A_908 : vector<20000xf32>
    %get3A_910 = arith.constant 65 : index
    %get3A_911 = arith.constant 0 : index
    %get3A_912 = vector.load %arg4[%get3A_910, %get3A_911] : memref<91x20000xf32, #tpu.memory_space<vmem>>, vector<1x20000xf32>
    %get3A_913 = vector.shape_cast %get3A_912 : vector<1x20000xf32> to vector<20000xf32>
    %sub3A_914 = arith.subf %get3A_913, %max3A_458 : vector<20000xf32>
    %exp3A_915 = math.exp %sub3A_914 : vector<20000xf32>
    %get3A_916 = arith.constant 66 : index
    %get3A_917 = arith.constant 0 : index
    %get3A_918 = vector.load %arg4[%get3A_916, %get3A_917] : memref<91x20000xf32, #tpu.memory_space<vmem>>, vector<1x20000xf32>
    %get3A_919 = vector.shape_cast %get3A_918 : vector<1x20000xf32> to vector<20000xf32>
    %sub3A_920 = arith.subf %get3A_919, %max3A_458 : vector<20000xf32>
    %exp3A_921 = math.exp %sub3A_920 : vector<20000xf32>
    %add3A_922 = arith.addf %exp3A_915, %exp3A_921 : vector<20000xf32>
    %get3A_923 = arith.constant 67 : index
    %get3A_924 = arith.constant 0 : index
    %get3A_925 = vector.load %arg4[%get3A_923, %get3A_924] : memref<91x20000xf32, #tpu.memory_space<vmem>>, vector<1x20000xf32>
    %get3A_926 = vector.shape_cast %get3A_925 : vector<1x20000xf32> to vector<20000xf32>
    %sub3A_927 = arith.subf %get3A_926, %max3A_458 : vector<20000xf32>
    %exp3A_928 = math.exp %sub3A_927 : vector<20000xf32>
    %add3A_929 = arith.addf %add3A_922, %exp3A_928 : vector<20000xf32>
    %get3A_930 = arith.constant 68 : index
    %get3A_931 = arith.constant 0 : index
    %get3A_932 = vector.load %arg4[%get3A_930, %get3A_931] : memref<91x20000xf32, #tpu.memory_space<vmem>>, vector<1x20000xf32>
    %get3A_933 = vector.shape_cast %get3A_932 : vector<1x20000xf32> to vector<20000xf32>
    %sub3A_934 = arith.subf %get3A_933, %max3A_458 : vector<20000xf32>
    %exp3A_935 = math.exp %sub3A_934 : vector<20000xf32>
    %add3A_936 = arith.addf %add3A_929, %exp3A_935 : vector<20000xf32>
    %get3A_937 = arith.constant 69 : index
    %get3A_938 = arith.constant 0 : index
    %get3A_939 = vector.load %arg4[%get3A_937, %get3A_938] : memref<91x20000xf32, #tpu.memory_space<vmem>>, vector<1x20000xf32>
    %get3A_940 = vector.shape_cast %get3A_939 : vector<1x20000xf32> to vector<20000xf32>
    %sub3A_941 = arith.subf %get3A_940, %max3A_458 : vector<20000xf32>
    %exp3A_942 = math.exp %sub3A_941 : vector<20000xf32>
    %add3A_943 = arith.addf %add3A_936, %exp3A_942 : vector<20000xf32>
    %get3A_944 = arith.constant 70 : index
    %get3A_945 = arith.constant 0 : index
    %get3A_946 = vector.load %arg4[%get3A_944, %get3A_945] : memref<91x20000xf32, #tpu.memory_space<vmem>>, vector<1x20000xf32>
    %get3A_947 = vector.shape_cast %get3A_946 : vector<1x20000xf32> to vector<20000xf32>
    %sub3A_948 = arith.subf %get3A_947, %max3A_458 : vector<20000xf32>
    %exp3A_949 = math.exp %sub3A_948 : vector<20000xf32>
    %add3A_950 = arith.addf %add3A_943, %exp3A_949 : vector<20000xf32>
    %get3A_951 = arith.constant 71 : index
    %get3A_952 = arith.constant 0 : index
    %get3A_953 = vector.load %arg4[%get3A_951, %get3A_952] : memref<91x20000xf32, #tpu.memory_space<vmem>>, vector<1x20000xf32>
    %get3A_954 = vector.shape_cast %get3A_953 : vector<1x20000xf32> to vector<20000xf32>
    %sub3A_955 = arith.subf %get3A_954, %max3A_458 : vector<20000xf32>
    %exp3A_956 = math.exp %sub3A_955 : vector<20000xf32>
    %add3A_957 = arith.addf %add3A_950, %exp3A_956 : vector<20000xf32>
    %get3A_958 = arith.constant 72 : index
    %get3A_959 = arith.constant 0 : index
    %get3A_960 = vector.load %arg4[%get3A_958, %get3A_959] : memref<91x20000xf32, #tpu.memory_space<vmem>>, vector<1x20000xf32>
    %get3A_961 = vector.shape_cast %get3A_960 : vector<1x20000xf32> to vector<20000xf32>
    %sub3A_962 = arith.subf %get3A_961, %max3A_458 : vector<20000xf32>
    %exp3A_963 = math.exp %sub3A_962 : vector<20000xf32>
    %add3A_964 = arith.addf %add3A_957, %exp3A_963 : vector<20000xf32>
    %get3A_965 = arith.constant 73 : index
    %get3A_966 = arith.constant 0 : index
    %get3A_967 = vector.load %arg4[%get3A_965, %get3A_966] : memref<91x20000xf32, #tpu.memory_space<vmem>>, vector<1x20000xf32>
    %get3A_968 = vector.shape_cast %get3A_967 : vector<1x20000xf32> to vector<20000xf32>
    %sub3A_969 = arith.subf %get3A_968, %max3A_458 : vector<20000xf32>
    %exp3A_970 = math.exp %sub3A_969 : vector<20000xf32>
    %add3A_971 = arith.addf %add3A_964, %exp3A_970 : vector<20000xf32>
    %get3A_972 = arith.constant 74 : index
    %get3A_973 = arith.constant 0 : index
    %get3A_974 = vector.load %arg4[%get3A_972, %get3A_973] : memref<91x20000xf32, #tpu.memory_space<vmem>>, vector<1x20000xf32>
    %get3A_975 = vector.shape_cast %get3A_974 : vector<1x20000xf32> to vector<20000xf32>
    %sub3A_976 = arith.subf %get3A_975, %max3A_458 : vector<20000xf32>
    %exp3A_977 = math.exp %sub3A_976 : vector<20000xf32>
    %add3A_978 = arith.addf %add3A_971, %exp3A_977 : vector<20000xf32>
    %get3A_979 = arith.constant 75 : index
    %get3A_980 = arith.constant 0 : index
    %get3A_981 = vector.load %arg4[%get3A_979, %get3A_980] : memref<91x20000xf32, #tpu.memory_space<vmem>>, vector<1x20000xf32>
    %get3A_982 = vector.shape_cast %get3A_981 : vector<1x20000xf32> to vector<20000xf32>
    %sub3A_983 = arith.subf %get3A_982, %max3A_458 : vector<20000xf32>
    %exp3A_984 = math.exp %sub3A_983 : vector<20000xf32>
    %add3A_985 = arith.addf %add3A_978, %exp3A_984 : vector<20000xf32>
    %get3A_986 = arith.constant 76 : index
    %get3A_987 = arith.constant 0 : index
    %get3A_988 = vector.load %arg4[%get3A_986, %get3A_987] : memref<91x20000xf32, #tpu.memory_space<vmem>>, vector<1x20000xf32>
    %get3A_989 = vector.shape_cast %get3A_988 : vector<1x20000xf32> to vector<20000xf32>
    %sub3A_990 = arith.subf %get3A_989, %max3A_458 : vector<20000xf32>
    %exp3A_991 = math.exp %sub3A_990 : vector<20000xf32>
    %add3A_992 = arith.addf %add3A_985, %exp3A_991 : vector<20000xf32>
    %get3A_993 = arith.constant 77 : index
    %get3A_994 = arith.constant 0 : index
    %get3A_995 = vector.load %arg4[%get3A_993, %get3A_994] : memref<91x20000xf32, #tpu.memory_space<vmem>>, vector<1x20000xf32>
    %get3A_996 = vector.shape_cast %get3A_995 : vector<1x20000xf32> to vector<20000xf32>
    %sub3A_997 = arith.subf %get3A_996, %max3A_458 : vector<20000xf32>
    %exp3A_998 = math.exp %sub3A_997 : vector<20000xf32>
    %add3A_999 = arith.addf %add3A_992, %exp3A_998 : vector<20000xf32>
    %add3A_1000 = arith.addf %add3A_909, %add3A_999 : vector<20000xf32>
    %get3A_1001 = arith.constant 78 : index
    %get3A_1002 = arith.constant 0 : index
    %get3A_1003 = vector.load %arg4[%get3A_1001, %get3A_1002] : memref<91x20000xf32, #tpu.memory_space<vmem>>, vector<1x20000xf32>
    %get3A_1004 = vector.shape_cast %get3A_1003 : vector<1x20000xf32> to vector<20000xf32>
    %sub3A_1005 = arith.subf %get3A_1004, %max3A_458 : vector<20000xf32>
    %exp3A_1006 = math.exp %sub3A_1005 : vector<20000xf32>
    %get3A_1007 = arith.constant 79 : index
    %get3A_1008 = arith.constant 0 : index
    %get3A_1009 = vector.load %arg4[%get3A_1007, %get3A_1008] : memref<91x20000xf32, #tpu.memory_space<vmem>>, vector<1x20000xf32>
    %get3A_1010 = vector.shape_cast %get3A_1009 : vector<1x20000xf32> to vector<20000xf32>
    %sub3A_1011 = arith.subf %get3A_1010, %max3A_458 : vector<20000xf32>
    %exp3A_1012 = math.exp %sub3A_1011 : vector<20000xf32>
    %add3A_1013 = arith.addf %exp3A_1006, %exp3A_1012 : vector<20000xf32>
    %get3A_1014 = arith.constant 80 : index
    %get3A_1015 = arith.constant 0 : index
    %get3A_1016 = vector.load %arg4[%get3A_1014, %get3A_1015] : memref<91x20000xf32, #tpu.memory_space<vmem>>, vector<1x20000xf32>
    %get3A_1017 = vector.shape_cast %get3A_1016 : vector<1x20000xf32> to vector<20000xf32>
    %sub3A_1018 = arith.subf %get3A_1017, %max3A_458 : vector<20000xf32>
    %exp3A_1019 = math.exp %sub3A_1018 : vector<20000xf32>
    %add3A_1020 = arith.addf %add3A_1013, %exp3A_1019 : vector<20000xf32>
    %get3A_1021 = arith.constant 81 : index
    %get3A_1022 = arith.constant 0 : index
    %get3A_1023 = vector.load %arg4[%get3A_1021, %get3A_1022] : memref<91x20000xf32, #tpu.memory_space<vmem>>, vector<1x20000xf32>
    %get3A_1024 = vector.shape_cast %get3A_1023 : vector<1x20000xf32> to vector<20000xf32>
    %sub3A_1025 = arith.subf %get3A_1024, %max3A_458 : vector<20000xf32>
    %exp3A_1026 = math.exp %sub3A_1025 : vector<20000xf32>
    %add3A_1027 = arith.addf %add3A_1020, %exp3A_1026 : vector<20000xf32>
    %get3A_1028 = arith.constant 82 : index
    %get3A_1029 = arith.constant 0 : index
    %get3A_1030 = vector.load %arg4[%get3A_1028, %get3A_1029] : memref<91x20000xf32, #tpu.memory_space<vmem>>, vector<1x20000xf32>
    %get3A_1031 = vector.shape_cast %get3A_1030 : vector<1x20000xf32> to vector<20000xf32>
    %sub3A_1032 = arith.subf %get3A_1031, %max3A_458 : vector<20000xf32>
    %exp3A_1033 = math.exp %sub3A_1032 : vector<20000xf32>
    %add3A_1034 = arith.addf %add3A_1027, %exp3A_1033 : vector<20000xf32>
    %get3A_1035 = arith.constant 83 : index
    %get3A_1036 = arith.constant 0 : index
    %get3A_1037 = vector.load %arg4[%get3A_1035, %get3A_1036] : memref<91x20000xf32, #tpu.memory_space<vmem>>, vector<1x20000xf32>
    %get3A_1038 = vector.shape_cast %get3A_1037 : vector<1x20000xf32> to vector<20000xf32>
    %sub3A_1039 = arith.subf %get3A_1038, %max3A_458 : vector<20000xf32>
    %exp3A_1040 = math.exp %sub3A_1039 : vector<20000xf32>
    %add3A_1041 = arith.addf %add3A_1034, %exp3A_1040 : vector<20000xf32>
    %get3A_1042 = arith.constant 84 : index
    %get3A_1043 = arith.constant 0 : index
    %get3A_1044 = vector.load %arg4[%get3A_1042, %get3A_1043] : memref<91x20000xf32, #tpu.memory_space<vmem>>, vector<1x20000xf32>
    %get3A_1045 = vector.shape_cast %get3A_1044 : vector<1x20000xf32> to vector<20000xf32>
    %sub3A_1046 = arith.subf %get3A_1045, %max3A_458 : vector<20000xf32>
    %exp3A_1047 = math.exp %sub3A_1046 : vector<20000xf32>
    %add3A_1048 = arith.addf %add3A_1041, %exp3A_1047 : vector<20000xf32>
    %get3A_1049 = arith.constant 85 : index
    %get3A_1050 = arith.constant 0 : index
    %get3A_1051 = vector.load %arg4[%get3A_1049, %get3A_1050] : memref<91x20000xf32, #tpu.memory_space<vmem>>, vector<1x20000xf32>
    %get3A_1052 = vector.shape_cast %get3A_1051 : vector<1x20000xf32> to vector<20000xf32>
    %sub3A_1053 = arith.subf %get3A_1052, %max3A_458 : vector<20000xf32>
    %exp3A_1054 = math.exp %sub3A_1053 : vector<20000xf32>
    %add3A_1055 = arith.addf %add3A_1048, %exp3A_1054 : vector<20000xf32>
    %get3A_1056 = arith.constant 86 : index
    %get3A_1057 = arith.constant 0 : index
    %get3A_1058 = vector.load %arg4[%get3A_1056, %get3A_1057] : memref<91x20000xf32, #tpu.memory_space<vmem>>, vector<1x20000xf32>
    %get3A_1059 = vector.shape_cast %get3A_1058 : vector<1x20000xf32> to vector<20000xf32>
    %sub3A_1060 = arith.subf %get3A_1059, %max3A_458 : vector<20000xf32>
    %exp3A_1061 = math.exp %sub3A_1060 : vector<20000xf32>
    %add3A_1062 = arith.addf %add3A_1055, %exp3A_1061 : vector<20000xf32>
    %get3A_1063 = arith.constant 87 : index
    %get3A_1064 = arith.constant 0 : index
    %get3A_1065 = vector.load %arg4[%get3A_1063, %get3A_1064] : memref<91x20000xf32, #tpu.memory_space<vmem>>, vector<1x20000xf32>
    %get3A_1066 = vector.shape_cast %get3A_1065 : vector<1x20000xf32> to vector<20000xf32>
    %sub3A_1067 = arith.subf %get3A_1066, %max3A_458 : vector<20000xf32>
    %exp3A_1068 = math.exp %sub3A_1067 : vector<20000xf32>
    %add3A_1069 = arith.addf %add3A_1062, %exp3A_1068 : vector<20000xf32>
    %get3A_1070 = arith.constant 88 : index
    %get3A_1071 = arith.constant 0 : index
    %get3A_1072 = vector.load %arg4[%get3A_1070, %get3A_1071] : memref<91x20000xf32, #tpu.memory_space<vmem>>, vector<1x20000xf32>
    %get3A_1073 = vector.shape_cast %get3A_1072 : vector<1x20000xf32> to vector<20000xf32>
    %sub3A_1074 = arith.subf %get3A_1073, %max3A_458 : vector<20000xf32>
    %exp3A_1075 = math.exp %sub3A_1074 : vector<20000xf32>
    %add3A_1076 = arith.addf %add3A_1069, %exp3A_1075 : vector<20000xf32>
    %get3A_1077 = arith.constant 89 : index
    %get3A_1078 = arith.constant 0 : index
    %get3A_1079 = vector.load %arg4[%get3A_1077, %get3A_1078] : memref<91x20000xf32, #tpu.memory_space<vmem>>, vector<1x20000xf32>
    %get3A_1080 = vector.shape_cast %get3A_1079 : vector<1x20000xf32> to vector<20000xf32>
    %sub3A_1081 = arith.subf %get3A_1080, %max3A_458 : vector<20000xf32>
    %exp3A_1082 = math.exp %sub3A_1081 : vector<20000xf32>
    %add3A_1083 = arith.addf %add3A_1076, %exp3A_1082 : vector<20000xf32>
    %get3A_1084 = arith.constant 90 : index
    %get3A_1085 = arith.constant 0 : index
    %get3A_1086 = vector.load %arg4[%get3A_1084, %get3A_1085] : memref<91x20000xf32, #tpu.memory_space<vmem>>, vector<1x20000xf32>
    %get3A_1087 = vector.shape_cast %get3A_1086 : vector<1x20000xf32> to vector<20000xf32>
    %sub3A_1088 = arith.subf %get3A_1087, %max3A_458 : vector<20000xf32>
    %exp3A_1089 = math.exp %sub3A_1088 : vector<20000xf32>
    %add3A_1090 = arith.addf %add3A_1083, %exp3A_1089 : vector<20000xf32>
    %add3A_1091 = arith.addf %add3A_1000, %add3A_1090 : vector<20000xf32>
    %get3A_1092 = arith.constant 90 : index
    %get3A_1093 = arith.constant 0 : index
    %get3A_1094 = vector.load %arg4[%get3A_1092, %get3A_1093] : memref<91x20000xf32, #tpu.memory_space<vmem>>, vector<1x20000xf32>
    %get3A_1095 = vector.shape_cast %get3A_1094 : vector<1x20000xf32> to vector<20000xf32>
    %sub3A_1096 = arith.subf %get3A_1095, %max3A_458 : vector<20000xf32>
    %exp3A_1097 = math.exp %sub3A_1096 : vector<20000xf32>
    %div3A = arith.divf %exp3A_1097, %add3A_1091 : vector<20000xf32>
    %jit3A = arith.constant 0 : i32
    %convert_element_type3A = arith.sitofp %jit3A : i32 to f32
    %pad3A = vector.broadcast %convert_element_type3A : f32 to vector<480xf32>
    %pad3A_1098 = tpu.concatenate %div3A, %pad3A in 0 : vector<20000xf32>, vector<480xf32> -> vector<20480xf32>
    %reshape3A = vector.shape_cast %pad3A_1098 : vector<20480xf32> to vector<1x1x1x20480xf32>
    %swap3A_1099 = arith.constant 0 : index
    %swap3A_1100 = arith.constant 0 : index
    %swap3A_1101 = arith.constant 0 : index
    %swap3A_1102 = arith.constant 0 : index
    %swap3A_1103 = vector.load %arg3[%swap3A_1099, %swap3A_1100, %swap3A_1101, %swap3A_1102] : memref<1x1x1x20480xf32, #tpu.memory_space<vmem>>, vector<1x1x1x20480xf32>
    tpu.vector_store %arg3[%swap3A_1099, %swap3A_1100, %swap3A_1101, %swap3A_1102], %reshape3A {strides = array<i32>} : memref<1x1x1x20480xf32, #tpu.memory_space<vmem>>, vector<1x1x1x20480xf32>,
    return
  }
  func.func @transform_0(%arg0: i32, %arg1: i32) -> (i32, i32, i32) {
    %c0_i32 = arith.constant 0 : i32
    %c0_i32_0 = arith.constant 0 : i32
    return %arg0, %arg1, %c0_i32 : i32, i32, i32
  }
  func.func @transform_1(%arg0: i32, %arg1: i32) -> (i32, i32, i32, i32) {
    %c0_i32 = arith.constant 0 : i32
    %c0_i32_0 = arith.constant 0 : i32
    %c0_i32_1 = arith.constant 0 : i32
    return %arg0, %arg1, %c0_i32, %c0_i32_0 : i32, i32, i32, i32
  }
}

</mosaic_0001>

<sc_bundles>
// kernel: kernel.5.cloned.1.call-start
scs
__scs_entry_jumppad:
0x0: {  	(pc) =	sbr.rel $0x88, $3  }
0x1: {  	(tag) =	ssettag $0x0;
	lr =	simm.s32 $0x1  }
0x2: {  	[smem:$0x3F9C] =	sst lr;
	_ =	strace $0xD0000000  }
0x3: {  	_ = 	snop  }
0x4: {  	_ = 	snop  }
0x5: {  	_ = 	snop  }
0x6: {  	_ = 	snop  }
0x7: {  	_ = 	snop  }
__scs_overlays_trampoline_lowered:
0x8: {  	[smem:$0x3FAB] =	sst s0  }
0x9: {  	[smem:$0x3FAC] =	sst s1  }
0xa: {  	[smem:$0x3FAD] =	sst s2  }
0xb: {  	[smem:$0x3FAE] =	sst s3  }
0xc: {  	[smem:$0x3FAF] =	sst s4  }
0xd: {  	[smem:$0x3FB0] =	sst s5  }
0xe: {  	[smem:$0x3FB1] =	sst s6  }
0xf: {  	[smem:$0x3FB2] =	sst s7  }
0x10: {  	[smem:$0x3FB3] =	sst s8  }
0x11: {  	[smem:$0x3FB4] =	sst s9;
	s0 =	simm.s32 @!p0 $0x0  }
0x12: {  	s1 =	sld [smem:$0x3F9A];
	s0 =	simm.s32 @p0 $0x1  }
0x13: {  	[smem:$0x3FB5] =	sst s0;
	s0 =	simm.s32 @!p1 $0x0  }
0x14: {  	s2 =	sld [smem:$0x3F99];
	s0 =	simm.s32 @p1 $0x1  }
0x15: {  	[smem:$0x3FB6] =	sst s0;
	s0 =	simm.s32 @!p2 $0x0  }
0x16: {  	s3 =	sld [smem:$0x3FDB];
	s0 =	simm.s32 @p2 $0x1  }
0x17: {  	s4 =	simm.s32 $0x1BF5;
	[smem:$0x3FB8] =	sst s0  }
0x18: {  	s0 =	sld [smem:$0x3F9B];
	_ =	swait.ge [sflag:s4], $0x0  }
0x19: {  	s7 =	sld [smem:$0x3F9C]  }
0x1a: {  	s8 =	sadd.s32 $0xFFFFE003, lr  }
0x1b: {  	s9 =	sadd.s32 $0xFFFFFEF7, lr;
	s5 =	simm.s32 $0xFFFFFFFF;
	p2 =	slt.u32 s8, $0xFFFFF086  }
0x1c: {  	p1 =	slt.u32 s9, $0xF7A;
	s5 =	simm.s32 @!p2 $0x0  }
0x1d: {  	s5 =	simm.s32 @p1 $0x1;
	p0 =	seq.s32 s7, s2  }
0x1e: {  	s7 =	smul.u32 @!p0 $0xF7A, s2;
	p2 =	seq.s32 @!p0 s5, $0x0  }
0x1f: {  	s9 =	smul.u32 $0xF7A, s1;
	s8 =	simm.s32 @!p0 $0x1BF5;
	p2 =	por !p2, p0  }
0x20: {  	[sflag:s8] =	ssyncset.s32 @!p0 $0xFFFFF086;
	s6 =	sadd.s32 @!p0 s3, s7;
	s7 =	simm.s32 @!p0 $0x108  }
0x21: {  	s3 =	sadd.s32 s3, s9;
	s6 =	sadd.s32 @!p0 $0x88, s6;
	s7 =	simm.s32 @p2 $0x1082  }
0x22: {  	[simem:s7], [sflag:s8] =	dma.local @!p0 [hbm:s6], $0xF7A  }
0x23: {  	s9 =	sor.u32 $0xD0000000, s2;
	s6 =	simm.s32 $0x108;
	_ =	swait.ge @!p0 [sflag:s8], $0x0  }
0x24: {  	s3 =	sadd.s32 $0x88, s3;
	s6 =	simm.s32 @!p1 $0x1082;
	[sflag:s4] =	ssyncset.s32 $0xFFFFF086  }
0x25: {  	[simem:s6], [sflag:s4] =	dma.local [hbm:s3], $0xF7A  }
0x26: {  	[smem:$0x3F9C] =	sst s1;
	(tag) =	ssettag s2;
	_ =	strace s9  }
0x27: {  	s1 =	sld [smem:$0x3FAC]  }
0x28: {  	s2 =	sld [smem:$0x3FAD]  }
0x29: {  	s4 =	sld [smem:$0x3FAF]  }
0x2a: {  	p0 =	seq.s32 s5, $0x0;
	s5 =	sld [smem:$0x3FB0]  }
0x2b: {  	s6 =	sld [smem:$0x3FB1]  }
0x2c: {  	s7 =	sld [smem:$0x3FB2]  }
0x2d: {  	s3 =	simm.s32 $0x108;
	s8 =	sld [smem:$0x3FB3]  }
0x2e: {  	s3 =	simm.s32 @!p0 $0x1082;
	s9 =	sld [smem:$0x3FB4]  }
0x2f: {  	lr =	sadd.s32 s0, s3;
	s0 =	sld [smem:$0x3FAB]  }
0x30: {  	s3 =	sld [smem:$0x3FAE]  }
0x31: {  	[smem:$0x3FB7] =	sst s10  }
0x32: {  	s10 =	sld [smem:$0x3FB5];
	_ =	sdelay $0x3  }
0x33: {  	p0 =	seq.s32 s10, $0x1;
	s10 =	sld [smem:$0x3FB7];
	_ =	sdelay $0x3  }
0x34: {  	[smem:$0x3FB7] =	sst s10  }
0x35: {  	s10 =	sld [smem:$0x3FB6];
	_ =	sdelay $0x3  }
0x36: {  	p1 =	seq.s32 s10, $0x1;
	s10 =	sld [smem:$0x3FB7];
	_ =	sdelay $0x3  }
0x37: {  	[smem:$0x3FB7] =	sst s10  }
0x38: {  	s10 =	sld [smem:$0x3FB8]  }
0x39: {  	_ = 	snop;
	(pc) =	sbr.ind lr, $3  }
0x3a: {  	_ = 	snop  }
0x3b: {  	_ = 	snop  }
0x3c: {  	p2 =	seq.s32 s10, $0x1;
	s10 =	sld [smem:$0x3FB7]  }
0x3d: {  	_ =	shalt  }
0x3e: {  	_ =	shalt  }
0x3f: {  	_ =	shalt  }
0x40: {  	_ =	shalt  }
0x41: {  	_ =	shalt  }
0x42: {  	_ =	shalt  }
0x43: {  	_ =	shalt  }
0x44: {  	_ =	shalt  }
0x45: {  	_ =	shalt  }
0x46: {  	_ =	shalt  }
0x47: {  	_ =	shalt  }
0x48: {  	_ =	shalt  }
0x49: {  	_ =	shalt  }
0x4a: {  	_ =	shalt  }
0x4b: {  	_ =	shalt  }
0x4c: {  	_ =	shalt  }
0x4d: {  	_ =	shalt  }
0x4e: {  	_ =	shalt  }
0x4f: {  	_ =	shalt  }
0x50: {  	_ =	shalt  }
0x51: {  	_ =	shalt  }
0x52: {  	_ =	shalt  }
0x53: {  	_ =	shalt  }
0x54: {  	_ =	shalt  }
0x55: {  	_ =	shalt  }
0x56: {  	_ =	shalt  }
0x57: {  	_ =	shalt  }
0x58: {  	_ =	shalt  }
0x59: {  	_ =	shalt  }
0x5a: {  	_ =	shalt  }
0x5b: {  	_ =	shalt  }
0x5c: {  	_ =	shalt  }
0x5d: {  	_ =	shalt  }
0x5e: {  	_ =	shalt  }
0x5f: {  	_ =	shalt  }
0x60: {  	_ =	shalt  }
0x61: {  	_ =	shalt  }
0x62: {  	_ =	shalt  }
0x63: {  	_ =	shalt  }
0x64: {  	_ =	shalt  }
0x65: {  	_ =	shalt  }
0x66: {  	_ =	shalt  }
0x67: {  	_ =	shalt  }
0x68: {  	_ =	shalt  }
0x69: {  	_ =	shalt  }
0x6a: {  	_ =	shalt  }
0x6b: {  	_ =	shalt  }
0x6c: {  	_ =	shalt  }
0x6d: {  	_ =	shalt  }
0x6e: {  	_ =	shalt  }
0x6f: {  	_ =	shalt  }
0x70: {  	_ =	shalt  }
0x71: {  	_ =	shalt  }
0x72: {  	_ =	shalt  }
0x73: {  	_ =	shalt  }
0x74: {  	_ =	shalt  }
0x75: {  	_ =	shalt  }
0x76: {  	_ =	shalt  }
0x77: {  	_ =	shalt  }
0x78: {  	_ =	shalt  }
0x79: {  	_ =	shalt  }
0x7a: {  	_ =	shalt  }
0x7b: {  	_ =	shalt  }
0x7c: {  	_ =	shalt  }
0x7d: {  	_ =	shalt  }
0x7e: {  	_ =	shalt  }
0x7f: {  	_ =	shalt  }
0x80: {  	_ =	shalt  }
0x81: {  	_ =	shalt  }
0x82: {  	_ =	shalt  }
0x83: {  	_ =	shalt  }
0x84: {  	_ =	shalt  }
0x85: {  	_ =	shalt  }
0x86: {  	_ =	shalt  }
0x87: {  	_ =	shalt  }
.Lfunc_end0:
.L_simem_size_0:
called_computation_lowered:
.L_overlay_start_0:
0x88: {  	s2 =	sld [smem:$0x3FD9]  }
0x89: {  	s3 =	sld [smem:$0x3FFE];
	_ =	sdelay $0x1  }
0x8a: {  	s1 =	srdreg.scid  }
0x8b: {  	s0 =	sand.u32 $0x1, s1  }
0x8c: {  	s17 =	sshll.u32 s0, $0xA;
	s2 =	sadd.s32 s3, s2  }
0x8d: {  	s2 =	sadd.s32 s2, s17  }
0x8e: {  	[smem:$0x3FC3] =	sst s2  }
0x8f: {  	_ = 	snop  }
0x90: {  	s2 =	sld [smem:$0x3FD0];
	(tm) =	ssettm $0x1  }
0x91: {  	s18 =	sld [smem:$0x3FFB];
	_ =	sdelay $0x3  }
0x92: {  	_ =	strace s18  }
0x93: {  	s3 =	sld [smem:$0x3FFC];
	_ =	sdelay $0x3  }
0x94: {  	_ =	strace s3  }
0x95: {  	s3 =	sld [smem:$0x3FFD];
	_ =	sdelay $0x3  }
0x96: {  	_ =	strace s3  }
0x97: {  	_ =	strace $0x8FFFFFFF  }
0x98: {  	s19 =	sld [smem:$0x3FDB];
	_ =	sdelay $0x1  }
0x99: {  	s4 =	simm.s32 $_scs_section_size  }
0x9a: {  	s5 =	simm.s32 $_size__tile_overlayer_lowered;
	s6 =	simm.s32 $_tile_overlayer_lowered  }
0x9b: {  	s22 =	simm.s32 $0x1BFF;
	s21 =	sshll.u32 s6, $0x1;
	s3 =	sadd.s32 s4, s19  }
0x9c: {  	s7 =	simm.s32 $0x0;
	s20 =	sshll.u32 s5, $0x1;
	s5 =	sadd.s32 s21, s3  }
0x9d: {  	[timem:s7], [sflag:s22] =	dma.local [hbm:s5], s20  }
0x9e: {  	_ =	swait.ge [sflag:s22], s20  }
0x9f: {  	s4 =	ssub.s32 $0x0, s20;
	[sflag:s22] =	ssyncset.done $0x0  }
0xa0: {  	[sflag:s22] =	ssyncadd.s32 s4;
	_ =	sdelay $0x1  }
0xa1: {  	s23 =	simm.s32 $0x1B8B  }
0xa2: {  	_ =	swait.ge [sflag:s23], $0x1  }
0xa3: {  	[sflag:s23] =	ssyncset.done $0x0  }
0xa4: {  	s25 =	simm.s32 $0x1B8E;
	s24 =	sld [smem:$0x3FFE];
	[sflag:s23] =	ssyncadd.s32 $0xFFFFFFFF  }
0xa5: {  	s26 =	simm.s32 $execute0_lowered;
	[smem:$0x3FD2] =	sst s25  }
0xa6: {  	s5 =	sshll.u32 s26, $0x1;
	_ =	strace $0x80000046;
	[dreg:$0x1] =	wrdreg $0xFFFFFFFF  }
0xa7: {  	s28 =	simm.s32 $_size_execute0_lowered;
	s3 =	sadd.s32 s3, s5;
	[dreg:$0x0] =	wrdreg $0x0  }
0xa8: {  	s5 =	sshll.u32 s28, $0x1;
	[dreg:$0x2] =	wrdreg s3  }
0xa9: {  	[dreg:$0x3] =	wrdreg s5  }
0xaa: {  	[dreg:$0x4] =	wrdreg $0xC0  }
0xab: {  	_ =	task [dreg:s7], $0x5FFFF  }
0xac: {  	[dreg:$0x1] =	wrdreg $0xFFFFFFFF  }
0xad: {  	[dreg:$0x0] =	wrdreg $0x60  }
0xae: {  	[dreg:$0x2] =	wrdreg s24  }
0xaf: {  	[dreg:$0x3] =	wrdreg s2  }
0xb0: {  	[dreg:$0x4] =	wrdreg $0x9  }
0xb1: {  	_ =	task.clear_ibuf [dreg:s7], $0x5FFFF;
	_ =	strace $0x90000046  }
0xb2: {  	s29 =	simm.s32 $0x9;
	_ =	strace $0x80000048  }
0xb3: {  	_ =	swait.ge [sflag:s29], $0x1  }
0xb4: {  	[sflag:s29] =	ssyncadd.s32 $0xFFFFFFFF  }
0xb5: {  	_ =	strace $0x90000048  }
0xb6: {  	_ =	sfence  }
0xb7: {  	s30 =	sld [smem:$0x0];
	_ =	sdelay $0x2  }
0xb8: {  	s31 =	sshll.u32 s1, $0xD;
	s1 =	sshrl.u32 s1, $0x2  }
0xb9: {  	s3 =	sand.u32 $0x4000, s31;
	s1 =	sadd.s32 s1, s30  }
0xba: {  	s0 =	sor.u32 s3, s0;
	s1 =	sshll.u32 s1, $0x11  }
0xbb: {  	s0 =	sor.u32 s1, s0  }
0xbc: {  	s0 =	sadd.s32 $0x8F2B, s0  }
0xbd: {  	[sflag:s0] =	ssyncadd.remote.s32 $0x1  }
0xbe: {  	_ =	sfence.sel $0xFFFF  }
0xbf: {  	[dreg:$0x0] =	wrdreg $0xFFFFFFFF;
	(pc) =	sbr.abs _section_cstart, $3  }
0xc0: {  	[dreg:$0x1] =	wrdreg $0xFFFFFFFF  }
0xc1: {  	_ =	task.clear_ibuf [dreg:s7], $0x2FFFF;
	_ =	strace $0x9FFFFFFF  }
0xc2: {  	(tm) =	ssettm $0x7FFFFFFF  }
0xc3: {  	_ =	shalt  }
tec
execute0_lowered:
.L_overlay_start_1:
0x0: {  	(tag) =	ssettag $0x1  }
0x1: {  	s3 =	stileid.u32  }
0x2: {  	p0 =	sgt.u32 s3, $0x7  }
.Ltmp0:
0x3: {  	_ = 	snop;
	(pc) =	sbr.rel @p0 .LBB2_33-.Ltmp0, $4  }
0x4: {  	_ = 	snop  }
0x5: {  	s1 =	rddreg [dreg:$0x0];
	s2 =	simm.s32 $0x0  }
0x6: {  	[smem:$0x7FF] =	sst s2  }
0x7: {  	s0 =	rddreg [dreg:$0x1];
	_ =	strace $0x80000047  }
0x8: {  	s3 =	srdreg.scid  }
0x9: {  	s4 =	stileid.u32;
	s9 =	sadd.s32 $0x1200, s1;
	s13 =	simm.s32 $0x2  }
0xa: {  	s14 =	simm.s32 $0x5280;
	s18 =	simm.s32 $0x5080;
	s19 =	simm.s32 $0x19C00  }
0xb: {  	s20 =	simm.s32 $0x19C80;
	s21 =	simm.s32 $0x19400;
	s28 =	simm.s32 $0x1A100  }
0xc: {  	s29 =	simm.s32 $0x19D00;
	s30 =	simm.s32 $0x1A500;
	s31 =	simm.s32 $0x0  }
0xd: {  	s7 =	sand.u32 $0x1, s3;
	s22 =	sshll.u32 s4, $0x1;
	s4 =	sshrl.u32 s4, $0x2  }
0xe: {  	s15 =	sor.u32 s7, s22;
	s5 =	smul.u32 $0x9C400, s4;
	s23 =	sshll.u32 s4, $0xA  }
0xf: {  	s10 =	smul.u32 $0x28000, s4;
	s12 =	ssub.s32 $0x2, s7;
	s22 =	simm.s32 $0x19800  }
0x10: {  	s3 =	sshll.u32 s15, $0x7;
	s11 =	smul.u32 $0x2EE, s15;
	s25 =	sshrl.u32 s12, $0x1  }
0x11: {  	vm0 =	vcmask $0xB08;
	vm1 =	vcmask $0x300;
	s8 =	sand.u32 $0x380, s3;
	s26 =	ssub.s32 s12, s25;
	s12 =	simm.s32 $0x400  }
0x12: {  	vm0 =	vmor vm1, vm0;
	vm1 =	vcmask $0x1310;
	s25 =	simm.s32 $0x1BD00;
	s3 =	sor.u32 s5, s8;
	s5 =	sor.u32 s23, s8  }
0x13: {  	vm0 =	vmor vm0, vm1;
	vm1 =	vcmask $0x1B18;
	s8 =	sor.u32 s10, s8;
	s23 =	simm.s32 $0x18B00;
	s3 =	sshrl.u32 s3, $0x3  }
0x14: {  	vm0 =	vmor vm0, vm1;
	vm1 =	vcmask $0x2320;
	s5 =	sshrl.u32 s5, $0x3;
	s10 =	sshrl.u32 s8, $0x3;
	s8 =	sadd.s32 s0, s11  }
0x15: {  	v2 =	vimm.s32 $0x0;
	vm0 =	vmor vm0, vm1;
	vm1 =	vcmask $0x2B28;
	s11 =	simm.s32 $0x80;
	s6 =	sadd.s32 s3, s1;
	s3 =	sadd.s32 $0xB800, s1  }
0x16: {  	v3 =	vlaneseq.u32;
	vm0 =	vmor vm0, vm1;
	vm1 =	vcmask $0x3330;
	s24 =	sadd.s32 s5, s1;
	s9 =	sadd.s32 s9, s10;
	s10 =	smax.u32 s26, $0x1  }
0x17: {  	v0 =	vmov s15;
	vm0 =	vmor vm0, vm1;
	vm1 =	vcmask $0x3B38;
	s26 =	simm.s32 $0x1;
	s4 =	sadd.s32 $0x143C00, s6;
	s5 =	sadd.s32 $0xB200, s24  }
0x18: {  	v4 =	vimm.f32 $5.000000000e-01;
	v1 =	vor.u32 $0x80, v0;
	vm0 =	vmor vm0, vm1;
	s6 =	sadd.s32 $0xB400, s24;
	s7 =	sadd.s32 $0xB600, s24;
	s24 =	simm.s32 $0x18F80  }
.LBB2_2:
0x19: {  	s1 =	simm.s32 $0x0  }
0x1a: {  	[tilespmem:s1], [sflag:$0x2] =	stream.strided.gather [hbm4b:s9+s11], $0x5000, s12, s11, $0x38;
	[tilespmem:$0x1BD80] =	vst v63  }
0x1b: {  	_ =	swait.ge [sflag:s13], $0x5000  }
0x1c: {  	[sflag:s13] =	ssyncset.done $0x0  }
0x1d: {  	[sflag:s13] =	ssyncadd.s32 $0xFFFFB000  }
0x1e: {  	[tilespmem:s14], [sflag:$0x1] =	stream.strided.gather [hbm4b:s4+s11], $0x13880, s12, s11, $0x38;
	[tilespmem:$0x1BD80] =	vst v63  }
0x1f: {  	s0 =	simm.s32 $0x5000  }
0x20: {  	[tilespmem:s0], [sflag:$0x2] =	stream.linear.gather [hbm4b:s5+s1], $0x80, $0x38;
	[tilespmem:$0x1BD80] =	vst v63  }
0x21: {  	_ =	swait.ge [sflag:s13], $0x80  }
0x22: {  	[sflag:s13] =	ssyncset.done $0x0  }
0x23: {  	s16 =	simm.s32 $0x5180;
	[sflag:s13] =	ssyncadd.s32 $0xFFFFFF80  }
0x24: {  	[tilespmem:s16], [sflag:$0x2] =	stream.linear.gather [hbm4b:s6+s1], $0x80, $0x38;
	[tilespmem:$0x1BD80] =	vst v63  }
0x25: {  	_ =	swait.ge [sflag:s13], $0x80  }
0x26: {  	[sflag:s13] =	ssyncset.done $0x0  }
0x27: {  	s17 =	simm.s32 $0x5200;
	[sflag:s13] =	ssyncadd.s32 $0xFFFFFF80  }
0x28: {  	[tilespmem:s17], [sflag:$0x2] =	stream.linear.gather [hbm4b:s7+s1], $0x80, $0x38;
	[tilespmem:$0x1BD80] =	vst v63  }
0x29: {  	_ =	swait.ge [sflag:s13], $0x80  }
0x2a: {  	[sflag:s13] =	ssyncset.done $0x0  }
0x2b: {  	[sflag:s13] =	ssyncadd.s32 $0xFFFFFF80  }
0x2c: {  	[tilespmem:s18], [sflag:$0x2] =	stream.linear.gather [hbm4b:s3+s1], $0x100, $0x38;
	[tilespmem:$0x1BD80] =	vst v63  }
0x2d: {  	_ =	swait.ge [sflag:s13], $0x100  }
0x2e: {  	[sflag:s13] =	ssyncset.done $0x0  }
0x2f: {  	[sflag:s13] =	ssyncadd.s32 $0xFFFFFF00  }
0x30: {  	v5 =	vld [tilespmem:$0x5000]  }
0x31: {  	v6 =	vld [tilespmem:s1+$0x0];
	_ =	sdelay $0x4  }
0x32: {  	vm1 =	vge.s32 v6, v5  }
0x33: {  	v7 =	vmpcnt.ones.xlane vm1;
	_ =	sdelay $0x1  }
0x34: {  	v7 =	vxor.u32 $0x80000000, v7  }
0x35: {  	(xrf0) =	vmax.scan.msk.u32 $0xffff, v7;
	_ =	sdelay $0x5  }
0x36: {  	v7, _, _ =	vpop (xrf0)  }
0x37: {  	p0 =	por $0x0, $0x0;
	(v2sf) =	vpush v7, $0xF  }
0x38: {  	vm1 =	vge.s32 @!p0 v6, v5;
	v6 =	vxor.u32 @!p0 $0xFFFFFFFF, v6;
	v7 =	vlaneseq.u32 @!p0  }
0x39: {  	[tilespmem:s1+$0x18B00] =	vst.msk @!p0 vm1, v6;
	v7 =	vor.u32 @!p0 s1, v7  }
0x3a: {  	s0 =	simm.s32 $0x10;
	[tilespmem:s1+$0x18F80] =	vst.msk @!p0 vm1, v7  }
0x3b: {  	v6 =	vld [tilespmem:s0+$0x0];
	_ =	sdelay $0x4  }
0x3c: {  	vm1 =	vge.s32 v6, v5  }
0x3d: {  	v7 =	vmpcnt.ones.xlane vm1;
	_ =	sdelay $0x1  }
0x3e: {  	v7 =	vxor.u32 $0x80000000, v7  }
0x3f: {  	(xrf0) =	vmax.scan.msk.u32 $0xffff, v7;
	_ =	sdelay $0x1  }
0x40: {  	s15 =	spop (v2sf)  }
0x41: {  	s1 =	simm.s32 $0x20;
	s16 =	sadd.s32 $0x0, s15;
	s15 =	simm.s32 $0x10  }
.LBB2_3:
0x42: {  	s16 =	sadd.s32 $0x80000000, s16;
	s17 =	smov.u32 s1;
	s1 =	sadd.s32 $0x10, s1  }
0x43: {  	p0 =	seq.s32 s1, $0x5000;
	p1 =	sgt.s32 s16, $0x3EF  }
0x44: {  	vm1 =	vge.s32 @!p1 v6, v5;
	v7 =	vlaneseq.u32 @!p1;
	v6 =	vxor.u32 @!p1 $0xFFFFFFFF, v6;
	v8, _, _ =	vpop (xrf0)  }
0x45: {  	v7 =	vor.u32 @!p1 s0, v7;
	[tilespmem:s16+$0x18B00] =	vst.msk @!p1 vm1, v6;
	(v2sf) =	vpush v8, $0xF;
	s0 =	smov.u32 s17  }
0x46: {  	[tilespmem:s16+$0x18F80] =	vst.msk @!p1 vm1, v7;
	_ =	sdelay $0x1  }
0x47: {  	s15 =	sadd.s32 $0x10, s15  }
0x48: {  	v6 =	vld [tilespmem:s15+$0x0];
	_ =	sdelay $0x4  }
0x49: {  	vm1 =	vge.s32 v6, v5  }
0x4a: {  	v7 =	vmpcnt.ones.xlane vm1;
	_ =	sdelay $0x1  }
.Ltmp1:
0x4b: {  	v7 =	vxor.u32 $0x80000000, v7;
	(pc) =	sbr.rel @!p0 .LBB2_3-.Ltmp1, $3  }
0x4c: {  	(xrf0) =	vmax.scan.msk.u32 $0xffff, v7;
	_ =	sdelay $0x1  }
0x4d: {  	s17 =	spop (v2sf)  }
0x4e: {  	s16 =	sadd.s32 s17, s16  }
0x4f: {  	_ =	sdelay $0x1  }
0x50: {  	v7, _, _ =	vpop (xrf0)  }
0x51: {  	(v2sf) =	vpush v7, $0xF;
	_ =	sdelay $0xd  }
0x52: {  	s1 =	sadd.s32 $0x80000000, s16  }
0x53: {  	p0 =	sgt.s32 s1, $0x3EF;
	s15 =	spop (v2sf)  }
0x54: {  	vm1 =	vge.s32 @!p0 v6, v5;
	v5 =	vlaneseq.u32 @!p0;
	v6 =	vxor.u32 @!p0 $0xFFFFFFFF, v6;
	s17 =	sadd.s32 s15, s1  }
0x55: {  	v5 =	vor.u32 @!p0 s0, v5;
	[tilespmem:s1+$0x18B00] =	vst.msk @!p0 vm1, v6;
	s0 =	sadd.s32 $0x80000000, s17  }
0x56: {  	[tilespmem:s1+$0x18F80] =	vst.msk @!p0 vm1, v5;
	p0 =	slt.s32 s0, $0x410  }
0x57: {  	v5 =	vimm.s32 @p0 $0xFFFFFFFF  }
0x58: {  	s1 =	sadd.s32 $0x10, s0;
	[tilespmem:s0+$0x18B00] =	vst @p0 v5;
	v5 =	vimm.s32 @p0 $0x0  }
0x59: {  	[tilespmem:s0+$0x18F80] =	vst @p0 v5;
	p0 =	sgt.s32 s1, $0x40F  }
0x5a: {  	s15 =	sadd.s32 $0x20, s0;
	v5 =	vimm.s32 @!p0 $0xFFFFFFFF  }
0x5b: {  	p1 =	sgt.s32 s15, $0x40F;
	[tilespmem:s1+$0x18B00] =	vst @!p0 v5;
	v5 =	vimm.s32 @!p0 $0x0  }
0x5c: {  	s0 =	sadd.s32 $0x30, s0;
	[tilespmem:s1+$0x18F80] =	vst @!p0 v5;
	v5 =	vimm.s32 @!p1 $0xFFFFFFFF  }
0x5d: {  	p0 =	sgt.s32 s0, $0x40F;
	[tilespmem:s15+$0x18B00] =	vst @!p1 v5;
	v5 =	vimm.s32 @!p1 $0x0  }
0x5e: {  	[tilespmem:s15+$0x18F80] =	vst @!p1 v5;
	v5 =	vimm.s32 @!p0 $0xFFFFFFFF  }
0x5f: {  	[tilespmem:s0+$0x18B00] =	vst @!p0 v5;
	v5 =	vimm.s32 @!p0 $0x0  }
0x60: {  	[tilespmem:s0+$0x18F80] =	vst @!p0 v5  }
0x61: {  	[tilespmem:$0x19C00] =	vst v2  }
0x62: {  	s1 =	simm.s32 $0x0;
	s0 =	simm.s32 $0x40;
	[tilespmem:$0x19C10] =	vst v2  }
.LBB2_5:
0x63: {  	p0 =	sne.s32 s0, $0xFC0;
	v5 =	vld [tilespmem:s1+$0x18B00];
	_ =	sdelay $0x4  }
0x64: {  	v5 =	vand.u32 $0x1F, v5  }
0x65: {  	(xrf1) =	vunique.msk.u32 $0xffff, v5;
	_ =	sdelay $0xd  }
0x66: {  	_, v6, vm1 =	vpop (xrf1);
	_ =	sdelay $0x1  }
.Ltmp2:
0x67: {  	(pc) =	sbr.rel @p0 .LBB2_5-.Ltmp2, $2  }
0x68: {  	_ =	sdelay $0x2  }
0x69: {  	s1 =	sshra.s32 s0, $0x2;
	s0 =	sadd.s32 $0x40, s0;
	[tilespmem:v5+s19+$0x0] =	vst.idx.add.s32.msk vm1, v6  }
0x6a: {  	v5 =	vld [tilespmem:s1+$0x18B00];
	_ =	sdelay $0x4  }
0x6b: {  	v5 =	vand.u32 $0x1F, v5  }
0x6c: {  	(xrf1) =	vunique.msk.u32 $0xffff, v5;
	_ =	sdelay $0xd  }
0x6d: {  	_, v6, vm1 =	vpop (xrf1);
	_ =	sdelay $0x5  }
0x6e: {  	[tilespmem:v5+s19+$0x0] =	vst.idx.add.s32.msk vm1, v6  }
0x6f: {  	v5 =	vld [tilespmem:$0x19C00];
	_ =	sdelay $0x4  }
0x70: {  	(xrf0) =	vadd.scan.msk.s32 $0xffff, v5;
	_ =	sdelay $0x5  }
0x71: {  	v6, _, _ =	vpop (xrf0)  }
0x72: {  	v7 =	vxor.u32 $0x80000000, v6  }
0x73: {  	(xrf0) =	vmax.scan.msk.u32 $0xffff, v7;
	_ =	sdelay $0x5  }
0x74: {  	v7, _, _ =	vpop (xrf0)  }
0x75: {  	(v2sf) =	vpush v7, $0xF;
	_ =	sdelay $0x3  }
0x76: {  	v7 =	vld [tilespmem:$0x19C10];
	_ =	sdelay $0x4  }
0x77: {  	(xrf0) =	vadd.scan.msk.s32 $0xffff, v7;
	_ =	sdelay $0x5  }
0x78: {  	v8, _, _ =	vpop (xrf0);
	s0 =	spop (v2sf)  }
0x79: {  	v5 =	vsub.s32 v6, v5;
	v6 =	vsub.s32 v8, v7;
	s0 =	sxor.u32 $0x80000000, s0  }
0x7a: {  	[tilespmem:$0x19C80] =	vst v5;
	v6 =	vadd.s32 s0, v6  }
0x7b: {  	s17 =	simm.s32 $0x0;
	[tilespmem:$0x19C90] =	vst v6  }
0x7c: {  	v5 =	vld [tilespmem:s17+$0x18B00]  }
0x7d: {  	s0 =	simm.s32 $0x40;
	v6 =	vld [tilespmem:s17+$0x18F80]  }
.LBB2_7:
0x7e: {  	p0 =	sne.s32 s0, $0xFC0;
	_ =	sdelay $0x2  }
0x7f: {  	v7 =	vand.u32 $0x1F, v5  }
0x80: {  	(xrf1) =	vunique.msk.u32 $0xffff, v7;
	_ =	sdelay $0x8  }
0x81: {  	v8 =	vld.idx.msk [tilespmem:v7+s20+$0x0], $0xffff;
	_ =	sdelay $0x4  }
0x82: {  	_, v9, vm1 =	vpop (xrf1)  }
0x83: {  	v8 =	vadd.s32 v9, v8  }
0x84: {  	v8 =	vadd.s32 $0xFFFFFFFF, v8;
	_ =	sdelay $0x4  }
.Ltmp3:
0x85: {  	[tilespmem:v8+s21+$0x0] =	vst.idx.msk $0xffff, v5;
	(pc) =	sbr.rel @p0 .LBB2_7-.Ltmp3, $4  }
0x86: {  	[tilespmem:v8+s22+$0x0] =	vst.idx.msk $0xffff, v6  }
0x87: {  	s1 =	sshra.s32 s0, $0x2;
	[tilespmem:v7+s20+$0x0] =	vst.idx.add.s32.msk vm1, v9  }
0x88: {  	v5 =	vld [tilespmem:s1+$0x18B00]  }
0x89: {  	s0 =	sadd.s32 $0x40, s0;
	v6 =	vld [tilespmem:s1+$0x18F80]  }
0x8a: {  	_ =	sdelay $0x2  }
0x8b: {  	v7 =	vand.u32 $0x1F, v5  }
0x8c: {  	(xrf1) =	vunique.msk.u32 $0xffff, v7;
	_ =	sdelay $0x9  }
0x8d: {  	v8 =	vld.idx.msk [tilespmem:v7+s20+$0x0], $0xffff;
	_ =	sdelay $0x3  }
0x8e: {  	_, v9, vm1 =	vpop (xrf1)  }
0x8f: {  	v8 =	vadd.s32 v9, v8  }
0x90: {  	v8 =	vadd.s32 $0xFFFFFFFF, v8;
	_ =	sdelay $0x4  }
0x91: {  	[tilespmem:v8+s21+$0x0] =	vst.idx.msk $0xffff, v5  }
0x92: {  	[tilespmem:v8+s22+$0x0] =	vst.idx.msk $0xffff, v6  }
0x93: {  	[tilespmem:v7+s20+$0x0] =	vst.idx.add.s32.msk vm1, v9  }
0x94: {  	[tilespmem:$0x19C00] =	vst v2  }
0x95: {  	s1 =	simm.s32 $0x0;
	s0 =	simm.s32 $0x40;
	[tilespmem:$0x19C10] =	vst v2  }
.LBB2_9:
0x96: {  	p0 =	sne.s32 s0, $0xFC0;
	v5 =	vld [tilespmem:s1+$0x19400];
	_ =	sdelay $0x4  }
0x97: {  	v5 =	vshrl.u32 v5, $0x5  }
0x98: {  	v5 =	vand.u32 $0x1F, v5  }
0x99: {  	(xrf1) =	vunique.msk.u32 $0xffff, v5;
	_ =	sdelay $0xd  }
0x9a: {  	_, v6, vm1 =	vpop (xrf1);
	_ =	sdelay $0x1  }
.Ltmp4:
0x9b: {  	(pc) =	sbr.rel @p0 .LBB2_9-.Ltmp4, $2  }
0x9c: {  	_ =	sdelay $0x2  }
0x9d: {  	s1 =	sshra.s32 s0, $0x2;
	s0 =	sadd.s32 $0x40, s0;
	[tilespmem:v5+s19+$0x0] =	vst.idx.add.s32.msk vm1, v6  }
0x9e: {  	v5 =	vld [tilespmem:s1+$0x19400];
	_ =	sdelay $0x4  }
0x9f: {  	v5 =	vshrl.u32 v5, $0x5  }
0xa0: {  	v5 =	vand.u32 $0x1F, v5  }
0xa1: {  	(xrf1) =	vunique.msk.u32 $0xffff, v5;
	_ =	sdelay $0xd  }
0xa2: {  	_, v6, vm1 =	vpop (xrf1);
	_ =	sdelay $0x5  }
0xa3: {  	[tilespmem:v5+s19+$0x0] =	vst.idx.add.s32.msk vm1, v6  }
0xa4: {  	v5 =	vld [tilespmem:$0x19C00];
	_ =	sdelay $0x4  }
0xa5: {  	(xrf0) =	vadd.scan.msk.s32 $0xffff, v5;
	_ =	sdelay $0x5  }
0xa6: {  	v6, _, _ =	vpop (xrf0)  }
0xa7: {  	v7 =	vxor.u32 $0x80000000, v6  }
0xa8: {  	(xrf0) =	vmax.scan.msk.u32 $0xffff, v7;
	_ =	sdelay $0x5  }
0xa9: {  	v7, _, _ =	vpop (xrf0)  }
0xaa: {  	(v2sf) =	vpush v7, $0xF;
	_ =	sdelay $0x3  }
0xab: {  	v7 =	vld [tilespmem:$0x19C10];
	_ =	sdelay $0x4  }
0xac: {  	(xrf0) =	vadd.scan.msk.s32 $0xffff, v7;
	_ =	sdelay $0x5  }
0xad: {  	v8, _, _ =	vpop (xrf0);
	s0 =	spop (v2sf)  }
0xae: {  	v5 =	vsub.s32 v6, v5;
	v6 =	vsub.s32 v8, v7;
	s0 =	sxor.u32 $0x80000000, s0  }
0xaf: {  	[tilespmem:$0x19C80] =	vst v5;
	v6 =	vadd.s32 s0, v6  }
0xb0: {  	s17 =	simm.s32 $0x0;
	[tilespmem:$0x19C90] =	vst v6  }
0xb1: {  	v5 =	vld [tilespmem:s17+$0x19400]  }
0xb2: {  	s0 =	simm.s32 $0x40;
	v6 =	vld [tilespmem:s17+$0x19800]  }
.LBB2_11:
0xb3: {  	p0 =	sne.s32 s0, $0xFC0;
	_ =	sdelay $0x2  }
0xb4: {  	v7 =	vshrl.u32 v5, $0x5  }
0xb5: {  	v7 =	vand.u32 $0x1F, v7  }
0xb6: {  	(xrf1) =	vunique.msk.u32 $0xffff, v7;
	_ =	sdelay $0x8  }
0xb7: {  	v8 =	vld.idx.msk [tilespmem:v7+s20+$0x0], $0xffff;
	_ =	sdelay $0x4  }
0xb8: {  	_, v9, vm1 =	vpop (xrf1)  }
0xb9: {  	v8 =	vadd.s32 v9, v8  }
0xba: {  	v8 =	vadd.s32 $0xFFFFFFFF, v8;
	_ =	sdelay $0x4  }
.Ltmp5:
0xbb: {  	[tilespmem:v8+s23+$0x0] =	vst.idx.msk $0xffff, v5;
	(pc) =	sbr.rel @p0 .LBB2_11-.Ltmp5, $4  }
0xbc: {  	[tilespmem:v8+s24+$0x0] =	vst.idx.msk $0xffff, v6  }
0xbd: {  	s1 =	sshra.s32 s0, $0x2;
	[tilespmem:v7+s20+$0x0] =	vst.idx.add.s32.msk vm1, v9  }
0xbe: {  	v5 =	vld [tilespmem:s1+$0x19400]  }
0xbf: {  	s0 =	sadd.s32 $0x40, s0;
	v6 =	vld [tilespmem:s1+$0x19800]  }
0xc0: {  	_ =	sdelay $0x2  }
0xc1: {  	v7 =	vshrl.u32 v5, $0x5  }
0xc2: {  	v7 =	vand.u32 $0x1F, v7  }
0xc3: {  	(xrf1) =	vunique.msk.u32 $0xffff, v7;
	_ =	sdelay $0x9  }
0xc4: {  	v8 =	vld.idx.msk [tilespmem:v7+s20+$0x0], $0xffff;
	_ =	sdelay $0x3  }
0xc5: {  	_, v9, vm1 =	vpop (xrf1)  }
0xc6: {  	v8 =	vadd.s32 v9, v8  }
0xc7: {  	v8 =	vadd.s32 $0xFFFFFFFF, v8;
	_ =	sdelay $0x4  }
0xc8: {  	[tilespmem:v8+s23+$0x0] =	vst.idx.msk $0xffff, v5  }
0xc9: {  	[tilespmem:v8+s24+$0x0] =	vst.idx.msk $0xffff, v6  }
0xca: {  	[tilespmem:v7+s20+$0x0] =	vst.idx.add.s32.msk vm1, v9  }
0xcb: {  	[tilespmem:$0x19C00] =	vst v2  }
0xcc: {  	s1 =	simm.s32 $0x0;
	s0 =	simm.s32 $0x40;
	[tilespmem:$0x19C10] =	vst v2  }
.LBB2_13:
0xcd: {  	p0 =	sne.s32 s0, $0xFC0;
	v5 =	vld [tilespmem:s1+$0x18B00];
	_ =	sdelay $0x4  }
0xce: {  	v5 =	vshrl.u32 v5, $0xA  }
0xcf: {  	v5 =	vand.u32 $0x1F, v5  }
0xd0: {  	(xrf1) =	vunique.msk.u32 $0xffff, v5;
	_ =	sdelay $0xd  }
0xd1: {  	_, v6, vm1 =	vpop (xrf1);
	_ =	sdelay $0x1  }
.Ltmp6:
0xd2: {  	(pc) =	sbr.rel @p0 .LBB2_13-.Ltmp6, $2  }
0xd3: {  	_ =	sdelay $0x2  }
0xd4: {  	s1 =	sshra.s32 s0, $0x2;
	s0 =	sadd.s32 $0x40, s0;
	[tilespmem:v5+s19+$0x0] =	vst.idx.add.s32.msk vm1, v6  }
0xd5: {  	v5 =	vld [tilespmem:s1+$0x18B00];
	_ =	sdelay $0x4  }
0xd6: {  	v5 =	vshrl.u32 v5, $0xA  }
0xd7: {  	v5 =	vand.u32 $0x1F, v5  }
0xd8: {  	(xrf1) =	vunique.msk.u32 $0xffff, v5;
	_ =	sdelay $0xd  }
0xd9: {  	_, v6, vm1 =	vpop (xrf1);
	_ =	sdelay $0x5  }
0xda: {  	[tilespmem:v5+s19+$0x0] =	vst.idx.add.s32.msk vm1, v6  }
0xdb: {  	v5 =	vld [tilespmem:$0x19C00];
	_ =	sdelay $0x4  }
0xdc: {  	(xrf0) =	vadd.scan.msk.s32 $0xffff, v5;
	_ =	sdelay $0x5  }
0xdd: {  	v6, _, _ =	vpop (xrf0)  }
0xde: {  	v7 =	vxor.u32 $0x80000000, v6  }
0xdf: {  	(xrf0) =	vmax.scan.msk.u32 $0xffff, v7;
	_ =	sdelay $0x5  }
0xe0: {  	v7, _, _ =	vpop (xrf0)  }
0xe1: {  	(v2sf) =	vpush v7, $0xF;
	_ =	sdelay $0x3  }
0xe2: {  	v7 =	vld [tilespmem:$0x19C10];
	_ =	sdelay $0x4  }
0xe3: {  	(xrf0) =	vadd.scan.msk.s32 $0xffff, v7;
	_ =	sdelay $0x5  }
0xe4: {  	v8, _, _ =	vpop (xrf0);
	s0 =	spop (v2sf)  }
0xe5: {  	v5 =	vsub.s32 v6, v5;
	v6 =	vsub.s32 v8, v7;
	s0 =	sxor.u32 $0x80000000, s0  }
0xe6: {  	[tilespmem:$0x19C80] =	vst v5;
	v6 =	vadd.s32 s0, v6  }
0xe7: {  	s17 =	simm.s32 $0x0;
	[tilespmem:$0x19C90] =	vst v6  }
0xe8: {  	v5 =	vld [tilespmem:s17+$0x18B00]  }
0xe9: {  	s0 =	simm.s32 $0x40;
	v6 =	vld [tilespmem:s17+$0x18F80]  }
.LBB2_15:
0xea: {  	p0 =	sne.s32 s0, $0xFC0;
	_ =	sdelay $0x2  }
0xeb: {  	v7 =	vshrl.u32 v5, $0xA  }
0xec: {  	v7 =	vand.u32 $0x1F, v7  }
0xed: {  	(xrf1) =	vunique.msk.u32 $0xffff, v7;
	_ =	sdelay $0x8  }
0xee: {  	v8 =	vld.idx.msk [tilespmem:v7+s20+$0x0], $0xffff;
	_ =	sdelay $0x4  }
0xef: {  	_, v9, vm1 =	vpop (xrf1)  }
0xf0: {  	v8 =	vadd.s32 v9, v8  }
0xf1: {  	v8 =	vadd.s32 $0xFFFFFFFF, v8;
	_ =	sdelay $0x4  }
.Ltmp7:
0xf2: {  	[tilespmem:v8+s21+$0x0] =	vst.idx.msk $0xffff, v5;
	(pc) =	sbr.rel @p0 .LBB2_15-.Ltmp7, $4  }
0xf3: {  	[tilespmem:v8+s22+$0x0] =	vst.idx.msk $0xffff, v6  }
0xf4: {  	s1 =	sshra.s32 s0, $0x2;
	[tilespmem:v7+s20+$0x0] =	vst.idx.add.s32.msk vm1, v9  }
0xf5: {  	v5 =	vld [tilespmem:s1+$0x18B00]  }
0xf6: {  	s0 =	sadd.s32 $0x40, s0;
	v6 =	vld [tilespmem:s1+$0x18F80]  }
0xf7: {  	_ =	sdelay $0x2  }
0xf8: {  	v7 =	vshrl.u32 v5, $0xA  }
0xf9: {  	v7 =	vand.u32 $0x1F, v7  }
0xfa: {  	(xrf1) =	vunique.msk.u32 $0xffff, v7;
	_ =	sdelay $0x9  }
0xfb: {  	v8 =	vld.idx.msk [tilespmem:v7+s20+$0x0], $0xffff;
	_ =	sdelay $0x3  }
0xfc: {  	_, v9, vm1 =	vpop (xrf1)  }
0xfd: {  	v8 =	vadd.s32 v9, v8  }
0xfe: {  	v8 =	vadd.s32 $0xFFFFFFFF, v8;
	_ =	sdelay $0x4  }
0xff: {  	[tilespmem:v8+s21+$0x0] =	vst.idx.msk $0xffff, v5  }
0x100: {  	[tilespmem:v8+s22+$0x0] =	vst.idx.msk $0xffff, v6  }
0x101: {  	[tilespmem:v7+s20+$0x0] =	vst.idx.add.s32.msk vm1, v9  }
0x102: {  	[tilespmem:$0x19C00] =	vst v2  }
0x103: {  	s1 =	simm.s32 $0x0;
	s0 =	simm.s32 $0x40;
	[tilespmem:$0x19C10] =	vst v2  }
.LBB2_17:
0x104: {  	p0 =	sne.s32 s0, $0xFC0;
	v5 =	vld [tilespmem:s1+$0x19400];
	_ =	sdelay $0x4  }
0x105: {  	v5 =	vshrl.u32 v5, $0xF  }
0x106: {  	v5 =	vand.u32 $0x1F, v5  }
0x107: {  	(xrf1) =	vunique.msk.u32 $0xffff, v5;
	_ =	sdelay $0xd  }
0x108: {  	_, v6, vm1 =	vpop (xrf1);
	_ =	sdelay $0x1  }
.Ltmp8:
0x109: {  	(pc) =	sbr.rel @p0 .LBB2_17-.Ltmp8, $2  }
0x10a: {  	_ =	sdelay $0x2  }
0x10b: {  	s1 =	sshra.s32 s0, $0x2;
	s0 =	sadd.s32 $0x40, s0;
	[tilespmem:v5+s19+$0x0] =	vst.idx.add.s32.msk vm1, v6  }
0x10c: {  	v5 =	vld [tilespmem:s1+$0x19400];
	_ =	sdelay $0x4  }
0x10d: {  	v5 =	vshrl.u32 v5, $0xF  }
0x10e: {  	v5 =	vand.u32 $0x1F, v5  }
0x10f: {  	(xrf1) =	vunique.msk.u32 $0xffff, v5;
	_ =	sdelay $0xd  }
0x110: {  	_, v6, vm1 =	vpop (xrf1);
	_ =	sdelay $0x5  }
0x111: {  	[tilespmem:v5+s19+$0x0] =	vst.idx.add.s32.msk vm1, v6  }
0x112: {  	v5 =	vld [tilespmem:$0x19C00];
	_ =	sdelay $0x4  }
0x113: {  	(xrf0) =	vadd.scan.msk.s32 $0xffff, v5;
	_ =	sdelay $0x5  }
0x114: {  	v6, _, _ =	vpop (xrf0)  }
0x115: {  	v7 =	vxor.u32 $0x80000000, v6  }
0x116: {  	(xrf0) =	vmax.scan.msk.u32 $0xffff, v7;
	_ =	sdelay $0x5  }
0x117: {  	v7, _, _ =	vpop (xrf0)  }
0x118: {  	(v2sf) =	vpush v7, $0xF;
	_ =	sdelay $0x3  }
0x119: {  	v7 =	vld [tilespmem:$0x19C10];
	_ =	sdelay $0x4  }
0x11a: {  	(xrf0) =	vadd.scan.msk.s32 $0xffff, v7;
	_ =	sdelay $0x5  }
0x11b: {  	v8, _, _ =	vpop (xrf0);
	s0 =	spop (v2sf)  }
0x11c: {  	v5 =	vsub.s32 v6, v5;
	v6 =	vsub.s32 v8, v7;
	s0 =	sxor.u32 $0x80000000, s0  }
0x11d: {  	[tilespmem:$0x19C80] =	vst v5;
	v6 =	vadd.s32 s0, v6  }
0x11e: {  	s17 =	simm.s32 $0x0;
	[tilespmem:$0x19C90] =	vst v6  }
0x11f: {  	v5 =	vld [tilespmem:s17+$0x19400]  }
0x120: {  	s0 =	simm.s32 $0x40;
	v6 =	vld [tilespmem:s17+$0x19800]  }
.LBB2_19:
0x121: {  	p0 =	sne.s32 s0, $0xFC0;
	_ =	sdelay $0x2  }
0x122: {  	v7 =	vshrl.u32 v5, $0xF  }
0x123: {  	v7 =	vand.u32 $0x1F, v7  }
0x124: {  	(xrf1) =	vunique.msk.u32 $0xffff, v7;
	_ =	sdelay $0x8  }
0x125: {  	v8 =	vld.idx.msk [tilespmem:v7+s20+$0x0], $0xffff;
	_ =	sdelay $0x4  }
0x126: {  	_, v9, vm1 =	vpop (xrf1)  }
0x127: {  	v8 =	vadd.s32 v9, v8  }
0x128: {  	v8 =	vadd.s32 $0xFFFFFFFF, v8;
	_ =	sdelay $0x4  }
.Ltmp9:
0x129: {  	[tilespmem:v8+s23+$0x0] =	vst.idx.msk $0xffff, v5;
	(pc) =	sbr.rel @p0 .LBB2_19-.Ltmp9, $4  }
0x12a: {  	[tilespmem:v8+s24+$0x0] =	vst.idx.msk $0xffff, v6  }
0x12b: {  	s1 =	sshra.s32 s0, $0x2;
	[tilespmem:v7+s20+$0x0] =	vst.idx.add.s32.msk vm1, v9  }
0x12c: {  	v5 =	vld [tilespmem:s1+$0x19400]  }
0x12d: {  	s0 =	sadd.s32 $0x40, s0;
	v6 =	vld [tilespmem:s1+$0x19800]  }
0x12e: {  	_ =	sdelay $0x2  }
0x12f: {  	v7 =	vshrl.u32 v5, $0xF  }
0x130: {  	v7 =	vand.u32 $0x1F, v7  }
0x131: {  	(xrf1) =	vunique.msk.u32 $0xffff, v7;
	_ =	sdelay $0x9  }
0x132: {  	v8 =	vld.idx.msk [tilespmem:v7+s20+$0x0], $0xffff;
	_ =	sdelay $0x3  }
0x133: {  	_, v9, vm1 =	vpop (xrf1)  }
0x134: {  	v8 =	vadd.s32 v9, v8  }
0x135: {  	v8 =	vadd.s32 $0xFFFFFFFF, v8;
	_ =	sdelay $0x4  }
0x136: {  	[tilespmem:v8+s23+$0x0] =	vst.idx.msk $0xffff, v5  }
0x137: {  	[tilespmem:v8+s24+$0x0] =	vst.idx.msk $0xffff, v6  }
0x138: {  	[tilespmem:v7+s20+$0x0] =	vst.idx.add.s32.msk vm1, v9  }
0x139: {  	[tilespmem:$0x19C00] =	vst v2  }
0x13a: {  	s1 =	simm.s32 $0x0;
	s0 =	simm.s32 $0x40;
	[tilespmem:$0x19C10] =	vst v2  }
.LBB2_21:
0x13b: {  	p0 =	sne.s32 s0, $0xFC0;
	v5 =	vld [tilespmem:s1+$0x18B00];
	_ =	sdelay $0x4  }
0x13c: {  	v5 =	vshrl.u32 v5, $0x14  }
0x13d: {  	v5 =	vand.u32 $0x1F, v5  }
0x13e: {  	(xrf1) =	vunique.msk.u32 $0xffff, v5;
	_ =	sdelay $0xd  }
0x13f: {  	_, v6, vm1 =	vpop (xrf1);
	_ =	sdelay $0x1  }
.Ltmp10:
0x140: {  	(pc) =	sbr.rel @p0 .LBB2_21-.Ltmp10, $2  }
0x141: {  	_ =	sdelay $0x2  }
0x142: {  	s1 =	sshra.s32 s0, $0x2;
	s0 =	sadd.s32 $0x40, s0;
	[tilespmem:v5+s19+$0x0] =	vst.idx.add.s32.msk vm1, v6  }
0x143: {  	v5 =	vld [tilespmem:s1+$0x18B00];
	_ =	sdelay $0x4  }
0x144: {  	v5 =	vshrl.u32 v5, $0x14  }
0x145: {  	v5 =	vand.u32 $0x1F, v5  }
0x146: {  	(xrf1) =	vunique.msk.u32 $0xffff, v5;
	_ =	sdelay $0xd  }
0x147: {  	_, v6, vm1 =	vpop (xrf1);
	_ =	sdelay $0x5  }
0x148: {  	[tilespmem:v5+s19+$0x0] =	vst.idx.add.s32.msk vm1, v6  }
0x149: {  	v5 =	vld [tilespmem:$0x19C00];
	_ =	sdelay $0x4  }
0x14a: {  	(xrf0) =	vadd.scan.msk.s32 $0xffff, v5;
	_ =	sdelay $0x5  }
0x14b: {  	v6, _, _ =	vpop (xrf0)  }
0x14c: {  	v7 =	vxor.u32 $0x80000000, v6  }
0x14d: {  	(xrf0) =	vmax.scan.msk.u32 $0xffff, v7;
	_ =	sdelay $0x5  }
0x14e: {  	v7, _, _ =	vpop (xrf0)  }
0x14f: {  	(v2sf) =	vpush v7, $0xF;
	_ =	sdelay $0x3  }
0x150: {  	v7 =	vld [tilespmem:$0x19C10];
	_ =	sdelay $0x4  }
0x151: {  	(xrf0) =	vadd.scan.msk.s32 $0xffff, v7;
	_ =	sdelay $0x5  }
0x152: {  	v8, _, _ =	vpop (xrf0);
	s0 =	spop (v2sf)  }
0x153: {  	v5 =	vsub.s32 v6, v5;
	v6 =	vsub.s32 v8, v7;
	s0 =	sxor.u32 $0x80000000, s0  }
0x154: {  	[tilespmem:$0x19C80] =	vst v5;
	v6 =	vadd.s32 s0, v6  }
0x155: {  	s17 =	simm.s32 $0x0;
	[tilespmem:$0x19C90] =	vst v6  }
0x156: {  	v5 =	vld [tilespmem:s17+$0x18B00]  }
0x157: {  	s0 =	simm.s32 $0x40;
	v6 =	vld [tilespmem:s17+$0x18F80]  }
.LBB2_23:
0x158: {  	p0 =	sne.s32 s0, $0xFC0;
	_ =	sdelay $0x2  }
0x159: {  	v7 =	vshrl.u32 v5, $0x14  }
0x15a: {  	v7 =	vand.u32 $0x1F, v7  }
0x15b: {  	(xrf1) =	vunique.msk.u32 $0xffff, v7;
	_ =	sdelay $0x8  }
0x15c: {  	v8 =	vld.idx.msk [tilespmem:v7+s20+$0x0], $0xffff;
	_ =	sdelay $0x4  }
0x15d: {  	_, v9, vm1 =	vpop (xrf1)  }
0x15e: {  	v8 =	vadd.s32 v9, v8  }
0x15f: {  	v8 =	vadd.s32 $0xFFFFFFFF, v8;
	_ =	sdelay $0x4  }
.Ltmp11:
0x160: {  	[tilespmem:v8+s21+$0x0] =	vst.idx.msk $0xffff, v5;
	(pc) =	sbr.rel @p0 .LBB2_23-.Ltmp11, $4  }
0x161: {  	[tilespmem:v8+s22+$0x0] =	vst.idx.msk $0xffff, v6  }
0x162: {  	s1 =	sshra.s32 s0, $0x2;
	[tilespmem:v7+s20+$0x0] =	vst.idx.add.s32.msk vm1, v9  }
0x163: {  	v5 =	vld [tilespmem:s1+$0x18B00]  }
0x164: {  	s0 =	sadd.s32 $0x40, s0;
	v6 =	vld [tilespmem:s1+$0x18F80]  }
0x165: {  	_ =	sdelay $0x2  }
0x166: {  	v7 =	vshrl.u32 v5, $0x14  }
0x167: {  	v7 =	vand.u32 $0x1F, v7  }
0x168: {  	(xrf1) =	vunique.msk.u32 $0xffff, v7;
	_ =	sdelay $0x9  }
0x169: {  	v8 =	vld.idx.msk [tilespmem:v7+s20+$0x0], $0xffff;
	_ =	sdelay $0x3  }
0x16a: {  	_, v9, vm1 =	vpop (xrf1)  }
0x16b: {  	v8 =	vadd.s32 v9, v8  }
0x16c: {  	v8 =	vadd.s32 $0xFFFFFFFF, v8;
	_ =	sdelay $0x4  }
0x16d: {  	[tilespmem:v8+s21+$0x0] =	vst.idx.msk $0xffff, v5  }
0x16e: {  	[tilespmem:v8+s22+$0x0] =	vst.idx.msk $0xffff, v6  }
0x16f: {  	[tilespmem:v7+s20+$0x0] =	vst.idx.add.s32.msk vm1, v9  }
0x170: {  	[tilespmem:$0x19C00] =	vst v2  }
0x171: {  	s1 =	simm.s32 $0x0;
	s0 =	simm.s32 $0x40;
	[tilespmem:$0x19C10] =	vst v2  }
.LBB2_25:
0x172: {  	p0 =	sne.s32 s0, $0xFC0;
	v5 =	vld [tilespmem:s1+$0x19400];
	_ =	sdelay $0x4  }
0x173: {  	v5 =	vshrl.u32 v5, $0x19  }
0x174: {  	v5 =	vand.u32 $0x1F, v5  }
0x175: {  	(xrf1) =	vunique.msk.u32 $0xffff, v5;
	_ =	sdelay $0xd  }
0x176: {  	_, v6, vm1 =	vpop (xrf1);
	_ =	sdelay $0x1  }
.Ltmp12:
0x177: {  	(pc) =	sbr.rel @p0 .LBB2_25-.Ltmp12, $2  }
0x178: {  	_ =	sdelay $0x2  }
0x179: {  	s1 =	sshra.s32 s0, $0x2;
	s0 =	sadd.s32 $0x40, s0;
	[tilespmem:v5+s19+$0x0] =	vst.idx.add.s32.msk vm1, v6  }
0x17a: {  	v5 =	vld [tilespmem:s1+$0x19400];
	_ =	sdelay $0x4  }
0x17b: {  	v5 =	vshrl.u32 v5, $0x19  }
0x17c: {  	v5 =	vand.u32 $0x1F, v5  }
0x17d: {  	(xrf1) =	vunique.msk.u32 $0xffff, v5;
	_ =	sdelay $0xd  }
0x17e: {  	_, v6, vm1 =	vpop (xrf1);
	_ =	sdelay $0x5  }
0x17f: {  	[tilespmem:v5+s19+$0x0] =	vst.idx.add.s32.msk vm1, v6  }
0x180: {  	v5 =	vld [tilespmem:$0x19C00];
	_ =	sdelay $0x4  }
0x181: {  	(xrf0) =	vadd.scan.msk.s32 $0xffff, v5;
	_ =	sdelay $0x5  }
0x182: {  	v6, _, _ =	vpop (xrf0)  }
0x183: {  	v7 =	vxor.u32 $0x80000000, v6  }
0x184: {  	(xrf0) =	vmax.scan.msk.u32 $0xffff, v7;
	_ =	sdelay $0x5  }
0x185: {  	v7, _, _ =	vpop (xrf0)  }
0x186: {  	(v2sf) =	vpush v7, $0xF;
	_ =	sdelay $0x3  }
0x187: {  	v7 =	vld [tilespmem:$0x19C10];
	_ =	sdelay $0x4  }
0x188: {  	(xrf0) =	vadd.scan.msk.s32 $0xffff, v7;
	_ =	sdelay $0x5  }
0x189: {  	v8, _, _ =	vpop (xrf0);
	s0 =	spop (v2sf)  }
0x18a: {  	v5 =	vsub.s32 v6, v5;
	v6 =	vsub.s32 v8, v7;
	s0 =	sxor.u32 $0x80000000, s0  }
0x18b: {  	[tilespmem:$0x19C80] =	vst v5;
	v6 =	vadd.s32 s0, v6  }
0x18c: {  	s0 =	simm.s32 $0x0;
	[tilespmem:$0x19C90] =	vst v6  }
0x18d: {  	v5 =	vld [tilespmem:s0+$0x19400]  }
0x18e: {  	s1 =	simm.s32 $0x40;
	v6 =	vld [tilespmem:s0+$0x19800]  }
.LBB2_27:
0x18f: {  	p0 =	sne.s32 s1, $0xFC0;
	_ =	sdelay $0x2  }
0x190: {  	v7 =	vshrl.u32 v5, $0x19  }
0x191: {  	v7 =	vand.u32 $0x1F, v7  }
0x192: {  	(xrf1) =	vunique.msk.u32 $0xffff, v7;
	_ =	sdelay $0x8  }
0x193: {  	v8 =	vld.idx.msk [tilespmem:v7+s20+$0x0], $0xffff;
	_ =	sdelay $0x4  }
0x194: {  	_, v9, vm1 =	vpop (xrf1)  }
0x195: {  	v8 =	vadd.s32 v9, v8  }
0x196: {  	v8 =	vadd.s32 $0xFFFFFFFF, v8;
	_ =	sdelay $0x4  }
.Ltmp13:
0x197: {  	[tilespmem:v8+s23+$0x0] =	vst.idx.msk $0xffff, v5;
	(pc) =	sbr.rel @p0 .LBB2_27-.Ltmp13, $4  }
0x198: {  	[tilespmem:v8+s24+$0x0] =	vst.idx.msk $0xffff, v6  }
0x199: {  	s15 =	sshra.s32 s1, $0x2;
	[tilespmem:v7+s20+$0x0] =	vst.idx.add.s32.msk vm1, v9  }
0x19a: {  	v5 =	vld [tilespmem:s15+$0x19400]  }
0x19b: {  	s1 =	sadd.s32 $0x40, s1;
	v6 =	vld [tilespmem:s15+$0x19800]  }
0x19c: {  	_ =	sdelay $0x2  }
0x19d: {  	v7 =	vshrl.u32 v5, $0x19  }
0x19e: {  	v7 =	vand.u32 $0x1F, v7  }
0x19f: {  	(xrf1) =	vunique.msk.u32 $0xffff, v7;
	_ =	sdelay $0x9  }
0x1a0: {  	v8 =	vld.idx.msk [tilespmem:v7+s20+$0x0], $0xffff;
	_ =	sdelay $0x3  }
0x1a1: {  	_, v9, vm1 =	vpop (xrf1)  }
0x1a2: {  	v8 =	vadd.s32 v9, v8  }
0x1a3: {  	v8 =	vadd.s32 $0xFFFFFFFF, v8;
	_ =	sdelay $0x4  }
0x1a4: {  	[tilespmem:v8+s23+$0x0] =	vst.idx.msk $0xffff, v5  }
0x1a5: {  	[tilespmem:v8+s24+$0x0] =	vst.idx.msk $0xffff, v6  }
0x1a6: {  	[tilespmem:v7+s20+$0x0] =	vst.idx.add.s32.msk vm1, v9  }
0x1a7: {  	v5 =	vld [tilespmem:s0+$0x18F80]  }
0x1a8: {  	v6 =	vld [tilespmem:s0+$0x18B00]  }
0x1a9: {  	s1 =	simm.s32 $0x40  }
.LBB2_29:
0x1aa: {  	p0 =	sne.s32 s1, $0xFC0  }
.Ltmp14:
0x1ab: {  	_ = 	snop;
	(pc) =	sbr.rel @p0 .LBB2_29-.Ltmp14, $4  }
0x1ac: {  	s15 =	sshra.s32 s1, $0x2;
	vm1 =	vgt.s32 v5, $0x4FFF  }
0x1ad: {  	v7 =	vmov v5;
	v5 =	vld [tilespmem:s15+$0x18F80];
	v8 =	vxor.u32 $0xFFFFFFFF, v6;
	v9 =	vsel vm1, $0xFFFFFE20, v2  }
0x1ae: {  	v6 =	vld [tilespmem:s15+$0x18B00];
	[tilespmem:s0+$0x1A100] =	vst v8;
	v7 =	vadd.s32 v7, v9  }
0x1af: {  	s1 =	sadd.s32 $0x40, s1;
	[tilespmem:s0+$0x19D00] =	vst v7;
	s0 =	smov.u32 s15  }
0x1b0: {  	_ =	sdelay $0x1  }
0x1b1: {  	vm1 =	vgt.s32 v5, $0x4FFF  }
0x1b2: {  	v6 =	vxor.u32 $0xFFFFFFFF, v6;
	v7 =	vsel vm1, $0xFFFFFE20, v2  }
0x1b3: {  	[tilespmem:s0+$0x1A100] =	vst v6;
	v5 =	vadd.s32 v5, v7  }
0x1b4: {  	[tilespmem:s0+$0x19D00] =	vst v5  }
0x1b5: {  	v6 =	vld [tilespmem:$0x5230]  }
0x1b6: {  	v5 =	vld [tilespmem:$0x51B0]  }
0x1b7: {  	v8 =	vld [tilespmem:$0x5220]  }
0x1b8: {  	v7 =	vld [tilespmem:$0x51A0]  }
0x1b9: {  	v9 =	vld [tilespmem:$0x5210]  }
0x1ba: {  	v10 =	vld [tilespmem:$0x5190];
	vm1 =	veq.s32 v6, $0x1  }
0x1bb: {  	v6 =	vld [tilespmem:$0x5200];
	v5 =	vnsel vm1, $0x0, v5  }
0x1bc: {  	vm2 =	veq.s32 v8, $0x1;
	v8 =	vld [tilespmem:$0x5180];
	vm1 =	vne.s32 v5, $0x0  }
0x1bd: {  	v7 =	vnsel vm2, $0x0, v7;
	v11 =	vmctz.xlane vm1  }
0x1be: {  	vm2 =	vne.s32 v7, $0x0;
	vm1 =	veq.s32 v9, $0x1  }
0x1bf: {  	v9 =	vnsel vm1, $0x0, v10;
	v10 =	vmctz.xlane vm2;
	vm1 =	vlt.s32 v11, $0xF  }
0x1c0: {  	s16 =	simm.s32 $0x0;
	vm2 =	vne.s32 v9, $0x0;
	v12 =	vnsel vm1, $0xF, v11;
	vm1 =	veq.s32 v6, $0x1  }
0x1c1: {  	v13 =	vmctz.xlane vm2;
	v6 =	vnsel vm1, $0x0, v8;
	v8 =	vor.u32 s16, v3  }
0x1c2: {  	vm2 =	vlt.s32 v10, $0xF;
	v15 =	vmulhi.u32 $0xAAAAAAAB, v8  }
0x1c3: {  	v14 =	vnsel vm2, $0xF, v10;
	vm1 =	vne.s32 v6, $0x0;
	vm2 =	vlt.s32 v13, $0xF  }
0x1c4: {  	[tilespmem:$0x1BD00] =	vst v5;
	v16 =	vmctz.xlane vm1;
	v5 =	vnsel vm2, $0xF, v13;
	v15 =	vshrl.u32 v15, $0x2  }
0x1c5: {  	v17 =	vmul.u32 $0xFFFFFFFA, v15  }
0x1c6: {  	v18 =	vmov s16;
	v19 =	vsub.s32 $0x0, v8;
	vm1 =	vlt.s32 v16, $0xF  }
0x1c7: {  	v12 =	vld.idx.msk [tilespmem:v12+s25+$0x0], $0xffff;
	[tilespmem:$0x1BD00] =	vst v7;
	v7 =	vnsel vm1, $0xF, v16;
	vm1 =	veq.s32 v18, v3;
	vm2 =	vne.s32 v17, v19  }
0x1c8: {  	v14 =	vld.idx.msk [tilespmem:v14+s25+$0x0], $0xffff;
	[tilespmem:$0x1BD00] =	vst v9;
	vm1 =	vmand vm1, vm2  }
0x1c9: {  	v57 =	vld.idx.msk [tilespmem:v5+s25+$0x0], $0xffff;
	v5 =	vsel vm1, $0xFFFFFFFF, v2  }
0x1ca: {  	v15 =	vadd.s32 v5, v15  }
0x1cb: {  	[tilespmem:$0x1BD00] =	vst v6  }
0x1cc: {  	v7 =	vld.idx.msk [tilespmem:v7+s25+$0x0], $0xffff;
	_ =	swait.ge [sflag:s26], $0x13880  }
0x1cd: {  	[sflag:s26] =	ssyncset.done $0x0  }
0x1ce: {  	[sflag:s26] =	ssyncadd.s32 $0xFFFEC780  }
0x1cf: {  	v6 =	vld.idx.msk [tilespmem:v15+s29+$0x0], $0xffff;
	_ =	sdelay $0x3  }
0x1d0: {  	v5 =	vand.u32 $0x1, v3  }
0x1d1: {  	v9 =	vshll.u32 v6, $0x2;
	v6 =	vor.u32 $0x2, v5  }
0x1d2: {  	v58 =	vor.u32 v6, v9;
	_ =	sdelay $0x1  }
0x1d3: {  	v59 =	vor.u32 v5, v9;
	_ =	sdelay $0x1  }
0x1d4: {  	s17 =	simm.s32 $0x10  }
0x1d5: {  	v20 =	vmul.u32 $0xFFFFFFFA, v15;
	v9 =	vor.u32 s17, v3;
	v18 =	vld.idx.msk [tilespmem:v58+s14+$0x0], $0xffff  }
0x1d6: {  	vm1 =	vlt.s32 v11, $0x10;
	v11 =	vld.idx.msk [tilespmem:v0+s18+$0x0], $0xffff;
	v21 =	vmulhi.u32 $0xAAAAAAAB, v9  }
0x1d7: {  	v12 =	vnsel vm1, $0x0, v12;
	vm1 =	vlt.s32 v10, $0x10;
	v60 =	vadd.s32 v8, v20;
	v10 =	vld.idx.msk [tilespmem:v59+s14+$0x0], $0xffff  }
0x1d8: {  	v8 =	vsel vm1, v14, v12;
	v12 =	vld.idx.msk [tilespmem:v1+s18+$0x0], $0xffff;
	vm1 =	vlt.s32 v60, $0x4;
	v14 =	vshrl.u32 v21, $0x2  }
0x1d9: {  	vm2 =	vlt.s32 v13, $0x10;
	v61 =	vsel vm1, $0xBF000000, v4;
	v13 =	vmul.u32 $0xFFFFFFFA, v14  }
0x1da: {  	v62 =	vmov s17;
	v63 =	vsub.s32 $0x0, v9;
	v18 =	vmul.f32 v18, v61  }
0x1db: {  	v8 =	vsel vm2, v57, v8;
	vm2 =	veq.s32 v62, v3;
	vm1 =	vne.s32 v13, v63  }
0x1dc: {  	v13 =	vld.idx.msk [tilespmem:v15+s28+$0x0], $0xffff;
	vm1 =	vmand vm2, vm1;
	vm2 =	vlt.s32 v16, $0x10;
	v15 =	vadd.f32 v18, v10  }
0x1dd: {  	v7 =	vsel vm2, v7, v8;
	v8 =	vsel vm0, v12, v11;
	v10 =	vsel vm1, $0xFFFFFFFF, v2  }
0x1de: {  	v7 =	vcvt.s32.f32 v7;
	v10 =	vadd.s32 v10, v14;
	v11 =	vmul.f32 v15, v8  }
0x1df: {  	vm1 =	veq.s32 v60, $0x1  }
0x1e0: {  	vm2 =	veq.s32 v60, $0x0;
	v11 =	vsel vm1, v7, v11  }
0x1e1: {  	s0 =	simm.s32 $0x1A500;
	v11 =	vsel vm2, v13, v11  }
0x1e2: {  	[tilespmem:s0+$0x0] =	vst v11  }
0x1e3: {  	v11 =	vld.idx.msk [tilespmem:v10+s29+$0x0], $0xffff;
	_ =	sdelay $0x4  }
0x1e4: {  	v11 =	vshll.u32 v11, $0x2  }
0x1e5: {  	v12 =	vor.u32 v6, v11  }
0x1e6: {  	v13 =	vor.u32 v5, v11;
	_ =	sdelay $0x2  }
0x1e7: {  	s1 =	simm.s32 $0x20  }
0x1e8: {  	s15 =	simm.s32 $0x30;
	v14 =	vmul.u32 $0xFFFFFFFA, v10;
	v11 =	vor.u32 s1, v3;
	v12 =	vld.idx.msk [tilespmem:v12+s14+$0x0], $0xffff  }
.LBB2_31:
0x1e9: {  	p0 =	sne.s32 s15, $0x1760;
	v15 =	vmulhi.u32 $0xAAAAAAAB, v11;
	v13 =	vld.idx.msk [tilespmem:v13+s14+$0x0], $0xffff  }
0x1ea: {  	v14 =	vadd.s32 v9, v14;
	v9 =	vmov v11  }
0x1eb: {  	v11 =	vshrl.u32 v15, $0x2;
	vm1 =	vlt.s32 v14, $0x4  }
0x1ec: {  	v15 =	vmul.u32 $0xFFFFFFFA, v11;
	v16 =	vsel vm1, $0xBF000000, v4  }
0x1ed: {  	v17 =	vmov s1;
	s1 =	smov.u32 s15;
	v18 =	vsub.s32 $0x0, v9;
	v12 =	vmul.f32 v12, v16  }
0x1ee: {  	vm1 =	veq.s32 v17, v3;
	vm2 =	vne.s32 v15, v18;
	v15 =	vld.idx.msk [tilespmem:v10+s28+$0x0], $0xffff  }
0x1ef: {  	vm1 =	vmand vm1, vm2;
	v12 =	vadd.f32 v12, v13  }
0x1f0: {  	v10 =	vsel vm1, $0xFFFFFFFF, v2  }
0x1f1: {  	v10 =	vadd.s32 v10, v11;
	v11 =	vmul.f32 v12, v8  }
0x1f2: {  	vm1 =	veq.s32 v14, $0x1  }
0x1f3: {  	vm2 =	veq.s32 v14, $0x0;
	v11 =	vsel vm1, v7, v11  }
0x1f4: {  	s0 =	sadd.s32 $0x10, s0;
	v11 =	vsel vm2, v15, v11  }
0x1f5: {  	[tilespmem:s0+$0x0] =	vst v11  }
0x1f6: {  	v11 =	vld.idx.msk [tilespmem:v10+s29+$0x0], $0xffff;
	_ =	sdelay $0x5  }
0x1f7: {  	v11 =	vshll.u32 v11, $0x2  }
0x1f8: {  	v12 =	vor.u32 v6, v11;
	_ =	sdelay $0x1  }
.Ltmp15:
0x1f9: {  	v13 =	vor.u32 v5, v11;
	(pc) =	sbr.rel @p0 .LBB2_31-.Ltmp15, $3  }
0x1fa: {  	_ =	sdelay $0x1  }
0x1fb: {  	v12 =	vld.idx.msk [tilespmem:v12+s14+$0x0], $0xffff  }
0x1fc: {  	s15 =	sadd.s32 $0x10, s15;
	v14 =	vmul.u32 $0xFFFFFFFA, v10;
	v11 =	vor.u32 s1, v3  }
0x1fd: {  	_ =	sdelay $0x2  }
0x1fe: {  	v15 =	vmulhi.u32 $0xAAAAAAAB, v11  }
0x1ff: {  	v13 =	vld.idx.msk [tilespmem:v13+s14+$0x0], $0xffff;
	v9 =	vadd.s32 v9, v14  }
0x200: {  	v58 =	vshrl.u32 v15, $0x2;
	vm1 =	vlt.s32 v9, $0x4  }
0x201: {  	v15 =	vmul.u32 $0xFFFFFFFA, v58;
	v16 =	vsel vm1, $0xBF000000, v4  }
0x202: {  	v17 =	vmov s1;
	v18 =	vsub.s32 $0x0, v11;
	v12 =	vmul.f32 v12, v16  }
0x203: {  	vm1 =	veq.s32 v17, v3;
	vm2 =	vne.s32 v15, v18  }
0x204: {  	v10 =	vld.idx.msk [tilespmem:v10+s28+$0x0], $0xffff;
	vm1 =	vmand vm1, vm2;
	v12 =	vadd.f32 v12, v13  }
0x205: {  	v59 =	vsel vm1, $0xFFFFFFFF, v2  }
0x206: {  	v13 =	vadd.s32 v59, v58;
	v12 =	vmul.f32 v12, v8  }
0x207: {  	vm1 =	veq.s32 v9, $0x1  }
0x208: {  	vm2 =	veq.s32 v9, $0x0;
	v60 =	vsel vm1, v7, v12  }
0x209: {  	s0 =	sadd.s32 $0x10, s0;
	v9 =	vsel vm2, v10, v60  }
0x20a: {  	[tilespmem:s0+$0x0] =	vst v9  }
0x20b: {  	v9 =	vld.idx.msk [tilespmem:v13+s29+$0x0], $0xffff;
	_ =	sdelay $0x4  }
0x20c: {  	v9 =	vshll.u32 v9, $0x2  }
0x20d: {  	v6 =	vor.u32 v6, v9;
	_ =	sdelay $0x1  }
0x20e: {  	v5 =	vor.u32 v5, v9;
	_ =	sdelay $0x2  }
0x20f: {  	v61 =	vmul.u32 $0xFFFFFFFA, v13;
	v6 =	vld.idx.msk [tilespmem:v6+s14+$0x0], $0xffff;
	_ =	sdelay $0x1  }
0x210: {  	v9 =	vadd.s32 v11, v61;
	v5 =	vld.idx.msk [tilespmem:v5+s14+$0x0], $0xffff  }
0x211: {  	vm1 =	vlt.s32 v9, $0x4  }
0x212: {  	v62 =	vsel vm1, $0xBF000000, v4  }
0x213: {  	v6 =	vmul.f32 v6, v62;
	_ =	sdelay $0x1  }
0x214: {  	v63 =	vld.idx.msk [tilespmem:v13+s28+$0x0], $0xffff;
	v5 =	vadd.f32 v6, v5;
	_ =	sdelay $0x1  }
0x215: {  	v5 =	vmul.f32 v5, v8  }
0x216: {  	vm1 =	veq.s32 v9, $0x1  }
0x217: {  	s31 =	sadd.s32 $0x1, s31;
	vm2 =	veq.s32 v9, $0x0;
	v5 =	vsel vm1, v7, v5  }
0x218: {  	p0 =	sne.s32 s31, s10;
	s0 =	sadd.s32 $0x10, s0;
	v5 =	vsel vm2, v63, v5  }
.Ltmp16:
0x219: {  	[tilespmem:s0+$0x0] =	vst v5;
	(pc) =	sbr.rel @p0 .LBB2_2-.Ltmp16, $4  }
0x21a: {  	[hbm4b:s8+s2] =	stream.linear.scatter [tilespmem:s30], [sflag:$0x2], $0x1770, $0x38;
	[tilespmem:$0x1BD80] =	vst v63  }
0x21b: {  	_ =	swait.ge [sflag:s13], $0x1770  }
0x21c: {  	[sflag:s13] =	ssyncset.done $0x0  }
0x21d: {  	[sflag:s13] =	ssyncadd.s32 $0xFFFFE890  }
.LBB2_33:
0x21e: {  	_ =	sfence.sel $0x180000  }
0x21f: {  	[bflag:$0x0] =	sbarrier.arrive $0xFFFF  }
0x220: {  	_ =	strace $0x90000047  }
0x221: {  	s0 =	stileid.u32;
	[bflag:$0x2] =	sbarrier.arrive $0xFFFF  }
0x222: {  	p0 =	sne.s32 s0, $0x0;
	s0 =	rddreg [dreg:$0x2]  }
0x223: {  	s0 =	sadd.s32 @!p0 $0x100000, s0  }
0x224: {  	[sflag:s0] =	ssyncadd.tile.s32 @!p0 $0x1;
	_ =	shalt  }
.Lfunc_end2:
_tile_overlayer_lowered:
.L_overlay_start_2:
0x225: {  	(tag) =	ssettag $0x2  }
0x226: {  	s0 =	rddreg [dreg:$0x0];
	s2 =	stileid.u32  }
0x227: {  	s1 =	rddreg [dreg:$0x1];
	p0 =	sne.s32 s2, $0x0  }
0x228: {  	s3 =	rddreg [dreg:$0x2];
	[bflag:$0x3] =	sbarrier.arrive $0xFFFF;
	s2 =	simm.s32 @!p0 $0x1C02  }
0x229: {  	[timem:s3], [sflag:s2] =	dma.local @!p0 [hbm:s0], s1  }
0x22a: {  	s0 =	simm.s32 @!p0 $0x2  }
0x22b: {  	_ =	swait.ge @!p0 [sflag:s0], s1  }
0x22c: {  	s1 =	ssub.s32 @!p0 $0x0, s1;
	[sflag:s0] =	ssyncset.done @!p0 $0x0  }
0x22d: {  	[sflag:s0] =	ssyncadd.s32 @!p0 s1  }
0x22e: {  	[bflag:$0x3] =	sbarrier.arrive $0xFFFF  }
0x22f: {  	_ =	shalt  }

</sc_bundles>
